<compile_context>
chip_gen: v7x
topology: tpu7x:2x2x1
jax: 0.10.2.dev20260603
libtpu: 0.0.44.dev20260713+nightly
codegen_flags: <defaults>
</compile_context>

<pallas_src>
import functools

import jax
import jax.numpy as jnp
from jax import lax
from jax.experimental import pallas as pl
from jax.experimental.pallas import tpu as pltpu
from jax.experimental.pallas import tpu_sc as plsc


def kernel(img, index_flat_inv):
    B, T, C = img.shape
    idx = index_flat_inv.astype(jnp.int32)

    info = plsc.get_sparse_core_info()
    NC, NS = info.num_cores, info.num_subcores
    NW = NC * NS
    assert B == NW

    CH = 32
    NBUF = 4
    n_ch = T // CH
    idx2 = idx.reshape(n_ch, CH)

    mesh = plsc.VectorSubcoreMesh(core_axis_name="c", subcore_axis_name="s")

    @functools.partial(
        pl.kernel,
        mesh=mesh,
        out_type=jax.ShapeDtypeStruct((B, T, C), jnp.float32),
        scratch_types=(
            [pltpu.VMEM((n_ch, CH), jnp.int32)]
            + [pltpu.VMEM((CH, C), jnp.float32)] * NBUF
            + [pltpu.SemaphoreType.DMA] * (2 * NBUF)
        ),
    )
    def k(img_hbm, idx_hbm, out_hbm, perm_v, *rest):
        bufs = rest[:NBUF]
        rsems = rest[NBUF:2 * NBUF]
        wsems = rest[2 * NBUF:]
        wid = lax.axis_index("s") * NC + lax.axis_index("c")
        rd = [None] * NBUF
        wr = [None] * NBUF
        for j in range(NBUF - 1):
            rd[j] = pltpu.async_copy(
                img_hbm.at[wid, pl.ds(j * CH, CH)], bufs[j], rsems[j])
        pltpu.sync_copy(idx_hbm, perm_v)
        for j in range(n_ch):
            cur = j % NBUF
            nj = j + NBUF - 1
            if nj < n_ch:
                b = nj % NBUF
                if wr[b] is not None:
                    wr[b].wait()
                    wr[b] = None
                rd[b] = pltpu.async_copy(
                    img_hbm.at[wid, pl.ds(nj * CH, CH)], bufs[b], rsems[b])
            rd[cur].wait()
            wr[cur] = pltpu.async_copy(
                bufs[cur], out_hbm.at[wid].at[perm_v.at[j]], wsems[cur])
        for w in wr:
            if w is not None:
                w.wait()

    return k(img, idx2)

# --- scband reference (transcript-rebuilt; emitter-appended) ---
"""Pipeline reference for scband-loc-ed-31078383354501 (READ-ONLY COPY).

The authoritative reference and input builder live on the scoring server;
editing this copy changes nothing except your own understanding.
"""

import jax, jax.numpy as jnp
import numpy as np


def _scan_inverse_index(size: int) -> np.ndarray:
    # Reproduce LocED 'scan' (boustrophedon) ordering and its inverse permutation.
    indexes = np.arange(size * size).reshape(size, size)
    for i in np.arange(1, size, step=2):
        indexes[i, :] = indexes[i, :][::-1]
    locs_flat = indexes.reshape(-1)
    locs_flat_inv = np.argsort(locs_flat)
    return locs_flat_inv.astype(np.int64)


def setup_inputs(seed: int = 0) -> dict:
    key = jax.random.key(seed)
    size = 32
    batch, tokens, channels = 32, size * size, 768
    img = jax.random.normal(key, (batch, tokens, channels), dtype=jnp.float32)
    index_flat_inv = jnp.asarray(_scan_inverse_index(size))  # int64 [1024]
    return {"img": img, "index_flat_inv": index_flat_inv}


def reference(img, index_flat_inv):
    # torch: zeros.scatter_(1, index_flat_inv.expand(img.shape), img)
    # i.e. out[b, index_flat_inv[t], c] = img[b, t, c]
    out = jnp.zeros_like(img)
    out = out.at[:, index_flat_inv, :].set(img)
    return out

if __name__ == "__main__":
    import jax
    _d = setup_inputs()
    print(jax.jit(kernel)(*tuple(_d.values())))

</pallas_src>

<mosaic_0001>
#map = affine_map<(d0, d1) -> (0, 0, 0)>
#map1 = affine_map<(d0, d1) -> (0, 0)>
module attributes {stable_mosaic.version = 14 : i64} {
  func.func @k(%arg0: i32, %arg1: i32, %arg2: memref<32x1024x768xf32, #tpu.memory_space<hbm>>, %arg3: memref<32x32xi32, #tpu.memory_space<hbm>>, %arg4: memref<32x1024x768xf32, #tpu.memory_space<hbm>>, %arg5: memref<32x32xi32, #tpu.memory_space<vmem>>, %arg6: memref<32x768xf32, #tpu.memory_space<vmem>>, %arg7: memref<32x768xf32, #tpu.memory_space<vmem>>, %arg8: memref<32x768xf32, #tpu.memory_space<vmem>>, %arg9: memref<32x768xf32, #tpu.memory_space<vmem>>, %arg10: memref<!tpu.dma_semaphore, #tpu.memory_space<semaphore_mem>>, %arg11: memref<!tpu.dma_semaphore, #tpu.memory_space<semaphore_mem>>, %arg12: memref<!tpu.dma_semaphore, #tpu.memory_space<semaphore_mem>>, %arg13: memref<!tpu.dma_semaphore, #tpu.memory_space<semaphore_mem>>, %arg14: memref<!tpu.dma_semaphore, #tpu.memory_space<semaphore_mem>>, %arg15: memref<!tpu.dma_semaphore, #tpu.memory_space<semaphore_mem>>, %arg16: memref<!tpu.dma_semaphore, #tpu.memory_space<semaphore_mem>>, %arg17: memref<!tpu.dma_semaphore, #tpu.memory_space<semaphore_mem>>) attributes {dimension_semantics = [#tpu.dimension_semantics<core_parallel>, #tpu.dimension_semantics<subcore_parallel>], iteration_bounds = array<i64: 2, 16>, scalar_prefetch = 0 : i64, scratch_operands = 13 : i64, tpu.core_type = #tpu.core_type<sc_vector_subcore>, window_params = [{transform_indices = #map}, {transform_indices = #map1}, {transform_indices = #map}]} {
    %mul3A = arith.constant 2 : i32
    %mul3A_0 = arith.muli %arg1, %mul3A : i32
    %add3A = arith.addi %mul3A_0, %arg0 : i32
    %dma_start3A = arith.constant 0 : i32
    %dma_start3A_1 = arith.constant 0 : i32
    %dma_start3A_2 = tpu.memref_slice %arg2[%add3A, %dma_start3A, %dma_start3A_1] : memref<32x1024x768xf32, #tpu.memory_space<hbm>> -> memref<1x32x768xf32, #tpu.memory_space<hbm>>
    %dma_start3A_3 = tpu.memref_squeeze %dma_start3A_2 : memref<1x32x768xf32, #tpu.memory_space<hbm>> -> memref<32x768xf32, #tpu.memory_space<hbm>>
    %dma_start3A_4 = arith.constant 0 : i32
    %dma_start3A_5 = arith.constant 0 : i32
    %dma_start3A_6 = tpu.memref_slice %arg2[%add3A, %dma_start3A_4, %dma_start3A_5] : memref<32x1024x768xf32, #tpu.memory_space<hbm>> -> memref<1x32x768xf32, #tpu.memory_space<hbm>>
    %dma_start3A_7 = tpu.memref_squeeze %dma_start3A_6 : memref<1x32x768xf32, #tpu.memory_space<hbm>> -> memref<32x768xf32, #tpu.memory_space<hbm>>
    tpu.enqueue_dma source(%dma_start3A_7 : memref<32x768xf32, #tpu.memory_space<hbm>>) target(%arg6 : memref<32x768xf32, #tpu.memory_space<vmem>>) target_semaphore(%arg10 : memref<!tpu.dma_semaphore, #tpu.memory_space<semaphore_mem>>)
    %dma_start3A_8 = arith.constant 32 : i32
    %dma_start3A_9 = arith.constant 0 : i32
    %dma_start3A_10 = tpu.memref_slice %arg2[%add3A, %dma_start3A_8, %dma_start3A_9] : memref<32x1024x768xf32, #tpu.memory_space<hbm>> -> memref<1x32x768xf32, #tpu.memory_space<hbm>>
    %dma_start3A_11 = tpu.memref_squeeze %dma_start3A_10 : memref<1x32x768xf32, #tpu.memory_space<hbm>> -> memref<32x768xf32, #tpu.memory_space<hbm>>
    %dma_start3A_12 = arith.constant 32 : i32
    %dma_start3A_13 = arith.constant 0 : i32
    %dma_start3A_14 = tpu.memref_slice %arg2[%add3A, %dma_start3A_12, %dma_start3A_13] : memref<32x1024x768xf32, #tpu.memory_space<hbm>> -> memref<1x32x768xf32, #tpu.memory_space<hbm>>
    %dma_start3A_15 = tpu.memref_squeeze %dma_start3A_14 : memref<1x32x768xf32, #tpu.memory_space<hbm>> -> memref<32x768xf32, #tpu.memory_space<hbm>>
    tpu.enqueue_dma source(%dma_start3A_15 : memref<32x768xf32, #tpu.memory_space<hbm>>) target(%arg7 : memref<32x768xf32, #tpu.memory_space<vmem>>) target_semaphore(%arg11 : memref<!tpu.dma_semaphore, #tpu.memory_space<semaphore_mem>>)
    %dma_start3A_16 = arith.constant 64 : i32
    %dma_start3A_17 = arith.constant 0 : i32
    %dma_start3A_18 = tpu.memref_slice %arg2[%add3A, %dma_start3A_16, %dma_start3A_17] : memref<32x1024x768xf32, #tpu.memory_space<hbm>> -> memref<1x32x768xf32, #tpu.memory_space<hbm>>
    %dma_start3A_19 = tpu.memref_squeeze %dma_start3A_18 : memref<1x32x768xf32, #tpu.memory_space<hbm>> -> memref<32x768xf32, #tpu.memory_space<hbm>>
    %dma_start3A_20 = arith.constant 64 : i32
    %dma_start3A_21 = arith.constant 0 : i32
    %dma_start3A_22 = tpu.memref_slice %arg2[%add3A, %dma_start3A_20, %dma_start3A_21] : memref<32x1024x768xf32, #tpu.memory_space<hbm>> -> memref<1x32x768xf32, #tpu.memory_space<hbm>>
    %dma_start3A_23 = tpu.memref_squeeze %dma_start3A_22 : memref<1x32x768xf32, #tpu.memory_space<hbm>> -> memref<32x768xf32, #tpu.memory_space<hbm>>
    tpu.enqueue_dma source(%dma_start3A_23 : memref<32x768xf32, #tpu.memory_space<hbm>>) target(%arg8 : memref<32x768xf32, #tpu.memory_space<vmem>>) target_semaphore(%arg12 : memref<!tpu.dma_semaphore, #tpu.memory_space<semaphore_mem>>)
    "tpu.region"() ({
      %run_scoped3A = tpu.sem_alloc : memref<!tpu.dma_semaphore, #tpu.memory_space<semaphore_mem>>
      tpu.enqueue_dma source(%arg3 : memref<32x32xi32, #tpu.memory_space<hbm>>) target(%arg5 : memref<32x32xi32, #tpu.memory_space<vmem>>) target_semaphore(%run_scoped3A : memref<!tpu.dma_semaphore, #tpu.memory_space<semaphore_mem>>)
      tpu.wait_dma2 semaphore(%run_scoped3A : memref<!tpu.dma_semaphore, #tpu.memory_space<semaphore_mem>>) src(%arg3 : memref<32x32xi32, #tpu.memory_space<hbm>>) dst(%arg5 : memref<32x32xi32, #tpu.memory_space<vmem>>)
      tpu.yield
    }) : () -> ()
    %dma_start3A_24 = arith.constant 96 : i32
    %dma_start3A_25 = arith.constant 0 : i32
    %dma_start3A_26 = tpu.memref_slice %arg2[%add3A, %dma_start3A_24, %dma_start3A_25] : memref<32x1024x768xf32, #tpu.memory_space<hbm>> -> memref<1x32x768xf32, #tpu.memory_space<hbm>>
    %dma_start3A_27 = tpu.memref_squeeze %dma_start3A_26 : memref<1x32x768xf32, #tpu.memory_space<hbm>> -> memref<32x768xf32, #tpu.memory_space<hbm>>
    %dma_start3A_28 = arith.constant 96 : i32
    %dma_start3A_29 = arith.constant 0 : i32
    %dma_start3A_30 = tpu.memref_slice %arg2[%add3A, %dma_start3A_28, %dma_start3A_29] : memref<32x1024x768xf32, #tpu.memory_space<hbm>> -> memref<1x32x768xf32, #tpu.memory_space<hbm>>
    %dma_start3A_31 = tpu.memref_squeeze %dma_start3A_30 : memref<1x32x768xf32, #tpu.memory_space<hbm>> -> memref<32x768xf32, #tpu.memory_space<hbm>>
    tpu.enqueue_dma source(%dma_start3A_31 : memref<32x768xf32, #tpu.memory_space<hbm>>) target(%arg9 : memref<32x768xf32, #tpu.memory_space<vmem>>) target_semaphore(%arg13 : memref<!tpu.dma_semaphore, #tpu.memory_space<semaphore_mem>>)
    %dma_wait3A = arith.constant 0 : i32
    %dma_wait3A_32 = arith.constant 0 : i32
    %dma_wait3A_33 = tpu.memref_slice %arg2[%add3A, %dma_wait3A, %dma_wait3A_32] : memref<32x1024x768xf32, #tpu.memory_space<hbm>> -> memref<1x32x768xf32, #tpu.memory_space<hbm>>
    %dma_wait3A_34 = tpu.memref_squeeze %dma_wait3A_33 : memref<1x32x768xf32, #tpu.memory_space<hbm>> -> memref<32x768xf32, #tpu.memory_space<hbm>>
    %dma_wait3A_35 = arith.constant 0 : i32
    %dma_wait3A_36 = arith.constant 0 : i32
    %dma_wait3A_37 = tpu.memref_slice %arg2[%add3A, %dma_wait3A_35, %dma_wait3A_36] : memref<32x1024x768xf32, #tpu.memory_space<hbm>> -> memref<1x32x768xf32, #tpu.memory_space<hbm>>
    %dma_wait3A_38 = tpu.memref_squeeze %dma_wait3A_37 : memref<1x32x768xf32, #tpu.memory_space<hbm>> -> memref<32x768xf32, #tpu.memory_space<hbm>>
    tpu.wait_dma2 semaphore(%arg10 : memref<!tpu.dma_semaphore, #tpu.memory_space<semaphore_mem>>) src(%dma_wait3A_38 : memref<32x768xf32, #tpu.memory_space<hbm>>) dst(%arg6 : memref<32x768xf32, #tpu.memory_space<vmem>>)
    %dma_start3A_39 = arith.constant 0 : i32
    %dma_start3A_40 = arith.constant 0 : i32
    %dma_start3A_41 = tpu.memref_slice %arg5[%dma_start3A_39, %dma_start3A_40] : memref<32x32xi32, #tpu.memory_space<vmem>> -> memref<1x32xi32, #tpu.memory_space<vmem>>
    %dma_start3A_42 = tpu.memref_squeeze %dma_start3A_41 : memref<1x32xi32, #tpu.memory_space<vmem>> -> memref<32xi32, #tpu.memory_space<vmem>>
    %dma_start3A_43 = arith.constant 0 : i32
    %dma_start3A_44 = arith.constant 0 : i32
    %dma_start3A_45 = tpu.memref_slice %arg4[%add3A, %dma_start3A_43, %dma_start3A_44] : memref<32x1024x768xf32, #tpu.memory_space<hbm>> -> memref<1x1024x768xf32, #tpu.memory_space<hbm>>
    %dma_start3A_46 = tpu.memref_squeeze %dma_start3A_45 : memref<1x1024x768xf32, #tpu.memory_space<hbm>> -> memref<1024x768xf32, #tpu.memory_space<hbm>>
    %dma_start3A_47 = arith.constant 0 : i32
    %dma_start3A_48 = arith.constant 0 : i32
    %dma_start3A_49 = tpu.memref_slice %dma_start3A_46[%dma_start3A_47, %dma_start3A_48] : memref<1024x768xf32, #tpu.memory_space<hbm>> -> memref<1024x768xf32, #tpu.memory_space<hbm>>
    tpu.enqueue_indirect_dma source(%arg6 : memref<32x768xf32, #tpu.memory_space<vmem>>) target(%dma_start3A_49 : memref<1024x768xf32, #tpu.memory_space<hbm>>) offsets(%dma_start3A_42 : memref<32xi32, #tpu.memory_space<vmem>>) semaphore(%arg14 : memref<!tpu.dma_semaphore, #tpu.memory_space<semaphore_mem>>)
    %dma_wait3A_50 = arith.constant 0 : i32
    %dma_wait3A_51 = arith.constant 0 : i32
    %dma_wait3A_52 = tpu.memref_slice %arg5[%dma_wait3A_50, %dma_wait3A_51] : memref<32x32xi32, #tpu.memory_space<vmem>> -> memref<1x32xi32, #tpu.memory_space<vmem>>
    %dma_wait3A_53 = tpu.memref_squeeze %dma_wait3A_52 : memref<1x32xi32, #tpu.memory_space<vmem>> -> memref<32xi32, #tpu.memory_space<vmem>>
    %dma_wait3A_54 = arith.constant 0 : i32
    %dma_wait3A_55 = arith.constant 0 : i32
    %dma_wait3A_56 = tpu.memref_slice %arg4[%add3A, %dma_wait3A_54, %dma_wait3A_55] : memref<32x1024x768xf32, #tpu.memory_space<hbm>> -> memref<1x1024x768xf32, #tpu.memory_space<hbm>>
    %dma_wait3A_57 = tpu.memref_squeeze %dma_wait3A_56 : memref<1x1024x768xf32, #tpu.memory_space<hbm>> -> memref<1024x768xf32, #tpu.memory_space<hbm>>
    %dma_wait3A_58 = arith.constant 0 : i32
    %dma_wait3A_59 = arith.constant 0 : i32
    %dma_wait3A_60 = tpu.memref_slice %dma_wait3A_57[%dma_wait3A_58, %dma_wait3A_59] : memref<1024x768xf32, #tpu.memory_space<hbm>> -> memref<1024x768xf32, #tpu.memory_space<hbm>>
    tpu.wait_indirect_dma semaphore(%arg14 : memref<!tpu.dma_semaphore, #tpu.memory_space<semaphore_mem>>) src(%arg6 : memref<32x768xf32, #tpu.memory_space<vmem>>) dst(%dma_wait3A_60 : memref<1024x768xf32, #tpu.memory_space<hbm>>)
    %dma_start3A_61 = arith.constant 128 : i32
    %dma_start3A_62 = arith.constant 0 : i32
    %dma_start3A_63 = tpu.memref_slice %arg2[%add3A, %dma_start3A_61, %dma_start3A_62] : memref<32x1024x768xf32, #tpu.memory_space<hbm>> -> memref<1x32x768xf32, #tpu.memory_space<hbm>>
    %dma_start3A_64 = tpu.memref_squeeze %dma_start3A_63 : memref<1x32x768xf32, #tpu.memory_space<hbm>> -> memref<32x768xf32, #tpu.memory_space<hbm>>
    %dma_start3A_65 = arith.constant 128 : i32
    %dma_start3A_66 = arith.constant 0 : i32
    %dma_start3A_67 = tpu.memref_slice %arg2[%add3A, %dma_start3A_65, %dma_start3A_66] : memref<32x1024x768xf32, #tpu.memory_space<hbm>> -> memref<1x32x768xf32, #tpu.memory_space<hbm>>
    %dma_start3A_68 = tpu.memref_squeeze %dma_start3A_67 : memref<1x32x768xf32, #tpu.memory_space<hbm>> -> memref<32x768xf32, #tpu.memory_space<hbm>>
    tpu.enqueue_dma source(%dma_start3A_68 : memref<32x768xf32, #tpu.memory_space<hbm>>) target(%arg6 : memref<32x768xf32, #tpu.memory_space<vmem>>) target_semaphore(%arg10 : memref<!tpu.dma_semaphore, #tpu.memory_space<semaphore_mem>>)
    %dma_wait3A_69 = arith.constant 32 : i32
    %dma_wait3A_70 = arith.constant 0 : i32
    %dma_wait3A_71 = tpu.memref_slice %arg2[%add3A, %dma_wait3A_69, %dma_wait3A_70] : memref<32x1024x768xf32, #tpu.memory_space<hbm>> -> memref<1x32x768xf32, #tpu.memory_space<hbm>>
    %dma_wait3A_72 = tpu.memref_squeeze %dma_wait3A_71 : memref<1x32x768xf32, #tpu.memory_space<hbm>> -> memref<32x768xf32, #tpu.memory_space<hbm>>
    %dma_wait3A_73 = arith.constant 32 : i32
    %dma_wait3A_74 = arith.constant 0 : i32
    %dma_wait3A_75 = tpu.memref_slice %arg2[%add3A, %dma_wait3A_73, %dma_wait3A_74] : memref<32x1024x768xf32, #tpu.memory_space<hbm>> -> memref<1x32x768xf32, #tpu.memory_space<hbm>>
    %dma_wait3A_76 = tpu.memref_squeeze %dma_wait3A_75 : memref<1x32x768xf32, #tpu.memory_space<hbm>> -> memref<32x768xf32, #tpu.memory_space<hbm>>
    tpu.wait_dma2 semaphore(%arg11 : memref<!tpu.dma_semaphore, #tpu.memory_space<semaphore_mem>>) src(%dma_wait3A_76 : memref<32x768xf32, #tpu.memory_space<hbm>>) dst(%arg7 : memref<32x768xf32, #tpu.memory_space<vmem>>)
    %dma_start3A_77 = arith.constant 1 : i32
    %dma_start3A_78 = arith.constant 0 : i32
    %dma_start3A_79 = tpu.memref_slice %arg5[%dma_start3A_77, %dma_start3A_78] : memref<32x32xi32, #tpu.memory_space<vmem>> -> memref<1x32xi32, #tpu.memory_space<vmem>>
    %dma_start3A_80 = tpu.memref_squeeze %dma_start3A_79 : memref<1x32xi32, #tpu.memory_space<vmem>> -> memref<32xi32, #tpu.memory_space<vmem>>
    %dma_start3A_81 = arith.constant 0 : i32
    %dma_start3A_82 = arith.constant 0 : i32
    %dma_start3A_83 = tpu.memref_slice %arg4[%add3A, %dma_start3A_81, %dma_start3A_82] : memref<32x1024x768xf32, #tpu.memory_space<hbm>> -> memref<1x1024x768xf32, #tpu.memory_space<hbm>>
    %dma_start3A_84 = tpu.memref_squeeze %dma_start3A_83 : memref<1x1024x768xf32, #tpu.memory_space<hbm>> -> memref<1024x768xf32, #tpu.memory_space<hbm>>
    %dma_start3A_85 = arith.constant 0 : i32
    %dma_start3A_86 = arith.constant 0 : i32
    %dma_start3A_87 = tpu.memref_slice %dma_start3A_84[%dma_start3A_85, %dma_start3A_86] : memref<1024x768xf32, #tpu.memory_space<hbm>> -> memref<1024x768xf32, #tpu.memory_space<hbm>>
    tpu.enqueue_indirect_dma source(%arg7 : memref<32x768xf32, #tpu.memory_space<vmem>>) target(%dma_start3A_87 : memref<1024x768xf32, #tpu.memory_space<hbm>>) offsets(%dma_start3A_80 : memref<32xi32, #tpu.memory_space<vmem>>) semaphore(%arg15 : memref<!tpu.dma_semaphore, #tpu.memory_space<semaphore_mem>>)
    %dma_wait3A_88 = arith.constant 1 : i32
    %dma_wait3A_89 = arith.constant 0 : i32
    %dma_wait3A_90 = tpu.memref_slice %arg5[%dma_wait3A_88, %dma_wait3A_89] : memref<32x32xi32, #tpu.memory_space<vmem>> -> memref<1x32xi32, #tpu.memory_space<vmem>>
    %dma_wait3A_91 = tpu.memref_squeeze %dma_wait3A_90 : memref<1x32xi32, #tpu.memory_space<vmem>> -> memref<32xi32, #tpu.memory_space<vmem>>
    %dma_wait3A_92 = arith.constant 0 : i32
    %dma_wait3A_93 = arith.constant 0 : i32
    %dma_wait3A_94 = tpu.memref_slice %arg4[%add3A, %dma_wait3A_92, %dma_wait3A_93] : memref<32x1024x768xf32, #tpu.memory_space<hbm>> -> memref<1x1024x768xf32, #tpu.memory_space<hbm>>
    %dma_wait3A_95 = tpu.memref_squeeze %dma_wait3A_94 : memref<1x1024x768xf32, #tpu.memory_space<hbm>> -> memref<1024x768xf32, #tpu.memory_space<hbm>>
    %dma_wait3A_96 = arith.constant 0 : i32
    %dma_wait3A_97 = arith.constant 0 : i32
    %dma_wait3A_98 = tpu.memref_slice %dma_wait3A_95[%dma_wait3A_96, %dma_wait3A_97] : memref<1024x768xf32, #tpu.memory_space<hbm>> -> memref<1024x768xf32, #tpu.memory_space<hbm>>
    tpu.wait_indirect_dma semaphore(%arg15 : memref<!tpu.dma_semaphore, #tpu.memory_space<semaphore_mem>>) src(%arg7 : memref<32x768xf32, #tpu.memory_space<vmem>>) dst(%dma_wait3A_98 : memref<1024x768xf32, #tpu.memory_space<hbm>>)
    %dma_start3A_99 = arith.constant 160 : i32
    %dma_start3A_100 = arith.constant 0 : i32
    %dma_start3A_101 = tpu.memref_slice %arg2[%add3A, %dma_start3A_99, %dma_start3A_100] : memref<32x1024x768xf32, #tpu.memory_space<hbm>> -> memref<1x32x768xf32, #tpu.memory_space<hbm>>
    %dma_start3A_102 = tpu.memref_squeeze %dma_start3A_101 : memref<1x32x768xf32, #tpu.memory_space<hbm>> -> memref<32x768xf32, #tpu.memory_space<hbm>>
    %dma_start3A_103 = arith.constant 160 : i32
    %dma_start3A_104 = arith.constant 0 : i32
    %dma_start3A_105 = tpu.memref_slice %arg2[%add3A, %dma_start3A_103, %dma_start3A_104] : memref<32x1024x768xf32, #tpu.memory_space<hbm>> -> memref<1x32x768xf32, #tpu.memory_space<hbm>>
    %dma_start3A_106 = tpu.memref_squeeze %dma_start3A_105 : memref<1x32x768xf32, #tpu.memory_space<hbm>> -> memref<32x768xf32, #tpu.memory_space<hbm>>
    tpu.enqueue_dma source(%dma_start3A_106 : memref<32x768xf32, #tpu.memory_space<hbm>>) target(%arg7 : memref<32x768xf32, #tpu.memory_space<vmem>>) target_semaphore(%arg11 : memref<!tpu.dma_semaphore, #tpu.memory_space<semaphore_mem>>)
    %dma_wait3A_107 = arith.constant 64 : i32
    %dma_wait3A_108 = arith.constant 0 : i32
    %dma_wait3A_109 = tpu.memref_slice %arg2[%add3A, %dma_wait3A_107, %dma_wait3A_108] : memref<32x1024x768xf32, #tpu.memory_space<hbm>> -> memref<1x32x768xf32, #tpu.memory_space<hbm>>
    %dma_wait3A_110 = tpu.memref_squeeze %dma_wait3A_109 : memref<1x32x768xf32, #tpu.memory_space<hbm>> -> memref<32x768xf32, #tpu.memory_space<hbm>>
    %dma_wait3A_111 = arith.constant 64 : i32
    %dma_wait3A_112 = arith.constant 0 : i32
    %dma_wait3A_113 = tpu.memref_slice %arg2[%add3A, %dma_wait3A_111, %dma_wait3A_112] : memref<32x1024x768xf32, #tpu.memory_space<hbm>> -> memref<1x32x768xf32, #tpu.memory_space<hbm>>
    %dma_wait3A_114 = tpu.memref_squeeze %dma_wait3A_113 : memref<1x32x768xf32, #tpu.memory_space<hbm>> -> memref<32x768xf32, #tpu.memory_space<hbm>>
    tpu.wait_dma2 semaphore(%arg12 : memref<!tpu.dma_semaphore, #tpu.memory_space<semaphore_mem>>) src(%dma_wait3A_114 : memref<32x768xf32, #tpu.memory_space<hbm>>) dst(%arg8 : memref<32x768xf32, #tpu.memory_space<vmem>>)
    %dma_start3A_115 = arith.constant 2 : i32
    %dma_start3A_116 = arith.constant 0 : i32
    %dma_start3A_117 = tpu.memref_slice %arg5[%dma_start3A_115, %dma_start3A_116] : memref<32x32xi32, #tpu.memory_space<vmem>> -> memref<1x32xi32, #tpu.memory_space<vmem>>
    %dma_start3A_118 = tpu.memref_squeeze %dma_start3A_117 : memref<1x32xi32, #tpu.memory_space<vmem>> -> memref<32xi32, #tpu.memory_space<vmem>>
    %dma_start3A_119 = arith.constant 0 : i32
    %dma_start3A_120 = arith.constant 0 : i32
    %dma_start3A_121 = tpu.memref_slice %arg4[%add3A, %dma_start3A_119, %dma_start3A_120] : memref<32x1024x768xf32, #tpu.memory_space<hbm>> -> memref<1x1024x768xf32, #tpu.memory_space<hbm>>
    %dma_start3A_122 = tpu.memref_squeeze %dma_start3A_121 : memref<1x1024x768xf32, #tpu.memory_space<hbm>> -> memref<1024x768xf32, #tpu.memory_space<hbm>>
    %dma_start3A_123 = arith.constant 0 : i32
    %dma_start3A_124 = arith.constant 0 : i32
    %dma_start3A_125 = tpu.memref_slice %dma_start3A_122[%dma_start3A_123, %dma_start3A_124] : memref<1024x768xf32, #tpu.memory_space<hbm>> -> memref<1024x768xf32, #tpu.memory_space<hbm>>
    tpu.enqueue_indirect_dma source(%arg8 : memref<32x768xf32, #tpu.memory_space<vmem>>) target(%dma_start3A_125 : memref<1024x768xf32, #tpu.memory_space<hbm>>) offsets(%dma_start3A_118 : memref<32xi32, #tpu.memory_space<vmem>>) semaphore(%arg16 : memref<!tpu.dma_semaphore, #tpu.memory_space<semaphore_mem>>)
    %dma_wait3A_126 = arith.constant 2 : i32
    %dma_wait3A_127 = arith.constant 0 : i32
    %dma_wait3A_128 = tpu.memref_slice %arg5[%dma_wait3A_126, %dma_wait3A_127] : memref<32x32xi32, #tpu.memory_space<vmem>> -> memref<1x32xi32, #tpu.memory_space<vmem>>
    %dma_wait3A_129 = tpu.memref_squeeze %dma_wait3A_128 : memref<1x32xi32, #tpu.memory_space<vmem>> -> memref<32xi32, #tpu.memory_space<vmem>>
    %dma_wait3A_130 = arith.constant 0 : i32
    %dma_wait3A_131 = arith.constant 0 : i32
    %dma_wait3A_132 = tpu.memref_slice %arg4[%add3A, %dma_wait3A_130, %dma_wait3A_131] : memref<32x1024x768xf32, #tpu.memory_space<hbm>> -> memref<1x1024x768xf32, #tpu.memory_space<hbm>>
    %dma_wait3A_133 = tpu.memref_squeeze %dma_wait3A_132 : memref<1x1024x768xf32, #tpu.memory_space<hbm>> -> memref<1024x768xf32, #tpu.memory_space<hbm>>
    %dma_wait3A_134 = arith.constant 0 : i32
    %dma_wait3A_135 = arith.constant 0 : i32
    %dma_wait3A_136 = tpu.memref_slice %dma_wait3A_133[%dma_wait3A_134, %dma_wait3A_135] : memref<1024x768xf32, #tpu.memory_space<hbm>> -> memref<1024x768xf32, #tpu.memory_space<hbm>>
    tpu.wait_indirect_dma semaphore(%arg16 : memref<!tpu.dma_semaphore, #tpu.memory_space<semaphore_mem>>) src(%arg8 : memref<32x768xf32, #tpu.memory_space<vmem>>) dst(%dma_wait3A_136 : memref<1024x768xf32, #tpu.memory_space<hbm>>)
    %dma_start3A_137 = arith.constant 192 : i32
    %dma_start3A_138 = arith.constant 0 : i32
    %dma_start3A_139 = tpu.memref_slice %arg2[%add3A, %dma_start3A_137, %dma_start3A_138] : memref<32x1024x768xf32, #tpu.memory_space<hbm>> -> memref<1x32x768xf32, #tpu.memory_space<hbm>>
    %dma_start3A_140 = tpu.memref_squeeze %dma_start3A_139 : memref<1x32x768xf32, #tpu.memory_space<hbm>> -> memref<32x768xf32, #tpu.memory_space<hbm>>
    %dma_start3A_141 = arith.constant 192 : i32
    %dma_start3A_142 = arith.constant 0 : i32
    %dma_start3A_143 = tpu.memref_slice %arg2[%add3A, %dma_start3A_141, %dma_start3A_142] : memref<32x1024x768xf32, #tpu.memory_space<hbm>> -> memref<1x32x768xf32, #tpu.memory_space<hbm>>
    %dma_start3A_144 = tpu.memref_squeeze %dma_start3A_143 : memref<1x32x768xf32, #tpu.memory_space<hbm>> -> memref<32x768xf32, #tpu.memory_space<hbm>>
    tpu.enqueue_dma source(%dma_start3A_144 : memref<32x768xf32, #tpu.memory_space<hbm>>) target(%arg8 : memref<32x768xf32, #tpu.memory_space<vmem>>) target_semaphore(%arg12 : memref<!tpu.dma_semaphore, #tpu.memory_space<semaphore_mem>>)
    %dma_wait3A_145 = arith.constant 96 : i32
    %dma_wait3A_146 = arith.constant 0 : i32
    %dma_wait3A_147 = tpu.memref_slice %arg2[%add3A, %dma_wait3A_145, %dma_wait3A_146] : memref<32x1024x768xf32, #tpu.memory_space<hbm>> -> memref<1x32x768xf32, #tpu.memory_space<hbm>>
    %dma_wait3A_148 = tpu.memref_squeeze %dma_wait3A_147 : memref<1x32x768xf32, #tpu.memory_space<hbm>> -> memref<32x768xf32, #tpu.memory_space<hbm>>
    %dma_wait3A_149 = arith.constant 96 : i32
    %dma_wait3A_150 = arith.constant 0 : i32
    %dma_wait3A_151 = tpu.memref_slice %arg2[%add3A, %dma_wait3A_149, %dma_wait3A_150] : memref<32x1024x768xf32, #tpu.memory_space<hbm>> -> memref<1x32x768xf32, #tpu.memory_space<hbm>>
    %dma_wait3A_152 = tpu.memref_squeeze %dma_wait3A_151 : memref<1x32x768xf32, #tpu.memory_space<hbm>> -> memref<32x768xf32, #tpu.memory_space<hbm>>
    tpu.wait_dma2 semaphore(%arg13 : memref<!tpu.dma_semaphore, #tpu.memory_space<semaphore_mem>>) src(%dma_wait3A_152 : memref<32x768xf32, #tpu.memory_space<hbm>>) dst(%arg9 : memref<32x768xf32, #tpu.memory_space<vmem>>)
    %dma_start3A_153 = arith.constant 3 : i32
    %dma_start3A_154 = arith.constant 0 : i32
    %dma_start3A_155 = tpu.memref_slice %arg5[%dma_start3A_153, %dma_start3A_154] : memref<32x32xi32, #tpu.memory_space<vmem>> -> memref<1x32xi32, #tpu.memory_space<vmem>>
    %dma_start3A_156 = tpu.memref_squeeze %dma_start3A_155 : memref<1x32xi32, #tpu.memory_space<vmem>> -> memref<32xi32, #tpu.memory_space<vmem>>
    %dma_start3A_157 = arith.constant 0 : i32
    %dma_start3A_158 = arith.constant 0 : i32
    %dma_start3A_159 = tpu.memref_slice %arg4[%add3A, %dma_start3A_157, %dma_start3A_158] : memref<32x1024x768xf32, #tpu.memory_space<hbm>> -> memref<1x1024x768xf32, #tpu.memory_space<hbm>>
    %dma_start3A_160 = tpu.memref_squeeze %dma_start3A_159 : memref<1x1024x768xf32, #tpu.memory_space<hbm>> -> memref<1024x768xf32, #tpu.memory_space<hbm>>
    %dma_start3A_161 = arith.constant 0 : i32
    %dma_start3A_162 = arith.constant 0 : i32
    %dma_start3A_163 = tpu.memref_slice %dma_start3A_160[%dma_start3A_161, %dma_start3A_162] : memref<1024x768xf32, #tpu.memory_space<hbm>> -> memref<1024x768xf32, #tpu.memory_space<hbm>>
    tpu.enqueue_indirect_dma source(%arg9 : memref<32x768xf32, #tpu.memory_space<vmem>>) target(%dma_start3A_163 : memref<1024x768xf32, #tpu.memory_space<hbm>>) offsets(%dma_start3A_156 : memref<32xi32, #tpu.memory_space<vmem>>) semaphore(%arg17 : memref<!tpu.dma_semaphore, #tpu.memory_space<semaphore_mem>>)
    %dma_wait3A_164 = arith.constant 3 : i32
    %dma_wait3A_165 = arith.constant 0 : i32
    %dma_wait3A_166 = tpu.memref_slice %arg5[%dma_wait3A_164, %dma_wait3A_165] : memref<32x32xi32, #tpu.memory_space<vmem>> -> memref<1x32xi32, #tpu.memory_space<vmem>>
    %dma_wait3A_167 = tpu.memref_squeeze %dma_wait3A_166 : memref<1x32xi32, #tpu.memory_space<vmem>> -> memref<32xi32, #tpu.memory_space<vmem>>
    %dma_wait3A_168 = arith.constant 0 : i32
    %dma_wait3A_169 = arith.constant 0 : i32
    %dma_wait3A_170 = tpu.memref_slice %arg4[%add3A, %dma_wait3A_168, %dma_wait3A_169] : memref<32x1024x768xf32, #tpu.memory_space<hbm>> -> memref<1x1024x768xf32, #tpu.memory_space<hbm>>
    %dma_wait3A_171 = tpu.memref_squeeze %dma_wait3A_170 : memref<1x1024x768xf32, #tpu.memory_space<hbm>> -> memref<1024x768xf32, #tpu.memory_space<hbm>>
    %dma_wait3A_172 = arith.constant 0 : i32
    %dma_wait3A_173 = arith.constant 0 : i32
    %dma_wait3A_174 = tpu.memref_slice %dma_wait3A_171[%dma_wait3A_172, %dma_wait3A_173] : memref<1024x768xf32, #tpu.memory_space<hbm>> -> memref<1024x768xf32, #tpu.memory_space<hbm>>
    tpu.wait_indirect_dma semaphore(%arg17 : memref<!tpu.dma_semaphore, #tpu.memory_space<semaphore_mem>>) src(%arg9 : memref<32x768xf32, #tpu.memory_space<vmem>>) dst(%dma_wait3A_174 : memref<1024x768xf32, #tpu.memory_space<hbm>>)
    %dma_start3A_175 = arith.constant 224 : i32
    %dma_start3A_176 = arith.constant 0 : i32
    %dma_start3A_177 = tpu.memref_slice %arg2[%add3A, %dma_start3A_175, %dma_start3A_176] : memref<32x1024x768xf32, #tpu.memory_space<hbm>> -> memref<1x32x768xf32, #tpu.memory_space<hbm>>
    %dma_start3A_178 = tpu.memref_squeeze %dma_start3A_177 : memref<1x32x768xf32, #tpu.memory_space<hbm>> -> memref<32x768xf32, #tpu.memory_space<hbm>>
    %dma_start3A_179 = arith.constant 224 : i32
    %dma_start3A_180 = arith.constant 0 : i32
    %dma_start3A_181 = tpu.memref_slice %arg2[%add3A, %dma_start3A_179, %dma_start3A_180] : memref<32x1024x768xf32, #tpu.memory_space<hbm>> -> memref<1x32x768xf32, #tpu.memory_space<hbm>>
    %dma_start3A_182 = tpu.memref_squeeze %dma_start3A_181 : memref<1x32x768xf32, #tpu.memory_space<hbm>> -> memref<32x768xf32, #tpu.memory_space<hbm>>
    tpu.enqueue_dma source(%dma_start3A_182 : memref<32x768xf32, #tpu.memory_space<hbm>>) target(%arg9 : memref<32x768xf32, #tpu.memory_space<vmem>>) target_semaphore(%arg13 : memref<!tpu.dma_semaphore, #tpu.memory_space<semaphore_mem>>)
    %dma_wait3A_183 = arith.constant 128 : i32
    %dma_wait3A_184 = arith.constant 0 : i32
    %dma_wait3A_185 = tpu.memref_slice %arg2[%add3A, %dma_wait3A_183, %dma_wait3A_184] : memref<32x1024x768xf32, #tpu.memory_space<hbm>> -> memref<1x32x768xf32, #tpu.memory_space<hbm>>
    %dma_wait3A_186 = tpu.memref_squeeze %dma_wait3A_185 : memref<1x32x768xf32, #tpu.memory_space<hbm>> -> memref<32x768xf32, #tpu.memory_space<hbm>>
    %dma_wait3A_187 = arith.constant 128 : i32
    %dma_wait3A_188 = arith.constant 0 : i32
    %dma_wait3A_189 = tpu.memref_slice %arg2[%add3A, %dma_wait3A_187, %dma_wait3A_188] : memref<32x1024x768xf32, #tpu.memory_space<hbm>> -> memref<1x32x768xf32, #tpu.memory_space<hbm>>
    %dma_wait3A_190 = tpu.memref_squeeze %dma_wait3A_189 : memref<1x32x768xf32, #tpu.memory_space<hbm>> -> memref<32x768xf32, #tpu.memory_space<hbm>>
    tpu.wait_dma2 semaphore(%arg10 : memref<!tpu.dma_semaphore, #tpu.memory_space<semaphore_mem>>) src(%dma_wait3A_190 : memref<32x768xf32, #tpu.memory_space<hbm>>) dst(%arg6 : memref<32x768xf32, #tpu.memory_space<vmem>>)
    %dma_start3A_191 = arith.constant 4 : i32
    %dma_start3A_192 = arith.constant 0 : i32
    %dma_start3A_193 = tpu.memref_slice %arg5[%dma_start3A_191, %dma_start3A_192] : memref<32x32xi32, #tpu.memory_space<vmem>> -> memref<1x32xi32, #tpu.memory_space<vmem>>
    %dma_start3A_194 = tpu.memref_squeeze %dma_start3A_193 : memref<1x32xi32, #tpu.memory_space<vmem>> -> memref<32xi32, #tpu.memory_space<vmem>>
    %dma_start3A_195 = arith.constant 0 : i32
    %dma_start3A_196 = arith.constant 0 : i32
    %dma_start3A_197 = tpu.memref_slice %arg4[%add3A, %dma_start3A_195, %dma_start3A_196] : memref<32x1024x768xf32, #tpu.memory_space<hbm>> -> memref<1x1024x768xf32, #tpu.memory_space<hbm>>
    %dma_start3A_198 = tpu.memref_squeeze %dma_start3A_197 : memref<1x1024x768xf32, #tpu.memory_space<hbm>> -> memref<1024x768xf32, #tpu.memory_space<hbm>>
    %dma_start3A_199 = arith.constant 0 : i32
    %dma_start3A_200 = arith.constant 0 : i32
    %dma_start3A_201 = tpu.memref_slice %dma_start3A_198[%dma_start3A_199, %dma_start3A_200] : memref<1024x768xf32, #tpu.memory_space<hbm>> -> memref<1024x768xf32, #tpu.memory_space<hbm>>
    tpu.enqueue_indirect_dma source(%arg6 : memref<32x768xf32, #tpu.memory_space<vmem>>) target(%dma_start3A_201 : memref<1024x768xf32, #tpu.memory_space<hbm>>) offsets(%dma_start3A_194 : memref<32xi32, #tpu.memory_space<vmem>>) semaphore(%arg14 : memref<!tpu.dma_semaphore, #tpu.memory_space<semaphore_mem>>)
    %dma_wait3A_202 = arith.constant 4 : i32
    %dma_wait3A_203 = arith.constant 0 : i32
    %dma_wait3A_204 = tpu.memref_slice %arg5[%dma_wait3A_202, %dma_wait3A_203] : memref<32x32xi32, #tpu.memory_space<vmem>> -> memref<1x32xi32, #tpu.memory_space<vmem>>
    %dma_wait3A_205 = tpu.memref_squeeze %dma_wait3A_204 : memref<1x32xi32, #tpu.memory_space<vmem>> -> memref<32xi32, #tpu.memory_space<vmem>>
    %dma_wait3A_206 = arith.constant 0 : i32
    %dma_wait3A_207 = arith.constant 0 : i32
    %dma_wait3A_208 = tpu.memref_slice %arg4[%add3A, %dma_wait3A_206, %dma_wait3A_207] : memref<32x1024x768xf32, #tpu.memory_space<hbm>> -> memref<1x1024x768xf32, #tpu.memory_space<hbm>>
    %dma_wait3A_209 = tpu.memref_squeeze %dma_wait3A_208 : memref<1x1024x768xf32, #tpu.memory_space<hbm>> -> memref<1024x768xf32, #tpu.memory_space<hbm>>
    %dma_wait3A_210 = arith.constant 0 : i32
    %dma_wait3A_211 = arith.constant 0 : i32
    %dma_wait3A_212 = tpu.memref_slice %dma_wait3A_209[%dma_wait3A_210, %dma_wait3A_211] : memref<1024x768xf32, #tpu.memory_space<hbm>> -> memref<1024x768xf32, #tpu.memory_space<hbm>>
    tpu.wait_indirect_dma semaphore(%arg14 : memref<!tpu.dma_semaphore, #tpu.memory_space<semaphore_mem>>) src(%arg6 : memref<32x768xf32, #tpu.memory_space<vmem>>) dst(%dma_wait3A_212 : memref<1024x768xf32, #tpu.memory_space<hbm>>)
    %dma_start3A_213 = arith.constant 256 : i32
    %dma_start3A_214 = arith.constant 0 : i32
    %dma_start3A_215 = tpu.memref_slice %arg2[%add3A, %dma_start3A_213, %dma_start3A_214] : memref<32x1024x768xf32, #tpu.memory_space<hbm>> -> memref<1x32x768xf32, #tpu.memory_space<hbm>>
    %dma_start3A_216 = tpu.memref_squeeze %dma_start3A_215 : memref<1x32x768xf32, #tpu.memory_space<hbm>> -> memref<32x768xf32, #tpu.memory_space<hbm>>
    %dma_start3A_217 = arith.constant 256 : i32
    %dma_start3A_218 = arith.constant 0 : i32
    %dma_start3A_219 = tpu.memref_slice %arg2[%add3A, %dma_start3A_217, %dma_start3A_218] : memref<32x1024x768xf32, #tpu.memory_space<hbm>> -> memref<1x32x768xf32, #tpu.memory_space<hbm>>
    %dma_start3A_220 = tpu.memref_squeeze %dma_start3A_219 : memref<1x32x768xf32, #tpu.memory_space<hbm>> -> memref<32x768xf32, #tpu.memory_space<hbm>>
    tpu.enqueue_dma source(%dma_start3A_220 : memref<32x768xf32, #tpu.memory_space<hbm>>) target(%arg6 : memref<32x768xf32, #tpu.memory_space<vmem>>) target_semaphore(%arg10 : memref<!tpu.dma_semaphore, #tpu.memory_space<semaphore_mem>>)
    %dma_wait3A_221 = arith.constant 160 : i32
    %dma_wait3A_222 = arith.constant 0 : i32
    %dma_wait3A_223 = tpu.memref_slice %arg2[%add3A, %dma_wait3A_221, %dma_wait3A_222] : memref<32x1024x768xf32, #tpu.memory_space<hbm>> -> memref<1x32x768xf32, #tpu.memory_space<hbm>>
    %dma_wait3A_224 = tpu.memref_squeeze %dma_wait3A_223 : memref<1x32x768xf32, #tpu.memory_space<hbm>> -> memref<32x768xf32, #tpu.memory_space<hbm>>
    %dma_wait3A_225 = arith.constant 160 : i32
    %dma_wait3A_226 = arith.constant 0 : i32
    %dma_wait3A_227 = tpu.memref_slice %arg2[%add3A, %dma_wait3A_225, %dma_wait3A_226] : memref<32x1024x768xf32, #tpu.memory_space<hbm>> -> memref<1x32x768xf32, #tpu.memory_space<hbm>>
    %dma_wait3A_228 = tpu.memref_squeeze %dma_wait3A_227 : memref<1x32x768xf32, #tpu.memory_space<hbm>> -> memref<32x768xf32, #tpu.memory_space<hbm>>
    tpu.wait_dma2 semaphore(%arg11 : memref<!tpu.dma_semaphore, #tpu.memory_space<semaphore_mem>>) src(%dma_wait3A_228 : memref<32x768xf32, #tpu.memory_space<hbm>>) dst(%arg7 : memref<32x768xf32, #tpu.memory_space<vmem>>)
    %dma_start3A_229 = arith.constant 5 : i32
    %dma_start3A_230 = arith.constant 0 : i32
    %dma_start3A_231 = tpu.memref_slice %arg5[%dma_start3A_229, %dma_start3A_230] : memref<32x32xi32, #tpu.memory_space<vmem>> -> memref<1x32xi32, #tpu.memory_space<vmem>>
    %dma_start3A_232 = tpu.memref_squeeze %dma_start3A_231 : memref<1x32xi32, #tpu.memory_space<vmem>> -> memref<32xi32, #tpu.memory_space<vmem>>
    %dma_start3A_233 = arith.constant 0 : i32
    %dma_start3A_234 = arith.constant 0 : i32
    %dma_start3A_235 = tpu.memref_slice %arg4[%add3A, %dma_start3A_233, %dma_start3A_234] : memref<32x1024x768xf32, #tpu.memory_space<hbm>> -> memref<1x1024x768xf32, #tpu.memory_space<hbm>>
    %dma_start3A_236 = tpu.memref_squeeze %dma_start3A_235 : memref<1x1024x768xf32, #tpu.memory_space<hbm>> -> memref<1024x768xf32, #tpu.memory_space<hbm>>
    %dma_start3A_237 = arith.constant 0 : i32
    %dma_start3A_238 = arith.constant 0 : i32
    %dma_start3A_239 = tpu.memref_slice %dma_start3A_236[%dma_start3A_237, %dma_start3A_238] : memref<1024x768xf32, #tpu.memory_space<hbm>> -> memref<1024x768xf32, #tpu.memory_space<hbm>>
    tpu.enqueue_indirect_dma source(%arg7 : memref<32x768xf32, #tpu.memory_space<vmem>>) target(%dma_start3A_239 : memref<1024x768xf32, #tpu.memory_space<hbm>>) offsets(%dma_start3A_232 : memref<32xi32, #tpu.memory_space<vmem>>) semaphore(%arg15 : memref<!tpu.dma_semaphore, #tpu.memory_space<semaphore_mem>>)
    %dma_wait3A_240 = arith.constant 5 : i32
    %dma_wait3A_241 = arith.constant 0 : i32
    %dma_wait3A_242 = tpu.memref_slice %arg5[%dma_wait3A_240, %dma_wait3A_241] : memref<32x32xi32, #tpu.memory_space<vmem>> -> memref<1x32xi32, #tpu.memory_space<vmem>>
    %dma_wait3A_243 = tpu.memref_squeeze %dma_wait3A_242 : memref<1x32xi32, #tpu.memory_space<vmem>> -> memref<32xi32, #tpu.memory_space<vmem>>
    %dma_wait3A_244 = arith.constant 0 : i32
    %dma_wait3A_245 = arith.constant 0 : i32
    %dma_wait3A_246 = tpu.memref_slice %arg4[%add3A, %dma_wait3A_244, %dma_wait3A_245] : memref<32x1024x768xf32, #tpu.memory_space<hbm>> -> memref<1x1024x768xf32, #tpu.memory_space<hbm>>
    %dma_wait3A_247 = tpu.memref_squeeze %dma_wait3A_246 : memref<1x1024x768xf32, #tpu.memory_space<hbm>> -> memref<1024x768xf32, #tpu.memory_space<hbm>>
    %dma_wait3A_248 = arith.constant 0 : i32
    %dma_wait3A_249 = arith.constant 0 : i32
    %dma_wait3A_250 = tpu.memref_slice %dma_wait3A_247[%dma_wait3A_248, %dma_wait3A_249] : memref<1024x768xf32, #tpu.memory_space<hbm>> -> memref<1024x768xf32, #tpu.memory_space<hbm>>
    tpu.wait_indirect_dma semaphore(%arg15 : memref<!tpu.dma_semaphore, #tpu.memory_space<semaphore_mem>>) src(%arg7 : memref<32x768xf32, #tpu.memory_space<vmem>>) dst(%dma_wait3A_250 : memref<1024x768xf32, #tpu.memory_space<hbm>>)
    %dma_start3A_251 = arith.constant 288 : i32
    %dma_start3A_252 = arith.constant 0 : i32
    %dma_start3A_253 = tpu.memref_slice %arg2[%add3A, %dma_start3A_251, %dma_start3A_252] : memref<32x1024x768xf32, #tpu.memory_space<hbm>> -> memref<1x32x768xf32, #tpu.memory_space<hbm>>
    %dma_start3A_254 = tpu.memref_squeeze %dma_start3A_253 : memref<1x32x768xf32, #tpu.memory_space<hbm>> -> memref<32x768xf32, #tpu.memory_space<hbm>>
    %dma_start3A_255 = arith.constant 288 : i32
    %dma_start3A_256 = arith.constant 0 : i32
    %dma_start3A_257 = tpu.memref_slice %arg2[%add3A, %dma_start3A_255, %dma_start3A_256] : memref<32x1024x768xf32, #tpu.memory_space<hbm>> -> memref<1x32x768xf32, #tpu.memory_space<hbm>>
    %dma_start3A_258 = tpu.memref_squeeze %dma_start3A_257 : memref<1x32x768xf32, #tpu.memory_space<hbm>> -> memref<32x768xf32, #tpu.memory_space<hbm>>
    tpu.enqueue_dma source(%dma_start3A_258 : memref<32x768xf32, #tpu.memory_space<hbm>>) target(%arg7 : memref<32x768xf32, #tpu.memory_space<vmem>>) target_semaphore(%arg11 : memref<!tpu.dma_semaphore, #tpu.memory_space<semaphore_mem>>)
    %dma_wait3A_259 = arith.constant 192 : i32
    %dma_wait3A_260 = arith.constant 0 : i32
    %dma_wait3A_261 = tpu.memref_slice %arg2[%add3A, %dma_wait3A_259, %dma_wait3A_260] : memref<32x1024x768xf32, #tpu.memory_space<hbm>> -> memref<1x32x768xf32, #tpu.memory_space<hbm>>
    %dma_wait3A_262 = tpu.memref_squeeze %dma_wait3A_261 : memref<1x32x768xf32, #tpu.memory_space<hbm>> -> memref<32x768xf32, #tpu.memory_space<hbm>>
    %dma_wait3A_263 = arith.constant 192 : i32
    %dma_wait3A_264 = arith.constant 0 : i32
    %dma_wait3A_265 = tpu.memref_slice %arg2[%add3A, %dma_wait3A_263, %dma_wait3A_264] : memref<32x1024x768xf32, #tpu.memory_space<hbm>> -> memref<1x32x768xf32, #tpu.memory_space<hbm>>
    %dma_wait3A_266 = tpu.memref_squeeze %dma_wait3A_265 : memref<1x32x768xf32, #tpu.memory_space<hbm>> -> memref<32x768xf32, #tpu.memory_space<hbm>>
    tpu.wait_dma2 semaphore(%arg12 : memref<!tpu.dma_semaphore, #tpu.memory_space<semaphore_mem>>) src(%dma_wait3A_266 : memref<32x768xf32, #tpu.memory_space<hbm>>) dst(%arg8 : memref<32x768xf32, #tpu.memory_space<vmem>>)
    %dma_start3A_267 = arith.constant 6 : i32
    %dma_start3A_268 = arith.constant 0 : i32
    %dma_start3A_269 = tpu.memref_slice %arg5[%dma_start3A_267, %dma_start3A_268] : memref<32x32xi32, #tpu.memory_space<vmem>> -> memref<1x32xi32, #tpu.memory_space<vmem>>
    %dma_start3A_270 = tpu.memref_squeeze %dma_start3A_269 : memref<1x32xi32, #tpu.memory_space<vmem>> -> memref<32xi32, #tpu.memory_space<vmem>>
    %dma_start3A_271 = arith.constant 0 : i32
    %dma_start3A_272 = arith.constant 0 : i32
    %dma_start3A_273 = tpu.memref_slice %arg4[%add3A, %dma_start3A_271, %dma_start3A_272] : memref<32x1024x768xf32, #tpu.memory_space<hbm>> -> memref<1x1024x768xf32, #tpu.memory_space<hbm>>
    %dma_start3A_274 = tpu.memref_squeeze %dma_start3A_273 : memref<1x1024x768xf32, #tpu.memory_space<hbm>> -> memref<1024x768xf32, #tpu.memory_space<hbm>>
    %dma_start3A_275 = arith.constant 0 : i32
    %dma_start3A_276 = arith.constant 0 : i32
    %dma_start3A_277 = tpu.memref_slice %dma_start3A_274[%dma_start3A_275, %dma_start3A_276] : memref<1024x768xf32, #tpu.memory_space<hbm>> -> memref<1024x768xf32, #tpu.memory_space<hbm>>
    tpu.enqueue_indirect_dma source(%arg8 : memref<32x768xf32, #tpu.memory_space<vmem>>) target(%dma_start3A_277 : memref<1024x768xf32, #tpu.memory_space<hbm>>) offsets(%dma_start3A_270 : memref<32xi32, #tpu.memory_space<vmem>>) semaphore(%arg16 : memref<!tpu.dma_semaphore, #tpu.memory_space<semaphore_mem>>)
    %dma_wait3A_278 = arith.constant 6 : i32
    %dma_wait3A_279 = arith.constant 0 : i32
    %dma_wait3A_280 = tpu.memref_slice %arg5[%dma_wait3A_278, %dma_wait3A_279] : memref<32x32xi32, #tpu.memory_space<vmem>> -> memref<1x32xi32, #tpu.memory_space<vmem>>
    %dma_wait3A_281 = tpu.memref_squeeze %dma_wait3A_280 : memref<1x32xi32, #tpu.memory_space<vmem>> -> memref<32xi32, #tpu.memory_space<vmem>>
    %dma_wait3A_282 = arith.constant 0 : i32
    %dma_wait3A_283 = arith.constant 0 : i32
    %dma_wait3A_284 = tpu.memref_slice %arg4[%add3A, %dma_wait3A_282, %dma_wait3A_283] : memref<32x1024x768xf32, #tpu.memory_space<hbm>> -> memref<1x1024x768xf32, #tpu.memory_space<hbm>>
    %dma_wait3A_285 = tpu.memref_squeeze %dma_wait3A_284 : memref<1x1024x768xf32, #tpu.memory_space<hbm>> -> memref<1024x768xf32, #tpu.memory_space<hbm>>
    %dma_wait3A_286 = arith.constant 0 : i32
    %dma_wait3A_287 = arith.constant 0 : i32
    %dma_wait3A_288 = tpu.memref_slice %dma_wait3A_285[%dma_wait3A_286, %dma_wait3A_287] : memref<1024x768xf32, #tpu.memory_space<hbm>> -> memref<1024x768xf32, #tpu.memory_space<hbm>>
    tpu.wait_indirect_dma semaphore(%arg16 : memref<!tpu.dma_semaphore, #tpu.memory_space<semaphore_mem>>) src(%arg8 : memref<32x768xf32, #tpu.memory_space<vmem>>) dst(%dma_wait3A_288 : memref<1024x768xf32, #tpu.memory_space<hbm>>)
    %dma_start3A_289 = arith.constant 320 : i32
    %dma_start3A_290 = arith.constant 0 : i32
    %dma_start3A_291 = tpu.memref_slice %arg2[%add3A, %dma_start3A_289, %dma_start3A_290] : memref<32x1024x768xf32, #tpu.memory_space<hbm>> -> memref<1x32x768xf32, #tpu.memory_space<hbm>>
    %dma_start3A_292 = tpu.memref_squeeze %dma_start3A_291 : memref<1x32x768xf32, #tpu.memory_space<hbm>> -> memref<32x768xf32, #tpu.memory_space<hbm>>
    %dma_start3A_293 = arith.constant 320 : i32
    %dma_start3A_294 = arith.constant 0 : i32
    %dma_start3A_295 = tpu.memref_slice %arg2[%add3A, %dma_start3A_293, %dma_start3A_294] : memref<32x1024x768xf32, #tpu.memory_space<hbm>> -> memref<1x32x768xf32, #tpu.memory_space<hbm>>
    %dma_start3A_296 = tpu.memref_squeeze %dma_start3A_295 : memref<1x32x768xf32, #tpu.memory_space<hbm>> -> memref<32x768xf32, #tpu.memory_space<hbm>>
    tpu.enqueue_dma source(%dma_start3A_296 : memref<32x768xf32, #tpu.memory_space<hbm>>) target(%arg8 : memref<32x768xf32, #tpu.memory_space<vmem>>) target_semaphore(%arg12 : memref<!tpu.dma_semaphore, #tpu.memory_space<semaphore_mem>>)
    %dma_wait3A_297 = arith.constant 224 : i32
    %dma_wait3A_298 = arith.constant 0 : i32
    %dma_wait3A_299 = tpu.memref_slice %arg2[%add3A, %dma_wait3A_297, %dma_wait3A_298] : memref<32x1024x768xf32, #tpu.memory_space<hbm>> -> memref<1x32x768xf32, #tpu.memory_space<hbm>>
    %dma_wait3A_300 = tpu.memref_squeeze %dma_wait3A_299 : memref<1x32x768xf32, #tpu.memory_space<hbm>> -> memref<32x768xf32, #tpu.memory_space<hbm>>
    %dma_wait3A_301 = arith.constant 224 : i32
    %dma_wait3A_302 = arith.constant 0 : i32
    %dma_wait3A_303 = tpu.memref_slice %arg2[%add3A, %dma_wait3A_301, %dma_wait3A_302] : memref<32x1024x768xf32, #tpu.memory_space<hbm>> -> memref<1x32x768xf32, #tpu.memory_space<hbm>>
    %dma_wait3A_304 = tpu.memref_squeeze %dma_wait3A_303 : memref<1x32x768xf32, #tpu.memory_space<hbm>> -> memref<32x768xf32, #tpu.memory_space<hbm>>
    tpu.wait_dma2 semaphore(%arg13 : memref<!tpu.dma_semaphore, #tpu.memory_space<semaphore_mem>>) src(%dma_wait3A_304 : memref<32x768xf32, #tpu.memory_space<hbm>>) dst(%arg9 : memref<32x768xf32, #tpu.memory_space<vmem>>)
    %dma_start3A_305 = arith.constant 7 : i32
    %dma_start3A_306 = arith.constant 0 : i32
    %dma_start3A_307 = tpu.memref_slice %arg5[%dma_start3A_305, %dma_start3A_306] : memref<32x32xi32, #tpu.memory_space<vmem>> -> memref<1x32xi32, #tpu.memory_space<vmem>>
    %dma_start3A_308 = tpu.memref_squeeze %dma_start3A_307 : memref<1x32xi32, #tpu.memory_space<vmem>> -> memref<32xi32, #tpu.memory_space<vmem>>
    %dma_start3A_309 = arith.constant 0 : i32
    %dma_start3A_310 = arith.constant 0 : i32
    %dma_start3A_311 = tpu.memref_slice %arg4[%add3A, %dma_start3A_309, %dma_start3A_310] : memref<32x1024x768xf32, #tpu.memory_space<hbm>> -> memref<1x1024x768xf32, #tpu.memory_space<hbm>>
    %dma_start3A_312 = tpu.memref_squeeze %dma_start3A_311 : memref<1x1024x768xf32, #tpu.memory_space<hbm>> -> memref<1024x768xf32, #tpu.memory_space<hbm>>
    %dma_start3A_313 = arith.constant 0 : i32
    %dma_start3A_314 = arith.constant 0 : i32
    %dma_start3A_315 = tpu.memref_slice %dma_start3A_312[%dma_start3A_313, %dma_start3A_314] : memref<1024x768xf32, #tpu.memory_space<hbm>> -> memref<1024x768xf32, #tpu.memory_space<hbm>>
    tpu.enqueue_indirect_dma source(%arg9 : memref<32x768xf32, #tpu.memory_space<vmem>>) target(%dma_start3A_315 : memref<1024x768xf32, #tpu.memory_space<hbm>>) offsets(%dma_start3A_308 : memref<32xi32, #tpu.memory_space<vmem>>) semaphore(%arg17 : memref<!tpu.dma_semaphore, #tpu.memory_space<semaphore_mem>>)
    %dma_wait3A_316 = arith.constant 7 : i32
    %dma_wait3A_317 = arith.constant 0 : i32
    %dma_wait3A_318 = tpu.memref_slice %arg5[%dma_wait3A_316, %dma_wait3A_317] : memref<32x32xi32, #tpu.memory_space<vmem>> -> memref<1x32xi32, #tpu.memory_space<vmem>>
    %dma_wait3A_319 = tpu.memref_squeeze %dma_wait3A_318 : memref<1x32xi32, #tpu.memory_space<vmem>> -> memref<32xi32, #tpu.memory_space<vmem>>
    %dma_wait3A_320 = arith.constant 0 : i32
    %dma_wait3A_321 = arith.constant 0 : i32
    %dma_wait3A_322 = tpu.memref_slice %arg4[%add3A, %dma_wait3A_320, %dma_wait3A_321] : memref<32x1024x768xf32, #tpu.memory_space<hbm>> -> memref<1x1024x768xf32, #tpu.memory_space<hbm>>
    %dma_wait3A_323 = tpu.memref_squeeze %dma_wait3A_322 : memref<1x1024x768xf32, #tpu.memory_space<hbm>> -> memref<1024x768xf32, #tpu.memory_space<hbm>>
    %dma_wait3A_324 = arith.constant 0 : i32
    %dma_wait3A_325 = arith.constant 0 : i32
    %dma_wait3A_326 = tpu.memref_slice %dma_wait3A_323[%dma_wait3A_324, %dma_wait3A_325] : memref<1024x768xf32, #tpu.memory_space<hbm>> -> memref<1024x768xf32, #tpu.memory_space<hbm>>
    tpu.wait_indirect_dma semaphore(%arg17 : memref<!tpu.dma_semaphore, #tpu.memory_space<semaphore_mem>>) src(%arg9 : memref<32x768xf32, #tpu.memory_space<vmem>>) dst(%dma_wait3A_326 : memref<1024x768xf32, #tpu.memory_space<hbm>>)
    %dma_start3A_327 = arith.constant 352 : i32
    %dma_start3A_328 = arith.constant 0 : i32
    %dma_start3A_329 = tpu.memref_slice %arg2[%add3A, %dma_start3A_327, %dma_start3A_328] : memref<32x1024x768xf32, #tpu.memory_space<hbm>> -> memref<1x32x768xf32, #tpu.memory_space<hbm>>
    %dma_start3A_330 = tpu.memref_squeeze %dma_start3A_329 : memref<1x32x768xf32, #tpu.memory_space<hbm>> -> memref<32x768xf32, #tpu.memory_space<hbm>>
    %dma_start3A_331 = arith.constant 352 : i32
    %dma_start3A_332 = arith.constant 0 : i32
    %dma_start3A_333 = tpu.memref_slice %arg2[%add3A, %dma_start3A_331, %dma_start3A_332] : memref<32x1024x768xf32, #tpu.memory_space<hbm>> -> memref<1x32x768xf32, #tpu.memory_space<hbm>>
    %dma_start3A_334 = tpu.memref_squeeze %dma_start3A_333 : memref<1x32x768xf32, #tpu.memory_space<hbm>> -> memref<32x768xf32, #tpu.memory_space<hbm>>
    tpu.enqueue_dma source(%dma_start3A_334 : memref<32x768xf32, #tpu.memory_space<hbm>>) target(%arg9 : memref<32x768xf32, #tpu.memory_space<vmem>>) target_semaphore(%arg13 : memref<!tpu.dma_semaphore, #tpu.memory_space<semaphore_mem>>)
    %dma_wait3A_335 = arith.constant 256 : i32
    %dma_wait3A_336 = arith.constant 0 : i32
    %dma_wait3A_337 = tpu.memref_slice %arg2[%add3A, %dma_wait3A_335, %dma_wait3A_336] : memref<32x1024x768xf32, #tpu.memory_space<hbm>> -> memref<1x32x768xf32, #tpu.memory_space<hbm>>
    %dma_wait3A_338 = tpu.memref_squeeze %dma_wait3A_337 : memref<1x32x768xf32, #tpu.memory_space<hbm>> -> memref<32x768xf32, #tpu.memory_space<hbm>>
    %dma_wait3A_339 = arith.constant 256 : i32
    %dma_wait3A_340 = arith.constant 0 : i32
    %dma_wait3A_341 = tpu.memref_slice %arg2[%add3A, %dma_wait3A_339, %dma_wait3A_340] : memref<32x1024x768xf32, #tpu.memory_space<hbm>> -> memref<1x32x768xf32, #tpu.memory_space<hbm>>
    %dma_wait3A_342 = tpu.memref_squeeze %dma_wait3A_341 : memref<1x32x768xf32, #tpu.memory_space<hbm>> -> memref<32x768xf32, #tpu.memory_space<hbm>>
    tpu.wait_dma2 semaphore(%arg10 : memref<!tpu.dma_semaphore, #tpu.memory_space<semaphore_mem>>) src(%dma_wait3A_342 : memref<32x768xf32, #tpu.memory_space<hbm>>) dst(%arg6 : memref<32x768xf32, #tpu.memory_space<vmem>>)
    %dma_start3A_343 = arith.constant 8 : i32
    %dma_start3A_344 = arith.constant 0 : i32
    %dma_start3A_345 = tpu.memref_slice %arg5[%dma_start3A_343, %dma_start3A_344] : memref<32x32xi32, #tpu.memory_space<vmem>> -> memref<1x32xi32, #tpu.memory_space<vmem>>
    %dma_start3A_346 = tpu.memref_squeeze %dma_start3A_345 : memref<1x32xi32, #tpu.memory_space<vmem>> -> memref<32xi32, #tpu.memory_space<vmem>>
    %dma_start3A_347 = arith.constant 0 : i32
    %dma_start3A_348 = arith.constant 0 : i32
    %dma_start3A_349 = tpu.memref_slice %arg4[%add3A, %dma_start3A_347, %dma_start3A_348] : memref<32x1024x768xf32, #tpu.memory_space<hbm>> -> memref<1x1024x768xf32, #tpu.memory_space<hbm>>
    %dma_start3A_350 = tpu.memref_squeeze %dma_start3A_349 : memref<1x1024x768xf32, #tpu.memory_space<hbm>> -> memref<1024x768xf32, #tpu.memory_space<hbm>>
    %dma_start3A_351 = arith.constant 0 : i32
    %dma_start3A_352 = arith.constant 0 : i32
    %dma_start3A_353 = tpu.memref_slice %dma_start3A_350[%dma_start3A_351, %dma_start3A_352] : memref<1024x768xf32, #tpu.memory_space<hbm>> -> memref<1024x768xf32, #tpu.memory_space<hbm>>
    tpu.enqueue_indirect_dma source(%arg6 : memref<32x768xf32, #tpu.memory_space<vmem>>) target(%dma_start3A_353 : memref<1024x768xf32, #tpu.memory_space<hbm>>) offsets(%dma_start3A_346 : memref<32xi32, #tpu.memory_space<vmem>>) semaphore(%arg14 : memref<!tpu.dma_semaphore, #tpu.memory_space<semaphore_mem>>)
    %dma_wait3A_354 = arith.constant 8 : i32
    %dma_wait3A_355 = arith.constant 0 : i32
    %dma_wait3A_356 = tpu.memref_slice %arg5[%dma_wait3A_354, %dma_wait3A_355] : memref<32x32xi32, #tpu.memory_space<vmem>> -> memref<1x32xi32, #tpu.memory_space<vmem>>
    %dma_wait3A_357 = tpu.memref_squeeze %dma_wait3A_356 : memref<1x32xi32, #tpu.memory_space<vmem>> -> memref<32xi32, #tpu.memory_space<vmem>>
    %dma_wait3A_358 = arith.constant 0 : i32
    %dma_wait3A_359 = arith.constant 0 : i32
    %dma_wait3A_360 = tpu.memref_slice %arg4[%add3A, %dma_wait3A_358, %dma_wait3A_359] : memref<32x1024x768xf32, #tpu.memory_space<hbm>> -> memref<1x1024x768xf32, #tpu.memory_space<hbm>>
    %dma_wait3A_361 = tpu.memref_squeeze %dma_wait3A_360 : memref<1x1024x768xf32, #tpu.memory_space<hbm>> -> memref<1024x768xf32, #tpu.memory_space<hbm>>
    %dma_wait3A_362 = arith.constant 0 : i32
    %dma_wait3A_363 = arith.constant 0 : i32
    %dma_wait3A_364 = tpu.memref_slice %dma_wait3A_361[%dma_wait3A_362, %dma_wait3A_363] : memref<1024x768xf32, #tpu.memory_space<hbm>> -> memref<1024x768xf32, #tpu.memory_space<hbm>>
    tpu.wait_indirect_dma semaphore(%arg14 : memref<!tpu.dma_semaphore, #tpu.memory_space<semaphore_mem>>) src(%arg6 : memref<32x768xf32, #tpu.memory_space<vmem>>) dst(%dma_wait3A_364 : memref<1024x768xf32, #tpu.memory_space<hbm>>)
    %dma_start3A_365 = arith.constant 384 : i32
    %dma_start3A_366 = arith.constant 0 : i32
    %dma_start3A_367 = tpu.memref_slice %arg2[%add3A, %dma_start3A_365, %dma_start3A_366] : memref<32x1024x768xf32, #tpu.memory_space<hbm>> -> memref<1x32x768xf32, #tpu.memory_space<hbm>>
    %dma_start3A_368 = tpu.memref_squeeze %dma_start3A_367 : memref<1x32x768xf32, #tpu.memory_space<hbm>> -> memref<32x768xf32, #tpu.memory_space<hbm>>
    %dma_start3A_369 = arith.constant 384 : i32
    %dma_start3A_370 = arith.constant 0 : i32
    %dma_start3A_371 = tpu.memref_slice %arg2[%add3A, %dma_start3A_369, %dma_start3A_370] : memref<32x1024x768xf32, #tpu.memory_space<hbm>> -> memref<1x32x768xf32, #tpu.memory_space<hbm>>
    %dma_start3A_372 = tpu.memref_squeeze %dma_start3A_371 : memref<1x32x768xf32, #tpu.memory_space<hbm>> -> memref<32x768xf32, #tpu.memory_space<hbm>>
    tpu.enqueue_dma source(%dma_start3A_372 : memref<32x768xf32, #tpu.memory_space<hbm>>) target(%arg6 : memref<32x768xf32, #tpu.memory_space<vmem>>) target_semaphore(%arg10 : memref<!tpu.dma_semaphore, #tpu.memory_space<semaphore_mem>>)
    %dma_wait3A_373 = arith.constant 288 : i32
    %dma_wait3A_374 = arith.constant 0 : i32
    %dma_wait3A_375 = tpu.memref_slice %arg2[%add3A, %dma_wait3A_373, %dma_wait3A_374] : memref<32x1024x768xf32, #tpu.memory_space<hbm>> -> memref<1x32x768xf32, #tpu.memory_space<hbm>>
    %dma_wait3A_376 = tpu.memref_squeeze %dma_wait3A_375 : memref<1x32x768xf32, #tpu.memory_space<hbm>> -> memref<32x768xf32, #tpu.memory_space<hbm>>
    %dma_wait3A_377 = arith.constant 288 : i32
    %dma_wait3A_378 = arith.constant 0 : i32
    %dma_wait3A_379 = tpu.memref_slice %arg2[%add3A, %dma_wait3A_377, %dma_wait3A_378] : memref<32x1024x768xf32, #tpu.memory_space<hbm>> -> memref<1x32x768xf32, #tpu.memory_space<hbm>>
    %dma_wait3A_380 = tpu.memref_squeeze %dma_wait3A_379 : memref<1x32x768xf32, #tpu.memory_space<hbm>> -> memref<32x768xf32, #tpu.memory_space<hbm>>
    tpu.wait_dma2 semaphore(%arg11 : memref<!tpu.dma_semaphore, #tpu.memory_space<semaphore_mem>>) src(%dma_wait3A_380 : memref<32x768xf32, #tpu.memory_space<hbm>>) dst(%arg7 : memref<32x768xf32, #tpu.memory_space<vmem>>)
    %dma_start3A_381 = arith.constant 9 : i32
    %dma_start3A_382 = arith.constant 0 : i32
    %dma_start3A_383 = tpu.memref_slice %arg5[%dma_start3A_381, %dma_start3A_382] : memref<32x32xi32, #tpu.memory_space<vmem>> -> memref<1x32xi32, #tpu.memory_space<vmem>>
    %dma_start3A_384 = tpu.memref_squeeze %dma_start3A_383 : memref<1x32xi32, #tpu.memory_space<vmem>> -> memref<32xi32, #tpu.memory_space<vmem>>
    %dma_start3A_385 = arith.constant 0 : i32
    %dma_start3A_386 = arith.constant 0 : i32
    %dma_start3A_387 = tpu.memref_slice %arg4[%add3A, %dma_start3A_385, %dma_start3A_386] : memref<32x1024x768xf32, #tpu.memory_space<hbm>> -> memref<1x1024x768xf32, #tpu.memory_space<hbm>>
    %dma_start3A_388 = tpu.memref_squeeze %dma_start3A_387 : memref<1x1024x768xf32, #tpu.memory_space<hbm>> -> memref<1024x768xf32, #tpu.memory_space<hbm>>
    %dma_start3A_389 = arith.constant 0 : i32
    %dma_start3A_390 = arith.constant 0 : i32
    %dma_start3A_391 = tpu.memref_slice %dma_start3A_388[%dma_start3A_389, %dma_start3A_390] : memref<1024x768xf32, #tpu.memory_space<hbm>> -> memref<1024x768xf32, #tpu.memory_space<hbm>>
    tpu.enqueue_indirect_dma source(%arg7 : memref<32x768xf32, #tpu.memory_space<vmem>>) target(%dma_start3A_391 : memref<1024x768xf32, #tpu.memory_space<hbm>>) offsets(%dma_start3A_384 : memref<32xi32, #tpu.memory_space<vmem>>) semaphore(%arg15 : memref<!tpu.dma_semaphore, #tpu.memory_space<semaphore_mem>>)
    %dma_wait3A_392 = arith.constant 9 : i32
    %dma_wait3A_393 = arith.constant 0 : i32
    %dma_wait3A_394 = tpu.memref_slice %arg5[%dma_wait3A_392, %dma_wait3A_393] : memref<32x32xi32, #tpu.memory_space<vmem>> -> memref<1x32xi32, #tpu.memory_space<vmem>>
    %dma_wait3A_395 = tpu.memref_squeeze %dma_wait3A_394 : memref<1x32xi32, #tpu.memory_space<vmem>> -> memref<32xi32, #tpu.memory_space<vmem>>
    %dma_wait3A_396 = arith.constant 0 : i32
    %dma_wait3A_397 = arith.constant 0 : i32
    %dma_wait3A_398 = tpu.memref_slice %arg4[%add3A, %dma_wait3A_396, %dma_wait3A_397] : memref<32x1024x768xf32, #tpu.memory_space<hbm>> -> memref<1x1024x768xf32, #tpu.memory_space<hbm>>
    %dma_wait3A_399 = tpu.memref_squeeze %dma_wait3A_398 : memref<1x1024x768xf32, #tpu.memory_space<hbm>> -> memref<1024x768xf32, #tpu.memory_space<hbm>>
    %dma_wait3A_400 = arith.constant 0 : i32
    %dma_wait3A_401 = arith.constant 0 : i32
    %dma_wait3A_402 = tpu.memref_slice %dma_wait3A_399[%dma_wait3A_400, %dma_wait3A_401] : memref<1024x768xf32, #tpu.memory_space<hbm>> -> memref<1024x768xf32, #tpu.memory_space<hbm>>
    tpu.wait_indirect_dma semaphore(%arg15 : memref<!tpu.dma_semaphore, #tpu.memory_space<semaphore_mem>>) src(%arg7 : memref<32x768xf32, #tpu.memory_space<vmem>>) dst(%dma_wait3A_402 : memref<1024x768xf32, #tpu.memory_space<hbm>>)
    %dma_start3A_403 = arith.constant 416 : i32
    %dma_start3A_404 = arith.constant 0 : i32
    %dma_start3A_405 = tpu.memref_slice %arg2[%add3A, %dma_start3A_403, %dma_start3A_404] : memref<32x1024x768xf32, #tpu.memory_space<hbm>> -> memref<1x32x768xf32, #tpu.memory_space<hbm>>
    %dma_start3A_406 = tpu.memref_squeeze %dma_start3A_405 : memref<1x32x768xf32, #tpu.memory_space<hbm>> -> memref<32x768xf32, #tpu.memory_space<hbm>>
    %dma_start3A_407 = arith.constant 416 : i32
    %dma_start3A_408 = arith.constant 0 : i32
    %dma_start3A_409 = tpu.memref_slice %arg2[%add3A, %dma_start3A_407, %dma_start3A_408] : memref<32x1024x768xf32, #tpu.memory_space<hbm>> -> memref<1x32x768xf32, #tpu.memory_space<hbm>>
    %dma_start3A_410 = tpu.memref_squeeze %dma_start3A_409 : memref<1x32x768xf32, #tpu.memory_space<hbm>> -> memref<32x768xf32, #tpu.memory_space<hbm>>
    tpu.enqueue_dma source(%dma_start3A_410 : memref<32x768xf32, #tpu.memory_space<hbm>>) target(%arg7 : memref<32x768xf32, #tpu.memory_space<vmem>>) target_semaphore(%arg11 : memref<!tpu.dma_semaphore, #tpu.memory_space<semaphore_mem>>)
    %dma_wait3A_411 = arith.constant 320 : i32
    %dma_wait3A_412 = arith.constant 0 : i32
    %dma_wait3A_413 = tpu.memref_slice %arg2[%add3A, %dma_wait3A_411, %dma_wait3A_412] : memref<32x1024x768xf32, #tpu.memory_space<hbm>> -> memref<1x32x768xf32, #tpu.memory_space<hbm>>
    %dma_wait3A_414 = tpu.memref_squeeze %dma_wait3A_413 : memref<1x32x768xf32, #tpu.memory_space<hbm>> -> memref<32x768xf32, #tpu.memory_space<hbm>>
    %dma_wait3A_415 = arith.constant 320 : i32
    %dma_wait3A_416 = arith.constant 0 : i32
    %dma_wait3A_417 = tpu.memref_slice %arg2[%add3A, %dma_wait3A_415, %dma_wait3A_416] : memref<32x1024x768xf32, #tpu.memory_space<hbm>> -> memref<1x32x768xf32, #tpu.memory_space<hbm>>
    %dma_wait3A_418 = tpu.memref_squeeze %dma_wait3A_417 : memref<1x32x768xf32, #tpu.memory_space<hbm>> -> memref<32x768xf32, #tpu.memory_space<hbm>>
    tpu.wait_dma2 semaphore(%arg12 : memref<!tpu.dma_semaphore, #tpu.memory_space<semaphore_mem>>) src(%dma_wait3A_418 : memref<32x768xf32, #tpu.memory_space<hbm>>) dst(%arg8 : memref<32x768xf32, #tpu.memory_space<vmem>>)
    %dma_start3A_419 = arith.constant 10 : i32
    %dma_start3A_420 = arith.constant 0 : i32
    %dma_start3A_421 = tpu.memref_slice %arg5[%dma_start3A_419, %dma_start3A_420] : memref<32x32xi32, #tpu.memory_space<vmem>> -> memref<1x32xi32, #tpu.memory_space<vmem>>
    %dma_start3A_422 = tpu.memref_squeeze %dma_start3A_421 : memref<1x32xi32, #tpu.memory_space<vmem>> -> memref<32xi32, #tpu.memory_space<vmem>>
    %dma_start3A_423 = arith.constant 0 : i32
    %dma_start3A_424 = arith.constant 0 : i32
    %dma_start3A_425 = tpu.memref_slice %arg4[%add3A, %dma_start3A_423, %dma_start3A_424] : memref<32x1024x768xf32, #tpu.memory_space<hbm>> -> memref<1x1024x768xf32, #tpu.memory_space<hbm>>
    %dma_start3A_426 = tpu.memref_squeeze %dma_start3A_425 : memref<1x1024x768xf32, #tpu.memory_space<hbm>> -> memref<1024x768xf32, #tpu.memory_space<hbm>>
    %dma_start3A_427 = arith.constant 0 : i32
    %dma_start3A_428 = arith.constant 0 : i32
    %dma_start3A_429 = tpu.memref_slice %dma_start3A_426[%dma_start3A_427, %dma_start3A_428] : memref<1024x768xf32, #tpu.memory_space<hbm>> -> memref<1024x768xf32, #tpu.memory_space<hbm>>
    tpu.enqueue_indirect_dma source(%arg8 : memref<32x768xf32, #tpu.memory_space<vmem>>) target(%dma_start3A_429 : memref<1024x768xf32, #tpu.memory_space<hbm>>) offsets(%dma_start3A_422 : memref<32xi32, #tpu.memory_space<vmem>>) semaphore(%arg16 : memref<!tpu.dma_semaphore, #tpu.memory_space<semaphore_mem>>)
    %dma_wait3A_430 = arith.constant 10 : i32
    %dma_wait3A_431 = arith.constant 0 : i32
    %dma_wait3A_432 = tpu.memref_slice %arg5[%dma_wait3A_430, %dma_wait3A_431] : memref<32x32xi32, #tpu.memory_space<vmem>> -> memref<1x32xi32, #tpu.memory_space<vmem>>
    %dma_wait3A_433 = tpu.memref_squeeze %dma_wait3A_432 : memref<1x32xi32, #tpu.memory_space<vmem>> -> memref<32xi32, #tpu.memory_space<vmem>>
    %dma_wait3A_434 = arith.constant 0 : i32
    %dma_wait3A_435 = arith.constant 0 : i32
    %dma_wait3A_436 = tpu.memref_slice %arg4[%add3A, %dma_wait3A_434, %dma_wait3A_435] : memref<32x1024x768xf32, #tpu.memory_space<hbm>> -> memref<1x1024x768xf32, #tpu.memory_space<hbm>>
    %dma_wait3A_437 = tpu.memref_squeeze %dma_wait3A_436 : memref<1x1024x768xf32, #tpu.memory_space<hbm>> -> memref<1024x768xf32, #tpu.memory_space<hbm>>
    %dma_wait3A_438 = arith.constant 0 : i32
    %dma_wait3A_439 = arith.constant 0 : i32
    %dma_wait3A_440 = tpu.memref_slice %dma_wait3A_437[%dma_wait3A_438, %dma_wait3A_439] : memref<1024x768xf32, #tpu.memory_space<hbm>> -> memref<1024x768xf32, #tpu.memory_space<hbm>>
    tpu.wait_indirect_dma semaphore(%arg16 : memref<!tpu.dma_semaphore, #tpu.memory_space<semaphore_mem>>) src(%arg8 : memref<32x768xf32, #tpu.memory_space<vmem>>) dst(%dma_wait3A_440 : memref<1024x768xf32, #tpu.memory_space<hbm>>)
    %dma_start3A_441 = arith.constant 448 : i32
    %dma_start3A_442 = arith.constant 0 : i32
    %dma_start3A_443 = tpu.memref_slice %arg2[%add3A, %dma_start3A_441, %dma_start3A_442] : memref<32x1024x768xf32, #tpu.memory_space<hbm>> -> memref<1x32x768xf32, #tpu.memory_space<hbm>>
    %dma_start3A_444 = tpu.memref_squeeze %dma_start3A_443 : memref<1x32x768xf32, #tpu.memory_space<hbm>> -> memref<32x768xf32, #tpu.memory_space<hbm>>
    %dma_start3A_445 = arith.constant 448 : i32
    %dma_start3A_446 = arith.constant 0 : i32
    %dma_start3A_447 = tpu.memref_slice %arg2[%add3A, %dma_start3A_445, %dma_start3A_446] : memref<32x1024x768xf32, #tpu.memory_space<hbm>> -> memref<1x32x768xf32, #tpu.memory_space<hbm>>
    %dma_start3A_448 = tpu.memref_squeeze %dma_start3A_447 : memref<1x32x768xf32, #tpu.memory_space<hbm>> -> memref<32x768xf32, #tpu.memory_space<hbm>>
    tpu.enqueue_dma source(%dma_start3A_448 : memref<32x768xf32, #tpu.memory_space<hbm>>) target(%arg8 : memref<32x768xf32, #tpu.memory_space<vmem>>) target_semaphore(%arg12 : memref<!tpu.dma_semaphore, #tpu.memory_space<semaphore_mem>>)
    %dma_wait3A_449 = arith.constant 352 : i32
    %dma_wait3A_450 = arith.constant 0 : i32
    %dma_wait3A_451 = tpu.memref_slice %arg2[%add3A, %dma_wait3A_449, %dma_wait3A_450] : memref<32x1024x768xf32, #tpu.memory_space<hbm>> -> memref<1x32x768xf32, #tpu.memory_space<hbm>>
    %dma_wait3A_452 = tpu.memref_squeeze %dma_wait3A_451 : memref<1x32x768xf32, #tpu.memory_space<hbm>> -> memref<32x768xf32, #tpu.memory_space<hbm>>
    %dma_wait3A_453 = arith.constant 352 : i32
    %dma_wait3A_454 = arith.constant 0 : i32
    %dma_wait3A_455 = tpu.memref_slice %arg2[%add3A, %dma_wait3A_453, %dma_wait3A_454] : memref<32x1024x768xf32, #tpu.memory_space<hbm>> -> memref<1x32x768xf32, #tpu.memory_space<hbm>>
    %dma_wait3A_456 = tpu.memref_squeeze %dma_wait3A_455 : memref<1x32x768xf32, #tpu.memory_space<hbm>> -> memref<32x768xf32, #tpu.memory_space<hbm>>
    tpu.wait_dma2 semaphore(%arg13 : memref<!tpu.dma_semaphore, #tpu.memory_space<semaphore_mem>>) src(%dma_wait3A_456 : memref<32x768xf32, #tpu.memory_space<hbm>>) dst(%arg9 : memref<32x768xf32, #tpu.memory_space<vmem>>)
    %dma_start3A_457 = arith.constant 11 : i32
    %dma_start3A_458 = arith.constant 0 : i32
    %dma_start3A_459 = tpu.memref_slice %arg5[%dma_start3A_457, %dma_start3A_458] : memref<32x32xi32, #tpu.memory_space<vmem>> -> memref<1x32xi32, #tpu.memory_space<vmem>>
    %dma_start3A_460 = tpu.memref_squeeze %dma_start3A_459 : memref<1x32xi32, #tpu.memory_space<vmem>> -> memref<32xi32, #tpu.memory_space<vmem>>
    %dma_start3A_461 = arith.constant 0 : i32
    %dma_start3A_462 = arith.constant 0 : i32
    %dma_start3A_463 = tpu.memref_slice %arg4[%add3A, %dma_start3A_461, %dma_start3A_462] : memref<32x1024x768xf32, #tpu.memory_space<hbm>> -> memref<1x1024x768xf32, #tpu.memory_space<hbm>>
    %dma_start3A_464 = tpu.memref_squeeze %dma_start3A_463 : memref<1x1024x768xf32, #tpu.memory_space<hbm>> -> memref<1024x768xf32, #tpu.memory_space<hbm>>
    %dma_start3A_465 = arith.constant 0 : i32
    %dma_start3A_466 = arith.constant 0 : i32
    %dma_start3A_467 = tpu.memref_slice %dma_start3A_464[%dma_start3A_465, %dma_start3A_466] : memref<1024x768xf32, #tpu.memory_space<hbm>> -> memref<1024x768xf32, #tpu.memory_space<hbm>>
    tpu.enqueue_indirect_dma source(%arg9 : memref<32x768xf32, #tpu.memory_space<vmem>>) target(%dma_start3A_467 : memref<1024x768xf32, #tpu.memory_space<hbm>>) offsets(%dma_start3A_460 : memref<32xi32, #tpu.memory_space<vmem>>) semaphore(%arg17 : memref<!tpu.dma_semaphore, #tpu.memory_space<semaphore_mem>>)
    %dma_wait3A_468 = arith.constant 11 : i32
    %dma_wait3A_469 = arith.constant 0 : i32
    %dma_wait3A_470 = tpu.memref_slice %arg5[%dma_wait3A_468, %dma_wait3A_469] : memref<32x32xi32, #tpu.memory_space<vmem>> -> memref<1x32xi32, #tpu.memory_space<vmem>>
    %dma_wait3A_471 = tpu.memref_squeeze %dma_wait3A_470 : memref<1x32xi32, #tpu.memory_space<vmem>> -> memref<32xi32, #tpu.memory_space<vmem>>
    %dma_wait3A_472 = arith.constant 0 : i32
    %dma_wait3A_473 = arith.constant 0 : i32
    %dma_wait3A_474 = tpu.memref_slice %arg4[%add3A, %dma_wait3A_472, %dma_wait3A_473] : memref<32x1024x768xf32, #tpu.memory_space<hbm>> -> memref<1x1024x768xf32, #tpu.memory_space<hbm>>
    %dma_wait3A_475 = tpu.memref_squeeze %dma_wait3A_474 : memref<1x1024x768xf32, #tpu.memory_space<hbm>> -> memref<1024x768xf32, #tpu.memory_space<hbm>>
    %dma_wait3A_476 = arith.constant 0 : i32
    %dma_wait3A_477 = arith.constant 0 : i32
    %dma_wait3A_478 = tpu.memref_slice %dma_wait3A_475[%dma_wait3A_476, %dma_wait3A_477] : memref<1024x768xf32, #tpu.memory_space<hbm>> -> memref<1024x768xf32, #tpu.memory_space<hbm>>
    tpu.wait_indirect_dma semaphore(%arg17 : memref<!tpu.dma_semaphore, #tpu.memory_space<semaphore_mem>>) src(%arg9 : memref<32x768xf32, #tpu.memory_space<vmem>>) dst(%dma_wait3A_478 : memref<1024x768xf32, #tpu.memory_space<hbm>>)
    %dma_start3A_479 = arith.constant 480 : i32
    %dma_start3A_480 = arith.constant 0 : i32
    %dma_start3A_481 = tpu.memref_slice %arg2[%add3A, %dma_start3A_479, %dma_start3A_480] : memref<32x1024x768xf32, #tpu.memory_space<hbm>> -> memref<1x32x768xf32, #tpu.memory_space<hbm>>
    %dma_start3A_482 = tpu.memref_squeeze %dma_start3A_481 : memref<1x32x768xf32, #tpu.memory_space<hbm>> -> memref<32x768xf32, #tpu.memory_space<hbm>>
    %dma_start3A_483 = arith.constant 480 : i32
    %dma_start3A_484 = arith.constant 0 : i32
    %dma_start3A_485 = tpu.memref_slice %arg2[%add3A, %dma_start3A_483, %dma_start3A_484] : memref<32x1024x768xf32, #tpu.memory_space<hbm>> -> memref<1x32x768xf32, #tpu.memory_space<hbm>>
    %dma_start3A_486 = tpu.memref_squeeze %dma_start3A_485 : memref<1x32x768xf32, #tpu.memory_space<hbm>> -> memref<32x768xf32, #tpu.memory_space<hbm>>
    tpu.enqueue_dma source(%dma_start3A_486 : memref<32x768xf32, #tpu.memory_space<hbm>>) target(%arg9 : memref<32x768xf32, #tpu.memory_space<vmem>>) target_semaphore(%arg13 : memref<!tpu.dma_semaphore, #tpu.memory_space<semaphore_mem>>)
    %dma_wait3A_487 = arith.constant 384 : i32
    %dma_wait3A_488 = arith.constant 0 : i32
    %dma_wait3A_489 = tpu.memref_slice %arg2[%add3A, %dma_wait3A_487, %dma_wait3A_488] : memref<32x1024x768xf32, #tpu.memory_space<hbm>> -> memref<1x32x768xf32, #tpu.memory_space<hbm>>
    %dma_wait3A_490 = tpu.memref_squeeze %dma_wait3A_489 : memref<1x32x768xf32, #tpu.memory_space<hbm>> -> memref<32x768xf32, #tpu.memory_space<hbm>>
    %dma_wait3A_491 = arith.constant 384 : i32
    %dma_wait3A_492 = arith.constant 0 : i32
    %dma_wait3A_493 = tpu.memref_slice %arg2[%add3A, %dma_wait3A_491, %dma_wait3A_492] : memref<32x1024x768xf32, #tpu.memory_space<hbm>> -> memref<1x32x768xf32, #tpu.memory_space<hbm>>
    %dma_wait3A_494 = tpu.memref_squeeze %dma_wait3A_493 : memref<1x32x768xf32, #tpu.memory_space<hbm>> -> memref<32x768xf32, #tpu.memory_space<hbm>>
    tpu.wait_dma2 semaphore(%arg10 : memref<!tpu.dma_semaphore, #tpu.memory_space<semaphore_mem>>) src(%dma_wait3A_494 : memref<32x768xf32, #tpu.memory_space<hbm>>) dst(%arg6 : memref<32x768xf32, #tpu.memory_space<vmem>>)
    %dma_start3A_495 = arith.constant 12 : i32
    %dma_start3A_496 = arith.constant 0 : i32
    %dma_start3A_497 = tpu.memref_slice %arg5[%dma_start3A_495, %dma_start3A_496] : memref<32x32xi32, #tpu.memory_space<vmem>> -> memref<1x32xi32, #tpu.memory_space<vmem>>
    %dma_start3A_498 = tpu.memref_squeeze %dma_start3A_497 : memref<1x32xi32, #tpu.memory_space<vmem>> -> memref<32xi32, #tpu.memory_space<vmem>>
    %dma_start3A_499 = arith.constant 0 : i32
    %dma_start3A_500 = arith.constant 0 : i32
    %dma_start3A_501 = tpu.memref_slice %arg4[%add3A, %dma_start3A_499, %dma_start3A_500] : memref<32x1024x768xf32, #tpu.memory_space<hbm>> -> memref<1x1024x768xf32, #tpu.memory_space<hbm>>
    %dma_start3A_502 = tpu.memref_squeeze %dma_start3A_501 : memref<1x1024x768xf32, #tpu.memory_space<hbm>> -> memref<1024x768xf32, #tpu.memory_space<hbm>>
    %dma_start3A_503 = arith.constant 0 : i32
    %dma_start3A_504 = arith.constant 0 : i32
    %dma_start3A_505 = tpu.memref_slice %dma_start3A_502[%dma_start3A_503, %dma_start3A_504] : memref<1024x768xf32, #tpu.memory_space<hbm>> -> memref<1024x768xf32, #tpu.memory_space<hbm>>
    tpu.enqueue_indirect_dma source(%arg6 : memref<32x768xf32, #tpu.memory_space<vmem>>) target(%dma_start3A_505 : memref<1024x768xf32, #tpu.memory_space<hbm>>) offsets(%dma_start3A_498 : memref<32xi32, #tpu.memory_space<vmem>>) semaphore(%arg14 : memref<!tpu.dma_semaphore, #tpu.memory_space<semaphore_mem>>)
    %dma_wait3A_506 = arith.constant 12 : i32
    %dma_wait3A_507 = arith.constant 0 : i32
    %dma_wait3A_508 = tpu.memref_slice %arg5[%dma_wait3A_506, %dma_wait3A_507] : memref<32x32xi32, #tpu.memory_space<vmem>> -> memref<1x32xi32, #tpu.memory_space<vmem>>
    %dma_wait3A_509 = tpu.memref_squeeze %dma_wait3A_508 : memref<1x32xi32, #tpu.memory_space<vmem>> -> memref<32xi32, #tpu.memory_space<vmem>>
    %dma_wait3A_510 = arith.constant 0 : i32
    %dma_wait3A_511 = arith.constant 0 : i32
    %dma_wait3A_512 = tpu.memref_slice %arg4[%add3A, %dma_wait3A_510, %dma_wait3A_511] : memref<32x1024x768xf32, #tpu.memory_space<hbm>> -> memref<1x1024x768xf32, #tpu.memory_space<hbm>>
    %dma_wait3A_513 = tpu.memref_squeeze %dma_wait3A_512 : memref<1x1024x768xf32, #tpu.memory_space<hbm>> -> memref<1024x768xf32, #tpu.memory_space<hbm>>
    %dma_wait3A_514 = arith.constant 0 : i32
    %dma_wait3A_515 = arith.constant 0 : i32
    %dma_wait3A_516 = tpu.memref_slice %dma_wait3A_513[%dma_wait3A_514, %dma_wait3A_515] : memref<1024x768xf32, #tpu.memory_space<hbm>> -> memref<1024x768xf32, #tpu.memory_space<hbm>>
    tpu.wait_indirect_dma semaphore(%arg14 : memref<!tpu.dma_semaphore, #tpu.memory_space<semaphore_mem>>) src(%arg6 : memref<32x768xf32, #tpu.memory_space<vmem>>) dst(%dma_wait3A_516 : memref<1024x768xf32, #tpu.memory_space<hbm>>)
    %dma_start3A_517 = arith.constant 512 : i32
    %dma_start3A_518 = arith.constant 0 : i32
    %dma_start3A_519 = tpu.memref_slice %arg2[%add3A, %dma_start3A_517, %dma_start3A_518] : memref<32x1024x768xf32, #tpu.memory_space<hbm>> -> memref<1x32x768xf32, #tpu.memory_space<hbm>>
    %dma_start3A_520 = tpu.memref_squeeze %dma_start3A_519 : memref<1x32x768xf32, #tpu.memory_space<hbm>> -> memref<32x768xf32, #tpu.memory_space<hbm>>
    %dma_start3A_521 = arith.constant 512 : i32
    %dma_start3A_522 = arith.constant 0 : i32
    %dma_start3A_523 = tpu.memref_slice %arg2[%add3A, %dma_start3A_521, %dma_start3A_522] : memref<32x1024x768xf32, #tpu.memory_space<hbm>> -> memref<1x32x768xf32, #tpu.memory_space<hbm>>
    %dma_start3A_524 = tpu.memref_squeeze %dma_start3A_523 : memref<1x32x768xf32, #tpu.memory_space<hbm>> -> memref<32x768xf32, #tpu.memory_space<hbm>>
    tpu.enqueue_dma source(%dma_start3A_524 : memref<32x768xf32, #tpu.memory_space<hbm>>) target(%arg6 : memref<32x768xf32, #tpu.memory_space<vmem>>) target_semaphore(%arg10 : memref<!tpu.dma_semaphore, #tpu.memory_space<semaphore_mem>>)
    %dma_wait3A_525 = arith.constant 416 : i32
    %dma_wait3A_526 = arith.constant 0 : i32
    %dma_wait3A_527 = tpu.memref_slice %arg2[%add3A, %dma_wait3A_525, %dma_wait3A_526] : memref<32x1024x768xf32, #tpu.memory_space<hbm>> -> memref<1x32x768xf32, #tpu.memory_space<hbm>>
    %dma_wait3A_528 = tpu.memref_squeeze %dma_wait3A_527 : memref<1x32x768xf32, #tpu.memory_space<hbm>> -> memref<32x768xf32, #tpu.memory_space<hbm>>
    %dma_wait3A_529 = arith.constant 416 : i32
    %dma_wait3A_530 = arith.constant 0 : i32
    %dma_wait3A_531 = tpu.memref_slice %arg2[%add3A, %dma_wait3A_529, %dma_wait3A_530] : memref<32x1024x768xf32, #tpu.memory_space<hbm>> -> memref<1x32x768xf32, #tpu.memory_space<hbm>>
    %dma_wait3A_532 = tpu.memref_squeeze %dma_wait3A_531 : memref<1x32x768xf32, #tpu.memory_space<hbm>> -> memref<32x768xf32, #tpu.memory_space<hbm>>
    tpu.wait_dma2 semaphore(%arg11 : memref<!tpu.dma_semaphore, #tpu.memory_space<semaphore_mem>>) src(%dma_wait3A_532 : memref<32x768xf32, #tpu.memory_space<hbm>>) dst(%arg7 : memref<32x768xf32, #tpu.memory_space<vmem>>)
    %dma_start3A_533 = arith.constant 13 : i32
    %dma_start3A_534 = arith.constant 0 : i32
    %dma_start3A_535 = tpu.memref_slice %arg5[%dma_start3A_533, %dma_start3A_534] : memref<32x32xi32, #tpu.memory_space<vmem>> -> memref<1x32xi32, #tpu.memory_space<vmem>>
    %dma_start3A_536 = tpu.memref_squeeze %dma_start3A_535 : memref<1x32xi32, #tpu.memory_space<vmem>> -> memref<32xi32, #tpu.memory_space<vmem>>
    %dma_start3A_537 = arith.constant 0 : i32
    %dma_start3A_538 = arith.constant 0 : i32
    %dma_start3A_539 = tpu.memref_slice %arg4[%add3A, %dma_start3A_537, %dma_start3A_538] : memref<32x1024x768xf32, #tpu.memory_space<hbm>> -> memref<1x1024x768xf32, #tpu.memory_space<hbm>>
    %dma_start3A_540 = tpu.memref_squeeze %dma_start3A_539 : memref<1x1024x768xf32, #tpu.memory_space<hbm>> -> memref<1024x768xf32, #tpu.memory_space<hbm>>
    %dma_start3A_541 = arith.constant 0 : i32
    %dma_start3A_542 = arith.constant 0 : i32
    %dma_start3A_543 = tpu.memref_slice %dma_start3A_540[%dma_start3A_541, %dma_start3A_542] : memref<1024x768xf32, #tpu.memory_space<hbm>> -> memref<1024x768xf32, #tpu.memory_space<hbm>>
    tpu.enqueue_indirect_dma source(%arg7 : memref<32x768xf32, #tpu.memory_space<vmem>>) target(%dma_start3A_543 : memref<1024x768xf32, #tpu.memory_space<hbm>>) offsets(%dma_start3A_536 : memref<32xi32, #tpu.memory_space<vmem>>) semaphore(%arg15 : memref<!tpu.dma_semaphore, #tpu.memory_space<semaphore_mem>>)
    %dma_wait3A_544 = arith.constant 13 : i32
    %dma_wait3A_545 = arith.constant 0 : i32
    %dma_wait3A_546 = tpu.memref_slice %arg5[%dma_wait3A_544, %dma_wait3A_545] : memref<32x32xi32, #tpu.memory_space<vmem>> -> memref<1x32xi32, #tpu.memory_space<vmem>>
    %dma_wait3A_547 = tpu.memref_squeeze %dma_wait3A_546 : memref<1x32xi32, #tpu.memory_space<vmem>> -> memref<32xi32, #tpu.memory_space<vmem>>
    %dma_wait3A_548 = arith.constant 0 : i32
    %dma_wait3A_549 = arith.constant 0 : i32
    %dma_wait3A_550 = tpu.memref_slice %arg4[%add3A, %dma_wait3A_548, %dma_wait3A_549] : memref<32x1024x768xf32, #tpu.memory_space<hbm>> -> memref<1x1024x768xf32, #tpu.memory_space<hbm>>
    %dma_wait3A_551 = tpu.memref_squeeze %dma_wait3A_550 : memref<1x1024x768xf32, #tpu.memory_space<hbm>> -> memref<1024x768xf32, #tpu.memory_space<hbm>>
    %dma_wait3A_552 = arith.constant 0 : i32
    %dma_wait3A_553 = arith.constant 0 : i32
    %dma_wait3A_554 = tpu.memref_slice %dma_wait3A_551[%dma_wait3A_552, %dma_wait3A_553] : memref<1024x768xf32, #tpu.memory_space<hbm>> -> memref<1024x768xf32, #tpu.memory_space<hbm>>
    tpu.wait_indirect_dma semaphore(%arg15 : memref<!tpu.dma_semaphore, #tpu.memory_space<semaphore_mem>>) src(%arg7 : memref<32x768xf32, #tpu.memory_space<vmem>>) dst(%dma_wait3A_554 : memref<1024x768xf32, #tpu.memory_space<hbm>>)
    %dma_start3A_555 = arith.constant 544 : i32
    %dma_start3A_556 = arith.constant 0 : i32
    %dma_start3A_557 = tpu.memref_slice %arg2[%add3A, %dma_start3A_555, %dma_start3A_556] : memref<32x1024x768xf32, #tpu.memory_space<hbm>> -> memref<1x32x768xf32, #tpu.memory_space<hbm>>
    %dma_start3A_558 = tpu.memref_squeeze %dma_start3A_557 : memref<1x32x768xf32, #tpu.memory_space<hbm>> -> memref<32x768xf32, #tpu.memory_space<hbm>>
    %dma_start3A_559 = arith.constant 544 : i32
    %dma_start3A_560 = arith.constant 0 : i32
    %dma_start3A_561 = tpu.memref_slice %arg2[%add3A, %dma_start3A_559, %dma_start3A_560] : memref<32x1024x768xf32, #tpu.memory_space<hbm>> -> memref<1x32x768xf32, #tpu.memory_space<hbm>>
    %dma_start3A_562 = tpu.memref_squeeze %dma_start3A_561 : memref<1x32x768xf32, #tpu.memory_space<hbm>> -> memref<32x768xf32, #tpu.memory_space<hbm>>
    tpu.enqueue_dma source(%dma_start3A_562 : memref<32x768xf32, #tpu.memory_space<hbm>>) target(%arg7 : memref<32x768xf32, #tpu.memory_space<vmem>>) target_semaphore(%arg11 : memref<!tpu.dma_semaphore, #tpu.memory_space<semaphore_mem>>)
    %dma_wait3A_563 = arith.constant 448 : i32
    %dma_wait3A_564 = arith.constant 0 : i32
    %dma_wait3A_565 = tpu.memref_slice %arg2[%add3A, %dma_wait3A_563, %dma_wait3A_564] : memref<32x1024x768xf32, #tpu.memory_space<hbm>> -> memref<1x32x768xf32, #tpu.memory_space<hbm>>
    %dma_wait3A_566 = tpu.memref_squeeze %dma_wait3A_565 : memref<1x32x768xf32, #tpu.memory_space<hbm>> -> memref<32x768xf32, #tpu.memory_space<hbm>>
    %dma_wait3A_567 = arith.constant 448 : i32
    %dma_wait3A_568 = arith.constant 0 : i32
    %dma_wait3A_569 = tpu.memref_slice %arg2[%add3A, %dma_wait3A_567, %dma_wait3A_568] : memref<32x1024x768xf32, #tpu.memory_space<hbm>> -> memref<1x32x768xf32, #tpu.memory_space<hbm>>
    %dma_wait3A_570 = tpu.memref_squeeze %dma_wait3A_569 : memref<1x32x768xf32, #tpu.memory_space<hbm>> -> memref<32x768xf32, #tpu.memory_space<hbm>>
    tpu.wait_dma2 semaphore(%arg12 : memref<!tpu.dma_semaphore, #tpu.memory_space<semaphore_mem>>) src(%dma_wait3A_570 : memref<32x768xf32, #tpu.memory_space<hbm>>) dst(%arg8 : memref<32x768xf32, #tpu.memory_space<vmem>>)
    %dma_start3A_571 = arith.constant 14 : i32
    %dma_start3A_572 = arith.constant 0 : i32
    %dma_start3A_573 = tpu.memref_slice %arg5[%dma_start3A_571, %dma_start3A_572] : memref<32x32xi32, #tpu.memory_space<vmem>> -> memref<1x32xi32, #tpu.memory_space<vmem>>
    %dma_start3A_574 = tpu.memref_squeeze %dma_start3A_573 : memref<1x32xi32, #tpu.memory_space<vmem>> -> memref<32xi32, #tpu.memory_space<vmem>>
    %dma_start3A_575 = arith.constant 0 : i32
    %dma_start3A_576 = arith.constant 0 : i32
    %dma_start3A_577 = tpu.memref_slice %arg4[%add3A, %dma_start3A_575, %dma_start3A_576] : memref<32x1024x768xf32, #tpu.memory_space<hbm>> -> memref<1x1024x768xf32, #tpu.memory_space<hbm>>
    %dma_start3A_578 = tpu.memref_squeeze %dma_start3A_577 : memref<1x1024x768xf32, #tpu.memory_space<hbm>> -> memref<1024x768xf32, #tpu.memory_space<hbm>>
    %dma_start3A_579 = arith.constant 0 : i32
    %dma_start3A_580 = arith.constant 0 : i32
    %dma_start3A_581 = tpu.memref_slice %dma_start3A_578[%dma_start3A_579, %dma_start3A_580] : memref<1024x768xf32, #tpu.memory_space<hbm>> -> memref<1024x768xf32, #tpu.memory_space<hbm>>
    tpu.enqueue_indirect_dma source(%arg8 : memref<32x768xf32, #tpu.memory_space<vmem>>) target(%dma_start3A_581 : memref<1024x768xf32, #tpu.memory_space<hbm>>) offsets(%dma_start3A_574 : memref<32xi32, #tpu.memory_space<vmem>>) semaphore(%arg16 : memref<!tpu.dma_semaphore, #tpu.memory_space<semaphore_mem>>)
    %dma_wait3A_582 = arith.constant 14 : i32
    %dma_wait3A_583 = arith.constant 0 : i32
    %dma_wait3A_584 = tpu.memref_slice %arg5[%dma_wait3A_582, %dma_wait3A_583] : memref<32x32xi32, #tpu.memory_space<vmem>> -> memref<1x32xi32, #tpu.memory_space<vmem>>
    %dma_wait3A_585 = tpu.memref_squeeze %dma_wait3A_584 : memref<1x32xi32, #tpu.memory_space<vmem>> -> memref<32xi32, #tpu.memory_space<vmem>>
    %dma_wait3A_586 = arith.constant 0 : i32
    %dma_wait3A_587 = arith.constant 0 : i32
    %dma_wait3A_588 = tpu.memref_slice %arg4[%add3A, %dma_wait3A_586, %dma_wait3A_587] : memref<32x1024x768xf32, #tpu.memory_space<hbm>> -> memref<1x1024x768xf32, #tpu.memory_space<hbm>>
    %dma_wait3A_589 = tpu.memref_squeeze %dma_wait3A_588 : memref<1x1024x768xf32, #tpu.memory_space<hbm>> -> memref<1024x768xf32, #tpu.memory_space<hbm>>
    %dma_wait3A_590 = arith.constant 0 : i32
    %dma_wait3A_591 = arith.constant 0 : i32
    %dma_wait3A_592 = tpu.memref_slice %dma_wait3A_589[%dma_wait3A_590, %dma_wait3A_591] : memref<1024x768xf32, #tpu.memory_space<hbm>> -> memref<1024x768xf32, #tpu.memory_space<hbm>>
    tpu.wait_indirect_dma semaphore(%arg16 : memref<!tpu.dma_semaphore, #tpu.memory_space<semaphore_mem>>) src(%arg8 : memref<32x768xf32, #tpu.memory_space<vmem>>) dst(%dma_wait3A_592 : memref<1024x768xf32, #tpu.memory_space<hbm>>)
    %dma_start3A_593 = arith.constant 576 : i32
    %dma_start3A_594 = arith.constant 0 : i32
    %dma_start3A_595 = tpu.memref_slice %arg2[%add3A, %dma_start3A_593, %dma_start3A_594] : memref<32x1024x768xf32, #tpu.memory_space<hbm>> -> memref<1x32x768xf32, #tpu.memory_space<hbm>>
    %dma_start3A_596 = tpu.memref_squeeze %dma_start3A_595 : memref<1x32x768xf32, #tpu.memory_space<hbm>> -> memref<32x768xf32, #tpu.memory_space<hbm>>
    %dma_start3A_597 = arith.constant 576 : i32
    %dma_start3A_598 = arith.constant 0 : i32
    %dma_start3A_599 = tpu.memref_slice %arg2[%add3A, %dma_start3A_597, %dma_start3A_598] : memref<32x1024x768xf32, #tpu.memory_space<hbm>> -> memref<1x32x768xf32, #tpu.memory_space<hbm>>
    %dma_start3A_600 = tpu.memref_squeeze %dma_start3A_599 : memref<1x32x768xf32, #tpu.memory_space<hbm>> -> memref<32x768xf32, #tpu.memory_space<hbm>>
    tpu.enqueue_dma source(%dma_start3A_600 : memref<32x768xf32, #tpu.memory_space<hbm>>) target(%arg8 : memref<32x768xf32, #tpu.memory_space<vmem>>) target_semaphore(%arg12 : memref<!tpu.dma_semaphore, #tpu.memory_space<semaphore_mem>>)
    %dma_wait3A_601 = arith.constant 480 : i32
    %dma_wait3A_602 = arith.constant 0 : i32
    %dma_wait3A_603 = tpu.memref_slice %arg2[%add3A, %dma_wait3A_601, %dma_wait3A_602] : memref<32x1024x768xf32, #tpu.memory_space<hbm>> -> memref<1x32x768xf32, #tpu.memory_space<hbm>>
    %dma_wait3A_604 = tpu.memref_squeeze %dma_wait3A_603 : memref<1x32x768xf32, #tpu.memory_space<hbm>> -> memref<32x768xf32, #tpu.memory_space<hbm>>
    %dma_wait3A_605 = arith.constant 480 : i32
    %dma_wait3A_606 = arith.constant 0 : i32
    %dma_wait3A_607 = tpu.memref_slice %arg2[%add3A, %dma_wait3A_605, %dma_wait3A_606] : memref<32x1024x768xf32, #tpu.memory_space<hbm>> -> memref<1x32x768xf32, #tpu.memory_space<hbm>>
    %dma_wait3A_608 = tpu.memref_squeeze %dma_wait3A_607 : memref<1x32x768xf32, #tpu.memory_space<hbm>> -> memref<32x768xf32, #tpu.memory_space<hbm>>
    tpu.wait_dma2 semaphore(%arg13 : memref<!tpu.dma_semaphore, #tpu.memory_space<semaphore_mem>>) src(%dma_wait3A_608 : memref<32x768xf32, #tpu.memory_space<hbm>>) dst(%arg9 : memref<32x768xf32, #tpu.memory_space<vmem>>)
    %dma_start3A_609 = arith.constant 15 : i32
    %dma_start3A_610 = arith.constant 0 : i32
    %dma_start3A_611 = tpu.memref_slice %arg5[%dma_start3A_609, %dma_start3A_610] : memref<32x32xi32, #tpu.memory_space<vmem>> -> memref<1x32xi32, #tpu.memory_space<vmem>>
    %dma_start3A_612 = tpu.memref_squeeze %dma_start3A_611 : memref<1x32xi32, #tpu.memory_space<vmem>> -> memref<32xi32, #tpu.memory_space<vmem>>
    %dma_start3A_613 = arith.constant 0 : i32
    %dma_start3A_614 = arith.constant 0 : i32
    %dma_start3A_615 = tpu.memref_slice %arg4[%add3A, %dma_start3A_613, %dma_start3A_614] : memref<32x1024x768xf32, #tpu.memory_space<hbm>> -> memref<1x1024x768xf32, #tpu.memory_space<hbm>>
    %dma_start3A_616 = tpu.memref_squeeze %dma_start3A_615 : memref<1x1024x768xf32, #tpu.memory_space<hbm>> -> memref<1024x768xf32, #tpu.memory_space<hbm>>
    %dma_start3A_617 = arith.constant 0 : i32
    %dma_start3A_618 = arith.constant 0 : i32
    %dma_start3A_619 = tpu.memref_slice %dma_start3A_616[%dma_start3A_617, %dma_start3A_618] : memref<1024x768xf32, #tpu.memory_space<hbm>> -> memref<1024x768xf32, #tpu.memory_space<hbm>>
    tpu.enqueue_indirect_dma source(%arg9 : memref<32x768xf32, #tpu.memory_space<vmem>>) target(%dma_start3A_619 : memref<1024x768xf32, #tpu.memory_space<hbm>>) offsets(%dma_start3A_612 : memref<32xi32, #tpu.memory_space<vmem>>) semaphore(%arg17 : memref<!tpu.dma_semaphore, #tpu.memory_space<semaphore_mem>>)
    %dma_wait3A_620 = arith.constant 15 : i32
    %dma_wait3A_621 = arith.constant 0 : i32
    %dma_wait3A_622 = tpu.memref_slice %arg5[%dma_wait3A_620, %dma_wait3A_621] : memref<32x32xi32, #tpu.memory_space<vmem>> -> memref<1x32xi32, #tpu.memory_space<vmem>>
    %dma_wait3A_623 = tpu.memref_squeeze %dma_wait3A_622 : memref<1x32xi32, #tpu.memory_space<vmem>> -> memref<32xi32, #tpu.memory_space<vmem>>
    %dma_wait3A_624 = arith.constant 0 : i32
    %dma_wait3A_625 = arith.constant 0 : i32
    %dma_wait3A_626 = tpu.memref_slice %arg4[%add3A, %dma_wait3A_624, %dma_wait3A_625] : memref<32x1024x768xf32, #tpu.memory_space<hbm>> -> memref<1x1024x768xf32, #tpu.memory_space<hbm>>
    %dma_wait3A_627 = tpu.memref_squeeze %dma_wait3A_626 : memref<1x1024x768xf32, #tpu.memory_space<hbm>> -> memref<1024x768xf32, #tpu.memory_space<hbm>>
    %dma_wait3A_628 = arith.constant 0 : i32
    %dma_wait3A_629 = arith.constant 0 : i32
    %dma_wait3A_630 = tpu.memref_slice %dma_wait3A_627[%dma_wait3A_628, %dma_wait3A_629] : memref<1024x768xf32, #tpu.memory_space<hbm>> -> memref<1024x768xf32, #tpu.memory_space<hbm>>
    tpu.wait_indirect_dma semaphore(%arg17 : memref<!tpu.dma_semaphore, #tpu.memory_space<semaphore_mem>>) src(%arg9 : memref<32x768xf32, #tpu.memory_space<vmem>>) dst(%dma_wait3A_630 : memref<1024x768xf32, #tpu.memory_space<hbm>>)
    %dma_start3A_631 = arith.constant 608 : i32
    %dma_start3A_632 = arith.constant 0 : i32
    %dma_start3A_633 = tpu.memref_slice %arg2[%add3A, %dma_start3A_631, %dma_start3A_632] : memref<32x1024x768xf32, #tpu.memory_space<hbm>> -> memref<1x32x768xf32, #tpu.memory_space<hbm>>
    %dma_start3A_634 = tpu.memref_squeeze %dma_start3A_633 : memref<1x32x768xf32, #tpu.memory_space<hbm>> -> memref<32x768xf32, #tpu.memory_space<hbm>>
    %dma_start3A_635 = arith.constant 608 : i32
    %dma_start3A_636 = arith.constant 0 : i32
    %dma_start3A_637 = tpu.memref_slice %arg2[%add3A, %dma_start3A_635, %dma_start3A_636] : memref<32x1024x768xf32, #tpu.memory_space<hbm>> -> memref<1x32x768xf32, #tpu.memory_space<hbm>>
    %dma_start3A_638 = tpu.memref_squeeze %dma_start3A_637 : memref<1x32x768xf32, #tpu.memory_space<hbm>> -> memref<32x768xf32, #tpu.memory_space<hbm>>
    tpu.enqueue_dma source(%dma_start3A_638 : memref<32x768xf32, #tpu.memory_space<hbm>>) target(%arg9 : memref<32x768xf32, #tpu.memory_space<vmem>>) target_semaphore(%arg13 : memref<!tpu.dma_semaphore, #tpu.memory_space<semaphore_mem>>)
    %dma_wait3A_639 = arith.constant 512 : i32
    %dma_wait3A_640 = arith.constant 0 : i32
    %dma_wait3A_641 = tpu.memref_slice %arg2[%add3A, %dma_wait3A_639, %dma_wait3A_640] : memref<32x1024x768xf32, #tpu.memory_space<hbm>> -> memref<1x32x768xf32, #tpu.memory_space<hbm>>
    %dma_wait3A_642 = tpu.memref_squeeze %dma_wait3A_641 : memref<1x32x768xf32, #tpu.memory_space<hbm>> -> memref<32x768xf32, #tpu.memory_space<hbm>>
    %dma_wait3A_643 = arith.constant 512 : i32
    %dma_wait3A_644 = arith.constant 0 : i32
    %dma_wait3A_645 = tpu.memref_slice %arg2[%add3A, %dma_wait3A_643, %dma_wait3A_644] : memref<32x1024x768xf32, #tpu.memory_space<hbm>> -> memref<1x32x768xf32, #tpu.memory_space<hbm>>
    %dma_wait3A_646 = tpu.memref_squeeze %dma_wait3A_645 : memref<1x32x768xf32, #tpu.memory_space<hbm>> -> memref<32x768xf32, #tpu.memory_space<hbm>>
    tpu.wait_dma2 semaphore(%arg10 : memref<!tpu.dma_semaphore, #tpu.memory_space<semaphore_mem>>) src(%dma_wait3A_646 : memref<32x768xf32, #tpu.memory_space<hbm>>) dst(%arg6 : memref<32x768xf32, #tpu.memory_space<vmem>>)
    %dma_start3A_647 = arith.constant 16 : i32
    %dma_start3A_648 = arith.constant 0 : i32
    %dma_start3A_649 = tpu.memref_slice %arg5[%dma_start3A_647, %dma_start3A_648] : memref<32x32xi32, #tpu.memory_space<vmem>> -> memref<1x32xi32, #tpu.memory_space<vmem>>
    %dma_start3A_650 = tpu.memref_squeeze %dma_start3A_649 : memref<1x32xi32, #tpu.memory_space<vmem>> -> memref<32xi32, #tpu.memory_space<vmem>>
    %dma_start3A_651 = arith.constant 0 : i32
    %dma_start3A_652 = arith.constant 0 : i32
    %dma_start3A_653 = tpu.memref_slice %arg4[%add3A, %dma_start3A_651, %dma_start3A_652] : memref<32x1024x768xf32, #tpu.memory_space<hbm>> -> memref<1x1024x768xf32, #tpu.memory_space<hbm>>
    %dma_start3A_654 = tpu.memref_squeeze %dma_start3A_653 : memref<1x1024x768xf32, #tpu.memory_space<hbm>> -> memref<1024x768xf32, #tpu.memory_space<hbm>>
    %dma_start3A_655 = arith.constant 0 : i32
    %dma_start3A_656 = arith.constant 0 : i32
    %dma_start3A_657 = tpu.memref_slice %dma_start3A_654[%dma_start3A_655, %dma_start3A_656] : memref<1024x768xf32, #tpu.memory_space<hbm>> -> memref<1024x768xf32, #tpu.memory_space<hbm>>
    tpu.enqueue_indirect_dma source(%arg6 : memref<32x768xf32, #tpu.memory_space<vmem>>) target(%dma_start3A_657 : memref<1024x768xf32, #tpu.memory_space<hbm>>) offsets(%dma_start3A_650 : memref<32xi32, #tpu.memory_space<vmem>>) semaphore(%arg14 : memref<!tpu.dma_semaphore, #tpu.memory_space<semaphore_mem>>)
    %dma_wait3A_658 = arith.constant 16 : i32
    %dma_wait3A_659 = arith.constant 0 : i32
    %dma_wait3A_660 = tpu.memref_slice %arg5[%dma_wait3A_658, %dma_wait3A_659] : memref<32x32xi32, #tpu.memory_space<vmem>> -> memref<1x32xi32, #tpu.memory_space<vmem>>
    %dma_wait3A_661 = tpu.memref_squeeze %dma_wait3A_660 : memref<1x32xi32, #tpu.memory_space<vmem>> -> memref<32xi32, #tpu.memory_space<vmem>>
    %dma_wait3A_662 = arith.constant 0 : i32
    %dma_wait3A_663 = arith.constant 0 : i32
    %dma_wait3A_664 = tpu.memref_slice %arg4[%add3A, %dma_wait3A_662, %dma_wait3A_663] : memref<32x1024x768xf32, #tpu.memory_space<hbm>> -> memref<1x1024x768xf32, #tpu.memory_space<hbm>>
    %dma_wait3A_665 = tpu.memref_squeeze %dma_wait3A_664 : memref<1x1024x768xf32, #tpu.memory_space<hbm>> -> memref<1024x768xf32, #tpu.memory_space<hbm>>
    %dma_wait3A_666 = arith.constant 0 : i32
    %dma_wait3A_667 = arith.constant 0 : i32
    %dma_wait3A_668 = tpu.memref_slice %dma_wait3A_665[%dma_wait3A_666, %dma_wait3A_667] : memref<1024x768xf32, #tpu.memory_space<hbm>> -> memref<1024x768xf32, #tpu.memory_space<hbm>>
    tpu.wait_indirect_dma semaphore(%arg14 : memref<!tpu.dma_semaphore, #tpu.memory_space<semaphore_mem>>) src(%arg6 : memref<32x768xf32, #tpu.memory_space<vmem>>) dst(%dma_wait3A_668 : memref<1024x768xf32, #tpu.memory_space<hbm>>)
    %dma_start3A_669 = arith.constant 640 : i32
    %dma_start3A_670 = arith.constant 0 : i32
    %dma_start3A_671 = tpu.memref_slice %arg2[%add3A, %dma_start3A_669, %dma_start3A_670] : memref<32x1024x768xf32, #tpu.memory_space<hbm>> -> memref<1x32x768xf32, #tpu.memory_space<hbm>>
    %dma_start3A_672 = tpu.memref_squeeze %dma_start3A_671 : memref<1x32x768xf32, #tpu.memory_space<hbm>> -> memref<32x768xf32, #tpu.memory_space<hbm>>
    %dma_start3A_673 = arith.constant 640 : i32
    %dma_start3A_674 = arith.constant 0 : i32
    %dma_start3A_675 = tpu.memref_slice %arg2[%add3A, %dma_start3A_673, %dma_start3A_674] : memref<32x1024x768xf32, #tpu.memory_space<hbm>> -> memref<1x32x768xf32, #tpu.memory_space<hbm>>
    %dma_start3A_676 = tpu.memref_squeeze %dma_start3A_675 : memref<1x32x768xf32, #tpu.memory_space<hbm>> -> memref<32x768xf32, #tpu.memory_space<hbm>>
    tpu.enqueue_dma source(%dma_start3A_676 : memref<32x768xf32, #tpu.memory_space<hbm>>) target(%arg6 : memref<32x768xf32, #tpu.memory_space<vmem>>) target_semaphore(%arg10 : memref<!tpu.dma_semaphore, #tpu.memory_space<semaphore_mem>>)
    %dma_wait3A_677 = arith.constant 544 : i32
    %dma_wait3A_678 = arith.constant 0 : i32
    %dma_wait3A_679 = tpu.memref_slice %arg2[%add3A, %dma_wait3A_677, %dma_wait3A_678] : memref<32x1024x768xf32, #tpu.memory_space<hbm>> -> memref<1x32x768xf32, #tpu.memory_space<hbm>>
    %dma_wait3A_680 = tpu.memref_squeeze %dma_wait3A_679 : memref<1x32x768xf32, #tpu.memory_space<hbm>> -> memref<32x768xf32, #tpu.memory_space<hbm>>
    %dma_wait3A_681 = arith.constant 544 : i32
    %dma_wait3A_682 = arith.constant 0 : i32
    %dma_wait3A_683 = tpu.memref_slice %arg2[%add3A, %dma_wait3A_681, %dma_wait3A_682] : memref<32x1024x768xf32, #tpu.memory_space<hbm>> -> memref<1x32x768xf32, #tpu.memory_space<hbm>>
    %dma_wait3A_684 = tpu.memref_squeeze %dma_wait3A_683 : memref<1x32x768xf32, #tpu.memory_space<hbm>> -> memref<32x768xf32, #tpu.memory_space<hbm>>
    tpu.wait_dma2 semaphore(%arg11 : memref<!tpu.dma_semaphore, #tpu.memory_space<semaphore_mem>>) src(%dma_wait3A_684 : memref<32x768xf32, #tpu.memory_space<hbm>>) dst(%arg7 : memref<32x768xf32, #tpu.memory_space<vmem>>)
    %dma_start3A_685 = arith.constant 17 : i32
    %dma_start3A_686 = arith.constant 0 : i32
    %dma_start3A_687 = tpu.memref_slice %arg5[%dma_start3A_685, %dma_start3A_686] : memref<32x32xi32, #tpu.memory_space<vmem>> -> memref<1x32xi32, #tpu.memory_space<vmem>>
    %dma_start3A_688 = tpu.memref_squeeze %dma_start3A_687 : memref<1x32xi32, #tpu.memory_space<vmem>> -> memref<32xi32, #tpu.memory_space<vmem>>
    %dma_start3A_689 = arith.constant 0 : i32
    %dma_start3A_690 = arith.constant 0 : i32
    %dma_start3A_691 = tpu.memref_slice %arg4[%add3A, %dma_start3A_689, %dma_start3A_690] : memref<32x1024x768xf32, #tpu.memory_space<hbm>> -> memref<1x1024x768xf32, #tpu.memory_space<hbm>>
    %dma_start3A_692 = tpu.memref_squeeze %dma_start3A_691 : memref<1x1024x768xf32, #tpu.memory_space<hbm>> -> memref<1024x768xf32, #tpu.memory_space<hbm>>
    %dma_start3A_693 = arith.constant 0 : i32
    %dma_start3A_694 = arith.constant 0 : i32
    %dma_start3A_695 = tpu.memref_slice %dma_start3A_692[%dma_start3A_693, %dma_start3A_694] : memref<1024x768xf32, #tpu.memory_space<hbm>> -> memref<1024x768xf32, #tpu.memory_space<hbm>>
    tpu.enqueue_indirect_dma source(%arg7 : memref<32x768xf32, #tpu.memory_space<vmem>>) target(%dma_start3A_695 : memref<1024x768xf32, #tpu.memory_space<hbm>>) offsets(%dma_start3A_688 : memref<32xi32, #tpu.memory_space<vmem>>) semaphore(%arg15 : memref<!tpu.dma_semaphore, #tpu.memory_space<semaphore_mem>>)
    %dma_wait3A_696 = arith.constant 17 : i32
    %dma_wait3A_697 = arith.constant 0 : i32
    %dma_wait3A_698 = tpu.memref_slice %arg5[%dma_wait3A_696, %dma_wait3A_697] : memref<32x32xi32, #tpu.memory_space<vmem>> -> memref<1x32xi32, #tpu.memory_space<vmem>>
    %dma_wait3A_699 = tpu.memref_squeeze %dma_wait3A_698 : memref<1x32xi32, #tpu.memory_space<vmem>> -> memref<32xi32, #tpu.memory_space<vmem>>
    %dma_wait3A_700 = arith.constant 0 : i32
    %dma_wait3A_701 = arith.constant 0 : i32
    %dma_wait3A_702 = tpu.memref_slice %arg4[%add3A, %dma_wait3A_700, %dma_wait3A_701] : memref<32x1024x768xf32, #tpu.memory_space<hbm>> -> memref<1x1024x768xf32, #tpu.memory_space<hbm>>
    %dma_wait3A_703 = tpu.memref_squeeze %dma_wait3A_702 : memref<1x1024x768xf32, #tpu.memory_space<hbm>> -> memref<1024x768xf32, #tpu.memory_space<hbm>>
    %dma_wait3A_704 = arith.constant 0 : i32
    %dma_wait3A_705 = arith.constant 0 : i32
    %dma_wait3A_706 = tpu.memref_slice %dma_wait3A_703[%dma_wait3A_704, %dma_wait3A_705] : memref<1024x768xf32, #tpu.memory_space<hbm>> -> memref<1024x768xf32, #tpu.memory_space<hbm>>
    tpu.wait_indirect_dma semaphore(%arg15 : memref<!tpu.dma_semaphore, #tpu.memory_space<semaphore_mem>>) src(%arg7 : memref<32x768xf32, #tpu.memory_space<vmem>>) dst(%dma_wait3A_706 : memref<1024x768xf32, #tpu.memory_space<hbm>>)
    %dma_start3A_707 = arith.constant 672 : i32
    %dma_start3A_708 = arith.constant 0 : i32
    %dma_start3A_709 = tpu.memref_slice %arg2[%add3A, %dma_start3A_707, %dma_start3A_708] : memref<32x1024x768xf32, #tpu.memory_space<hbm>> -> memref<1x32x768xf32, #tpu.memory_space<hbm>>
    %dma_start3A_710 = tpu.memref_squeeze %dma_start3A_709 : memref<1x32x768xf32, #tpu.memory_space<hbm>> -> memref<32x768xf32, #tpu.memory_space<hbm>>
    %dma_start3A_711 = arith.constant 672 : i32
    %dma_start3A_712 = arith.constant 0 : i32
    %dma_start3A_713 = tpu.memref_slice %arg2[%add3A, %dma_start3A_711, %dma_start3A_712] : memref<32x1024x768xf32, #tpu.memory_space<hbm>> -> memref<1x32x768xf32, #tpu.memory_space<hbm>>
    %dma_start3A_714 = tpu.memref_squeeze %dma_start3A_713 : memref<1x32x768xf32, #tpu.memory_space<hbm>> -> memref<32x768xf32, #tpu.memory_space<hbm>>
    tpu.enqueue_dma source(%dma_start3A_714 : memref<32x768xf32, #tpu.memory_space<hbm>>) target(%arg7 : memref<32x768xf32, #tpu.memory_space<vmem>>) target_semaphore(%arg11 : memref<!tpu.dma_semaphore, #tpu.memory_space<semaphore_mem>>)
    %dma_wait3A_715 = arith.constant 576 : i32
    %dma_wait3A_716 = arith.constant 0 : i32
    %dma_wait3A_717 = tpu.memref_slice %arg2[%add3A, %dma_wait3A_715, %dma_wait3A_716] : memref<32x1024x768xf32, #tpu.memory_space<hbm>> -> memref<1x32x768xf32, #tpu.memory_space<hbm>>
    %dma_wait3A_718 = tpu.memref_squeeze %dma_wait3A_717 : memref<1x32x768xf32, #tpu.memory_space<hbm>> -> memref<32x768xf32, #tpu.memory_space<hbm>>
    %dma_wait3A_719 = arith.constant 576 : i32
    %dma_wait3A_720 = arith.constant 0 : i32
    %dma_wait3A_721 = tpu.memref_slice %arg2[%add3A, %dma_wait3A_719, %dma_wait3A_720] : memref<32x1024x768xf32, #tpu.memory_space<hbm>> -> memref<1x32x768xf32, #tpu.memory_space<hbm>>
    %dma_wait3A_722 = tpu.memref_squeeze %dma_wait3A_721 : memref<1x32x768xf32, #tpu.memory_space<hbm>> -> memref<32x768xf32, #tpu.memory_space<hbm>>
    tpu.wait_dma2 semaphore(%arg12 : memref<!tpu.dma_semaphore, #tpu.memory_space<semaphore_mem>>) src(%dma_wait3A_722 : memref<32x768xf32, #tpu.memory_space<hbm>>) dst(%arg8 : memref<32x768xf32, #tpu.memory_space<vmem>>)
    %dma_start3A_723 = arith.constant 18 : i32
    %dma_start3A_724 = arith.constant 0 : i32
    %dma_start3A_725 = tpu.memref_slice %arg5[%dma_start3A_723, %dma_start3A_724] : memref<32x32xi32, #tpu.memory_space<vmem>> -> memref<1x32xi32, #tpu.memory_space<vmem>>
    %dma_start3A_726 = tpu.memref_squeeze %dma_start3A_725 : memref<1x32xi32, #tpu.memory_space<vmem>> -> memref<32xi32, #tpu.memory_space<vmem>>
    %dma_start3A_727 = arith.constant 0 : i32
    %dma_start3A_728 = arith.constant 0 : i32
    %dma_start3A_729 = tpu.memref_slice %arg4[%add3A, %dma_start3A_727, %dma_start3A_728] : memref<32x1024x768xf32, #tpu.memory_space<hbm>> -> memref<1x1024x768xf32, #tpu.memory_space<hbm>>
    %dma_start3A_730 = tpu.memref_squeeze %dma_start3A_729 : memref<1x1024x768xf32, #tpu.memory_space<hbm>> -> memref<1024x768xf32, #tpu.memory_space<hbm>>
    %dma_start3A_731 = arith.constant 0 : i32
    %dma_start3A_732 = arith.constant 0 : i32
    %dma_start3A_733 = tpu.memref_slice %dma_start3A_730[%dma_start3A_731, %dma_start3A_732] : memref<1024x768xf32, #tpu.memory_space<hbm>> -> memref<1024x768xf32, #tpu.memory_space<hbm>>
    tpu.enqueue_indirect_dma source(%arg8 : memref<32x768xf32, #tpu.memory_space<vmem>>) target(%dma_start3A_733 : memref<1024x768xf32, #tpu.memory_space<hbm>>) offsets(%dma_start3A_726 : memref<32xi32, #tpu.memory_space<vmem>>) semaphore(%arg16 : memref<!tpu.dma_semaphore, #tpu.memory_space<semaphore_mem>>)
    %dma_wait3A_734 = arith.constant 18 : i32
    %dma_wait3A_735 = arith.constant 0 : i32
    %dma_wait3A_736 = tpu.memref_slice %arg5[%dma_wait3A_734, %dma_wait3A_735] : memref<32x32xi32, #tpu.memory_space<vmem>> -> memref<1x32xi32, #tpu.memory_space<vmem>>
    %dma_wait3A_737 = tpu.memref_squeeze %dma_wait3A_736 : memref<1x32xi32, #tpu.memory_space<vmem>> -> memref<32xi32, #tpu.memory_space<vmem>>
    %dma_wait3A_738 = arith.constant 0 : i32
    %dma_wait3A_739 = arith.constant 0 : i32
    %dma_wait3A_740 = tpu.memref_slice %arg4[%add3A, %dma_wait3A_738, %dma_wait3A_739] : memref<32x1024x768xf32, #tpu.memory_space<hbm>> -> memref<1x1024x768xf32, #tpu.memory_space<hbm>>
    %dma_wait3A_741 = tpu.memref_squeeze %dma_wait3A_740 : memref<1x1024x768xf32, #tpu.memory_space<hbm>> -> memref<1024x768xf32, #tpu.memory_space<hbm>>
    %dma_wait3A_742 = arith.constant 0 : i32
    %dma_wait3A_743 = arith.constant 0 : i32
    %dma_wait3A_744 = tpu.memref_slice %dma_wait3A_741[%dma_wait3A_742, %dma_wait3A_743] : memref<1024x768xf32, #tpu.memory_space<hbm>> -> memref<1024x768xf32, #tpu.memory_space<hbm>>
    tpu.wait_indirect_dma semaphore(%arg16 : memref<!tpu.dma_semaphore, #tpu.memory_space<semaphore_mem>>) src(%arg8 : memref<32x768xf32, #tpu.memory_space<vmem>>) dst(%dma_wait3A_744 : memref<1024x768xf32, #tpu.memory_space<hbm>>)
    %dma_start3A_745 = arith.constant 704 : i32
    %dma_start3A_746 = arith.constant 0 : i32
    %dma_start3A_747 = tpu.memref_slice %arg2[%add3A, %dma_start3A_745, %dma_start3A_746] : memref<32x1024x768xf32, #tpu.memory_space<hbm>> -> memref<1x32x768xf32, #tpu.memory_space<hbm>>
    %dma_start3A_748 = tpu.memref_squeeze %dma_start3A_747 : memref<1x32x768xf32, #tpu.memory_space<hbm>> -> memref<32x768xf32, #tpu.memory_space<hbm>>
    %dma_start3A_749 = arith.constant 704 : i32
    %dma_start3A_750 = arith.constant 0 : i32
    %dma_start3A_751 = tpu.memref_slice %arg2[%add3A, %dma_start3A_749, %dma_start3A_750] : memref<32x1024x768xf32, #tpu.memory_space<hbm>> -> memref<1x32x768xf32, #tpu.memory_space<hbm>>
    %dma_start3A_752 = tpu.memref_squeeze %dma_start3A_751 : memref<1x32x768xf32, #tpu.memory_space<hbm>> -> memref<32x768xf32, #tpu.memory_space<hbm>>
    tpu.enqueue_dma source(%dma_start3A_752 : memref<32x768xf32, #tpu.memory_space<hbm>>) target(%arg8 : memref<32x768xf32, #tpu.memory_space<vmem>>) target_semaphore(%arg12 : memref<!tpu.dma_semaphore, #tpu.memory_space<semaphore_mem>>)
    %dma_wait3A_753 = arith.constant 608 : i32
    %dma_wait3A_754 = arith.constant 0 : i32
    %dma_wait3A_755 = tpu.memref_slice %arg2[%add3A, %dma_wait3A_753, %dma_wait3A_754] : memref<32x1024x768xf32, #tpu.memory_space<hbm>> -> memref<1x32x768xf32, #tpu.memory_space<hbm>>
    %dma_wait3A_756 = tpu.memref_squeeze %dma_wait3A_755 : memref<1x32x768xf32, #tpu.memory_space<hbm>> -> memref<32x768xf32, #tpu.memory_space<hbm>>
    %dma_wait3A_757 = arith.constant 608 : i32
    %dma_wait3A_758 = arith.constant 0 : i32
    %dma_wait3A_759 = tpu.memref_slice %arg2[%add3A, %dma_wait3A_757, %dma_wait3A_758] : memref<32x1024x768xf32, #tpu.memory_space<hbm>> -> memref<1x32x768xf32, #tpu.memory_space<hbm>>
    %dma_wait3A_760 = tpu.memref_squeeze %dma_wait3A_759 : memref<1x32x768xf32, #tpu.memory_space<hbm>> -> memref<32x768xf32, #tpu.memory_space<hbm>>
    tpu.wait_dma2 semaphore(%arg13 : memref<!tpu.dma_semaphore, #tpu.memory_space<semaphore_mem>>) src(%dma_wait3A_760 : memref<32x768xf32, #tpu.memory_space<hbm>>) dst(%arg9 : memref<32x768xf32, #tpu.memory_space<vmem>>)
    %dma_start3A_761 = arith.constant 19 : i32
    %dma_start3A_762 = arith.constant 0 : i32
    %dma_start3A_763 = tpu.memref_slice %arg5[%dma_start3A_761, %dma_start3A_762] : memref<32x32xi32, #tpu.memory_space<vmem>> -> memref<1x32xi32, #tpu.memory_space<vmem>>
    %dma_start3A_764 = tpu.memref_squeeze %dma_start3A_763 : memref<1x32xi32, #tpu.memory_space<vmem>> -> memref<32xi32, #tpu.memory_space<vmem>>
    %dma_start3A_765 = arith.constant 0 : i32
    %dma_start3A_766 = arith.constant 0 : i32
    %dma_start3A_767 = tpu.memref_slice %arg4[%add3A, %dma_start3A_765, %dma_start3A_766] : memref<32x1024x768xf32, #tpu.memory_space<hbm>> -> memref<1x1024x768xf32, #tpu.memory_space<hbm>>
    %dma_start3A_768 = tpu.memref_squeeze %dma_start3A_767 : memref<1x1024x768xf32, #tpu.memory_space<hbm>> -> memref<1024x768xf32, #tpu.memory_space<hbm>>
    %dma_start3A_769 = arith.constant 0 : i32
    %dma_start3A_770 = arith.constant 0 : i32
    %dma_start3A_771 = tpu.memref_slice %dma_start3A_768[%dma_start3A_769, %dma_start3A_770] : memref<1024x768xf32, #tpu.memory_space<hbm>> -> memref<1024x768xf32, #tpu.memory_space<hbm>>
    tpu.enqueue_indirect_dma source(%arg9 : memref<32x768xf32, #tpu.memory_space<vmem>>) target(%dma_start3A_771 : memref<1024x768xf32, #tpu.memory_space<hbm>>) offsets(%dma_start3A_764 : memref<32xi32, #tpu.memory_space<vmem>>) semaphore(%arg17 : memref<!tpu.dma_semaphore, #tpu.memory_space<semaphore_mem>>)
    %dma_wait3A_772 = arith.constant 19 : i32
    %dma_wait3A_773 = arith.constant 0 : i32
    %dma_wait3A_774 = tpu.memref_slice %arg5[%dma_wait3A_772, %dma_wait3A_773] : memref<32x32xi32, #tpu.memory_space<vmem>> -> memref<1x32xi32, #tpu.memory_space<vmem>>
    %dma_wait3A_775 = tpu.memref_squeeze %dma_wait3A_774 : memref<1x32xi32, #tpu.memory_space<vmem>> -> memref<32xi32, #tpu.memory_space<vmem>>
    %dma_wait3A_776 = arith.constant 0 : i32
    %dma_wait3A_777 = arith.constant 0 : i32
    %dma_wait3A_778 = tpu.memref_slice %arg4[%add3A, %dma_wait3A_776, %dma_wait3A_777] : memref<32x1024x768xf32, #tpu.memory_space<hbm>> -> memref<1x1024x768xf32, #tpu.memory_space<hbm>>
    %dma_wait3A_779 = tpu.memref_squeeze %dma_wait3A_778 : memref<1x1024x768xf32, #tpu.memory_space<hbm>> -> memref<1024x768xf32, #tpu.memory_space<hbm>>
    %dma_wait3A_780 = arith.constant 0 : i32
    %dma_wait3A_781 = arith.constant 0 : i32
    %dma_wait3A_782 = tpu.memref_slice %dma_wait3A_779[%dma_wait3A_780, %dma_wait3A_781] : memref<1024x768xf32, #tpu.memory_space<hbm>> -> memref<1024x768xf32, #tpu.memory_space<hbm>>
    tpu.wait_indirect_dma semaphore(%arg17 : memref<!tpu.dma_semaphore, #tpu.memory_space<semaphore_mem>>) src(%arg9 : memref<32x768xf32, #tpu.memory_space<vmem>>) dst(%dma_wait3A_782 : memref<1024x768xf32, #tpu.memory_space<hbm>>)
    %dma_start3A_783 = arith.constant 736 : i32
    %dma_start3A_784 = arith.constant 0 : i32
    %dma_start3A_785 = tpu.memref_slice %arg2[%add3A, %dma_start3A_783, %dma_start3A_784] : memref<32x1024x768xf32, #tpu.memory_space<hbm>> -> memref<1x32x768xf32, #tpu.memory_space<hbm>>
    %dma_start3A_786 = tpu.memref_squeeze %dma_start3A_785 : memref<1x32x768xf32, #tpu.memory_space<hbm>> -> memref<32x768xf32, #tpu.memory_space<hbm>>
    %dma_start3A_787 = arith.constant 736 : i32
    %dma_start3A_788 = arith.constant 0 : i32
    %dma_start3A_789 = tpu.memref_slice %arg2[%add3A, %dma_start3A_787, %dma_start3A_788] : memref<32x1024x768xf32, #tpu.memory_space<hbm>> -> memref<1x32x768xf32, #tpu.memory_space<hbm>>
    %dma_start3A_790 = tpu.memref_squeeze %dma_start3A_789 : memref<1x32x768xf32, #tpu.memory_space<hbm>> -> memref<32x768xf32, #tpu.memory_space<hbm>>
    tpu.enqueue_dma source(%dma_start3A_790 : memref<32x768xf32, #tpu.memory_space<hbm>>) target(%arg9 : memref<32x768xf32, #tpu.memory_space<vmem>>) target_semaphore(%arg13 : memref<!tpu.dma_semaphore, #tpu.memory_space<semaphore_mem>>)
    %dma_wait3A_791 = arith.constant 640 : i32
    %dma_wait3A_792 = arith.constant 0 : i32
    %dma_wait3A_793 = tpu.memref_slice %arg2[%add3A, %dma_wait3A_791, %dma_wait3A_792] : memref<32x1024x768xf32, #tpu.memory_space<hbm>> -> memref<1x32x768xf32, #tpu.memory_space<hbm>>
    %dma_wait3A_794 = tpu.memref_squeeze %dma_wait3A_793 : memref<1x32x768xf32, #tpu.memory_space<hbm>> -> memref<32x768xf32, #tpu.memory_space<hbm>>
    %dma_wait3A_795 = arith.constant 640 : i32
    %dma_wait3A_796 = arith.constant 0 : i32
    %dma_wait3A_797 = tpu.memref_slice %arg2[%add3A, %dma_wait3A_795, %dma_wait3A_796] : memref<32x1024x768xf32, #tpu.memory_space<hbm>> -> memref<1x32x768xf32, #tpu.memory_space<hbm>>
    %dma_wait3A_798 = tpu.memref_squeeze %dma_wait3A_797 : memref<1x32x768xf32, #tpu.memory_space<hbm>> -> memref<32x768xf32, #tpu.memory_space<hbm>>
    tpu.wait_dma2 semaphore(%arg10 : memref<!tpu.dma_semaphore, #tpu.memory_space<semaphore_mem>>) src(%dma_wait3A_798 : memref<32x768xf32, #tpu.memory_space<hbm>>) dst(%arg6 : memref<32x768xf32, #tpu.memory_space<vmem>>)
    %dma_start3A_799 = arith.constant 20 : i32
    %dma_start3A_800 = arith.constant 0 : i32
    %dma_start3A_801 = tpu.memref_slice %arg5[%dma_start3A_799, %dma_start3A_800] : memref<32x32xi32, #tpu.memory_space<vmem>> -> memref<1x32xi32, #tpu.memory_space<vmem>>
    %dma_start3A_802 = tpu.memref_squeeze %dma_start3A_801 : memref<1x32xi32, #tpu.memory_space<vmem>> -> memref<32xi32, #tpu.memory_space<vmem>>
    %dma_start3A_803 = arith.constant 0 : i32
    %dma_start3A_804 = arith.constant 0 : i32
    %dma_start3A_805 = tpu.memref_slice %arg4[%add3A, %dma_start3A_803, %dma_start3A_804] : memref<32x1024x768xf32, #tpu.memory_space<hbm>> -> memref<1x1024x768xf32, #tpu.memory_space<hbm>>
    %dma_start3A_806 = tpu.memref_squeeze %dma_start3A_805 : memref<1x1024x768xf32, #tpu.memory_space<hbm>> -> memref<1024x768xf32, #tpu.memory_space<hbm>>
    %dma_start3A_807 = arith.constant 0 : i32
    %dma_start3A_808 = arith.constant 0 : i32
    %dma_start3A_809 = tpu.memref_slice %dma_start3A_806[%dma_start3A_807, %dma_start3A_808] : memref<1024x768xf32, #tpu.memory_space<hbm>> -> memref<1024x768xf32, #tpu.memory_space<hbm>>
    tpu.enqueue_indirect_dma source(%arg6 : memref<32x768xf32, #tpu.memory_space<vmem>>) target(%dma_start3A_809 : memref<1024x768xf32, #tpu.memory_space<hbm>>) offsets(%dma_start3A_802 : memref<32xi32, #tpu.memory_space<vmem>>) semaphore(%arg14 : memref<!tpu.dma_semaphore, #tpu.memory_space<semaphore_mem>>)
    %dma_wait3A_810 = arith.constant 20 : i32
    %dma_wait3A_811 = arith.constant 0 : i32
    %dma_wait3A_812 = tpu.memref_slice %arg5[%dma_wait3A_810, %dma_wait3A_811] : memref<32x32xi32, #tpu.memory_space<vmem>> -> memref<1x32xi32, #tpu.memory_space<vmem>>
    %dma_wait3A_813 = tpu.memref_squeeze %dma_wait3A_812 : memref<1x32xi32, #tpu.memory_space<vmem>> -> memref<32xi32, #tpu.memory_space<vmem>>
    %dma_wait3A_814 = arith.constant 0 : i32
    %dma_wait3A_815 = arith.constant 0 : i32
    %dma_wait3A_816 = tpu.memref_slice %arg4[%add3A, %dma_wait3A_814, %dma_wait3A_815] : memref<32x1024x768xf32, #tpu.memory_space<hbm>> -> memref<1x1024x768xf32, #tpu.memory_space<hbm>>
    %dma_wait3A_817 = tpu.memref_squeeze %dma_wait3A_816 : memref<1x1024x768xf32, #tpu.memory_space<hbm>> -> memref<1024x768xf32, #tpu.memory_space<hbm>>
    %dma_wait3A_818 = arith.constant 0 : i32
    %dma_wait3A_819 = arith.constant 0 : i32
    %dma_wait3A_820 = tpu.memref_slice %dma_wait3A_817[%dma_wait3A_818, %dma_wait3A_819] : memref<1024x768xf32, #tpu.memory_space<hbm>> -> memref<1024x768xf32, #tpu.memory_space<hbm>>
    tpu.wait_indirect_dma semaphore(%arg14 : memref<!tpu.dma_semaphore, #tpu.memory_space<semaphore_mem>>) src(%arg6 : memref<32x768xf32, #tpu.memory_space<vmem>>) dst(%dma_wait3A_820 : memref<1024x768xf32, #tpu.memory_space<hbm>>)
    %dma_start3A_821 = arith.constant 768 : i32
    %dma_start3A_822 = arith.constant 0 : i32
    %dma_start3A_823 = tpu.memref_slice %arg2[%add3A, %dma_start3A_821, %dma_start3A_822] : memref<32x1024x768xf32, #tpu.memory_space<hbm>> -> memref<1x32x768xf32, #tpu.memory_space<hbm>>
    %dma_start3A_824 = tpu.memref_squeeze %dma_start3A_823 : memref<1x32x768xf32, #tpu.memory_space<hbm>> -> memref<32x768xf32, #tpu.memory_space<hbm>>
    %dma_start3A_825 = arith.constant 768 : i32
    %dma_start3A_826 = arith.constant 0 : i32
    %dma_start3A_827 = tpu.memref_slice %arg2[%add3A, %dma_start3A_825, %dma_start3A_826] : memref<32x1024x768xf32, #tpu.memory_space<hbm>> -> memref<1x32x768xf32, #tpu.memory_space<hbm>>
    %dma_start3A_828 = tpu.memref_squeeze %dma_start3A_827 : memref<1x32x768xf32, #tpu.memory_space<hbm>> -> memref<32x768xf32, #tpu.memory_space<hbm>>
    tpu.enqueue_dma source(%dma_start3A_828 : memref<32x768xf32, #tpu.memory_space<hbm>>) target(%arg6 : memref<32x768xf32, #tpu.memory_space<vmem>>) target_semaphore(%arg10 : memref<!tpu.dma_semaphore, #tpu.memory_space<semaphore_mem>>)
    %dma_wait3A_829 = arith.constant 672 : i32
    %dma_wait3A_830 = arith.constant 0 : i32
    %dma_wait3A_831 = tpu.memref_slice %arg2[%add3A, %dma_wait3A_829, %dma_wait3A_830] : memref<32x1024x768xf32, #tpu.memory_space<hbm>> -> memref<1x32x768xf32, #tpu.memory_space<hbm>>
    %dma_wait3A_832 = tpu.memref_squeeze %dma_wait3A_831 : memref<1x32x768xf32, #tpu.memory_space<hbm>> -> memref<32x768xf32, #tpu.memory_space<hbm>>
    %dma_wait3A_833 = arith.constant 672 : i32
    %dma_wait3A_834 = arith.constant 0 : i32
    %dma_wait3A_835 = tpu.memref_slice %arg2[%add3A, %dma_wait3A_833, %dma_wait3A_834] : memref<32x1024x768xf32, #tpu.memory_space<hbm>> -> memref<1x32x768xf32, #tpu.memory_space<hbm>>
    %dma_wait3A_836 = tpu.memref_squeeze %dma_wait3A_835 : memref<1x32x768xf32, #tpu.memory_space<hbm>> -> memref<32x768xf32, #tpu.memory_space<hbm>>
    tpu.wait_dma2 semaphore(%arg11 : memref<!tpu.dma_semaphore, #tpu.memory_space<semaphore_mem>>) src(%dma_wait3A_836 : memref<32x768xf32, #tpu.memory_space<hbm>>) dst(%arg7 : memref<32x768xf32, #tpu.memory_space<vmem>>)
    %dma_start3A_837 = arith.constant 21 : i32
    %dma_start3A_838 = arith.constant 0 : i32
    %dma_start3A_839 = tpu.memref_slice %arg5[%dma_start3A_837, %dma_start3A_838] : memref<32x32xi32, #tpu.memory_space<vmem>> -> memref<1x32xi32, #tpu.memory_space<vmem>>
    %dma_start3A_840 = tpu.memref_squeeze %dma_start3A_839 : memref<1x32xi32, #tpu.memory_space<vmem>> -> memref<32xi32, #tpu.memory_space<vmem>>
    %dma_start3A_841 = arith.constant 0 : i32
    %dma_start3A_842 = arith.constant 0 : i32
    %dma_start3A_843 = tpu.memref_slice %arg4[%add3A, %dma_start3A_841, %dma_start3A_842] : memref<32x1024x768xf32, #tpu.memory_space<hbm>> -> memref<1x1024x768xf32, #tpu.memory_space<hbm>>
    %dma_start3A_844 = tpu.memref_squeeze %dma_start3A_843 : memref<1x1024x768xf32, #tpu.memory_space<hbm>> -> memref<1024x768xf32, #tpu.memory_space<hbm>>
    %dma_start3A_845 = arith.constant 0 : i32
    %dma_start3A_846 = arith.constant 0 : i32
    %dma_start3A_847 = tpu.memref_slice %dma_start3A_844[%dma_start3A_845, %dma_start3A_846] : memref<1024x768xf32, #tpu.memory_space<hbm>> -> memref<1024x768xf32, #tpu.memory_space<hbm>>
    tpu.enqueue_indirect_dma source(%arg7 : memref<32x768xf32, #tpu.memory_space<vmem>>) target(%dma_start3A_847 : memref<1024x768xf32, #tpu.memory_space<hbm>>) offsets(%dma_start3A_840 : memref<32xi32, #tpu.memory_space<vmem>>) semaphore(%arg15 : memref<!tpu.dma_semaphore, #tpu.memory_space<semaphore_mem>>)
    %dma_wait3A_848 = arith.constant 21 : i32
    %dma_wait3A_849 = arith.constant 0 : i32
    %dma_wait3A_850 = tpu.memref_slice %arg5[%dma_wait3A_848, %dma_wait3A_849] : memref<32x32xi32, #tpu.memory_space<vmem>> -> memref<1x32xi32, #tpu.memory_space<vmem>>
    %dma_wait3A_851 = tpu.memref_squeeze %dma_wait3A_850 : memref<1x32xi32, #tpu.memory_space<vmem>> -> memref<32xi32, #tpu.memory_space<vmem>>
    %dma_wait3A_852 = arith.constant 0 : i32
    %dma_wait3A_853 = arith.constant 0 : i32
    %dma_wait3A_854 = tpu.memref_slice %arg4[%add3A, %dma_wait3A_852, %dma_wait3A_853] : memref<32x1024x768xf32, #tpu.memory_space<hbm>> -> memref<1x1024x768xf32, #tpu.memory_space<hbm>>
    %dma_wait3A_855 = tpu.memref_squeeze %dma_wait3A_854 : memref<1x1024x768xf32, #tpu.memory_space<hbm>> -> memref<1024x768xf32, #tpu.memory_space<hbm>>
    %dma_wait3A_856 = arith.constant 0 : i32
    %dma_wait3A_857 = arith.constant 0 : i32
    %dma_wait3A_858 = tpu.memref_slice %dma_wait3A_855[%dma_wait3A_856, %dma_wait3A_857] : memref<1024x768xf32, #tpu.memory_space<hbm>> -> memref<1024x768xf32, #tpu.memory_space<hbm>>
    tpu.wait_indirect_dma semaphore(%arg15 : memref<!tpu.dma_semaphore, #tpu.memory_space<semaphore_mem>>) src(%arg7 : memref<32x768xf32, #tpu.memory_space<vmem>>) dst(%dma_wait3A_858 : memref<1024x768xf32, #tpu.memory_space<hbm>>)
    %dma_start3A_859 = arith.constant 800 : i32
    %dma_start3A_860 = arith.constant 0 : i32
    %dma_start3A_861 = tpu.memref_slice %arg2[%add3A, %dma_start3A_859, %dma_start3A_860] : memref<32x1024x768xf32, #tpu.memory_space<hbm>> -> memref<1x32x768xf32, #tpu.memory_space<hbm>>
    %dma_start3A_862 = tpu.memref_squeeze %dma_start3A_861 : memref<1x32x768xf32, #tpu.memory_space<hbm>> -> memref<32x768xf32, #tpu.memory_space<hbm>>
    %dma_start3A_863 = arith.constant 800 : i32
    %dma_start3A_864 = arith.constant 0 : i32
    %dma_start3A_865 = tpu.memref_slice %arg2[%add3A, %dma_start3A_863, %dma_start3A_864] : memref<32x1024x768xf32, #tpu.memory_space<hbm>> -> memref<1x32x768xf32, #tpu.memory_space<hbm>>
    %dma_start3A_866 = tpu.memref_squeeze %dma_start3A_865 : memref<1x32x768xf32, #tpu.memory_space<hbm>> -> memref<32x768xf32, #tpu.memory_space<hbm>>
    tpu.enqueue_dma source(%dma_start3A_866 : memref<32x768xf32, #tpu.memory_space<hbm>>) target(%arg7 : memref<32x768xf32, #tpu.memory_space<vmem>>) target_semaphore(%arg11 : memref<!tpu.dma_semaphore, #tpu.memory_space<semaphore_mem>>)
    %dma_wait3A_867 = arith.constant 704 : i32
    %dma_wait3A_868 = arith.constant 0 : i32
    %dma_wait3A_869 = tpu.memref_slice %arg2[%add3A, %dma_wait3A_867, %dma_wait3A_868] : memref<32x1024x768xf32, #tpu.memory_space<hbm>> -> memref<1x32x768xf32, #tpu.memory_space<hbm>>
    %dma_wait3A_870 = tpu.memref_squeeze %dma_wait3A_869 : memref<1x32x768xf32, #tpu.memory_space<hbm>> -> memref<32x768xf32, #tpu.memory_space<hbm>>
    %dma_wait3A_871 = arith.constant 704 : i32
    %dma_wait3A_872 = arith.constant 0 : i32
    %dma_wait3A_873 = tpu.memref_slice %arg2[%add3A, %dma_wait3A_871, %dma_wait3A_872] : memref<32x1024x768xf32, #tpu.memory_space<hbm>> -> memref<1x32x768xf32, #tpu.memory_space<hbm>>
    %dma_wait3A_874 = tpu.memref_squeeze %dma_wait3A_873 : memref<1x32x768xf32, #tpu.memory_space<hbm>> -> memref<32x768xf32, #tpu.memory_space<hbm>>
    tpu.wait_dma2 semaphore(%arg12 : memref<!tpu.dma_semaphore, #tpu.memory_space<semaphore_mem>>) src(%dma_wait3A_874 : memref<32x768xf32, #tpu.memory_space<hbm>>) dst(%arg8 : memref<32x768xf32, #tpu.memory_space<vmem>>)
    %dma_start3A_875 = arith.constant 22 : i32
    %dma_start3A_876 = arith.constant 0 : i32
    %dma_start3A_877 = tpu.memref_slice %arg5[%dma_start3A_875, %dma_start3A_876] : memref<32x32xi32, #tpu.memory_space<vmem>> -> memref<1x32xi32, #tpu.memory_space<vmem>>
    %dma_start3A_878 = tpu.memref_squeeze %dma_start3A_877 : memref<1x32xi32, #tpu.memory_space<vmem>> -> memref<32xi32, #tpu.memory_space<vmem>>
    %dma_start3A_879 = arith.constant 0 : i32
    %dma_start3A_880 = arith.constant 0 : i32
    %dma_start3A_881 = tpu.memref_slice %arg4[%add3A, %dma_start3A_879, %dma_start3A_880] : memref<32x1024x768xf32, #tpu.memory_space<hbm>> -> memref<1x1024x768xf32, #tpu.memory_space<hbm>>
    %dma_start3A_882 = tpu.memref_squeeze %dma_start3A_881 : memref<1x1024x768xf32, #tpu.memory_space<hbm>> -> memref<1024x768xf32, #tpu.memory_space<hbm>>
    %dma_start3A_883 = arith.constant 0 : i32
    %dma_start3A_884 = arith.constant 0 : i32
    %dma_start3A_885 = tpu.memref_slice %dma_start3A_882[%dma_start3A_883, %dma_start3A_884] : memref<1024x768xf32, #tpu.memory_space<hbm>> -> memref<1024x768xf32, #tpu.memory_space<hbm>>
    tpu.enqueue_indirect_dma source(%arg8 : memref<32x768xf32, #tpu.memory_space<vmem>>) target(%dma_start3A_885 : memref<1024x768xf32, #tpu.memory_space<hbm>>) offsets(%dma_start3A_878 : memref<32xi32, #tpu.memory_space<vmem>>) semaphore(%arg16 : memref<!tpu.dma_semaphore, #tpu.memory_space<semaphore_mem>>)
    %dma_wait3A_886 = arith.constant 22 : i32
    %dma_wait3A_887 = arith.constant 0 : i32
    %dma_wait3A_888 = tpu.memref_slice %arg5[%dma_wait3A_886, %dma_wait3A_887] : memref<32x32xi32, #tpu.memory_space<vmem>> -> memref<1x32xi32, #tpu.memory_space<vmem>>
    %dma_wait3A_889 = tpu.memref_squeeze %dma_wait3A_888 : memref<1x32xi32, #tpu.memory_space<vmem>> -> memref<32xi32, #tpu.memory_space<vmem>>
    %dma_wait3A_890 = arith.constant 0 : i32
    %dma_wait3A_891 = arith.constant 0 : i32
    %dma_wait3A_892 = tpu.memref_slice %arg4[%add3A, %dma_wait3A_890, %dma_wait3A_891] : memref<32x1024x768xf32, #tpu.memory_space<hbm>> -> memref<1x1024x768xf32, #tpu.memory_space<hbm>>
    %dma_wait3A_893 = tpu.memref_squeeze %dma_wait3A_892 : memref<1x1024x768xf32, #tpu.memory_space<hbm>> -> memref<1024x768xf32, #tpu.memory_space<hbm>>
    %dma_wait3A_894 = arith.constant 0 : i32
    %dma_wait3A_895 = arith.constant 0 : i32
    %dma_wait3A_896 = tpu.memref_slice %dma_wait3A_893[%dma_wait3A_894, %dma_wait3A_895] : memref<1024x768xf32, #tpu.memory_space<hbm>> -> memref<1024x768xf32, #tpu.memory_space<hbm>>
    tpu.wait_indirect_dma semaphore(%arg16 : memref<!tpu.dma_semaphore, #tpu.memory_space<semaphore_mem>>) src(%arg8 : memref<32x768xf32, #tpu.memory_space<vmem>>) dst(%dma_wait3A_896 : memref<1024x768xf32, #tpu.memory_space<hbm>>)
    %dma_start3A_897 = arith.constant 832 : i32
    %dma_start3A_898 = arith.constant 0 : i32
    %dma_start3A_899 = tpu.memref_slice %arg2[%add3A, %dma_start3A_897, %dma_start3A_898] : memref<32x1024x768xf32, #tpu.memory_space<hbm>> -> memref<1x32x768xf32, #tpu.memory_space<hbm>>
    %dma_start3A_900 = tpu.memref_squeeze %dma_start3A_899 : memref<1x32x768xf32, #tpu.memory_space<hbm>> -> memref<32x768xf32, #tpu.memory_space<hbm>>
    %dma_start3A_901 = arith.constant 832 : i32
    %dma_start3A_902 = arith.constant 0 : i32
    %dma_start3A_903 = tpu.memref_slice %arg2[%add3A, %dma_start3A_901, %dma_start3A_902] : memref<32x1024x768xf32, #tpu.memory_space<hbm>> -> memref<1x32x768xf32, #tpu.memory_space<hbm>>
    %dma_start3A_904 = tpu.memref_squeeze %dma_start3A_903 : memref<1x32x768xf32, #tpu.memory_space<hbm>> -> memref<32x768xf32, #tpu.memory_space<hbm>>
    tpu.enqueue_dma source(%dma_start3A_904 : memref<32x768xf32, #tpu.memory_space<hbm>>) target(%arg8 : memref<32x768xf32, #tpu.memory_space<vmem>>) target_semaphore(%arg12 : memref<!tpu.dma_semaphore, #tpu.memory_space<semaphore_mem>>)
    %dma_wait3A_905 = arith.constant 736 : i32
    %dma_wait3A_906 = arith.constant 0 : i32
    %dma_wait3A_907 = tpu.memref_slice %arg2[%add3A, %dma_wait3A_905, %dma_wait3A_906] : memref<32x1024x768xf32, #tpu.memory_space<hbm>> -> memref<1x32x768xf32, #tpu.memory_space<hbm>>
    %dma_wait3A_908 = tpu.memref_squeeze %dma_wait3A_907 : memref<1x32x768xf32, #tpu.memory_space<hbm>> -> memref<32x768xf32, #tpu.memory_space<hbm>>
    %dma_wait3A_909 = arith.constant 736 : i32
    %dma_wait3A_910 = arith.constant 0 : i32
    %dma_wait3A_911 = tpu.memref_slice %arg2[%add3A, %dma_wait3A_909, %dma_wait3A_910] : memref<32x1024x768xf32, #tpu.memory_space<hbm>> -> memref<1x32x768xf32, #tpu.memory_space<hbm>>
    %dma_wait3A_912 = tpu.memref_squeeze %dma_wait3A_911 : memref<1x32x768xf32, #tpu.memory_space<hbm>> -> memref<32x768xf32, #tpu.memory_space<hbm>>
    tpu.wait_dma2 semaphore(%arg13 : memref<!tpu.dma_semaphore, #tpu.memory_space<semaphore_mem>>) src(%dma_wait3A_912 : memref<32x768xf32, #tpu.memory_space<hbm>>) dst(%arg9 : memref<32x768xf32, #tpu.memory_space<vmem>>)
    %dma_start3A_913 = arith.constant 23 : i32
    %dma_start3A_914 = arith.constant 0 : i32
    %dma_start3A_915 = tpu.memref_slice %arg5[%dma_start3A_913, %dma_start3A_914] : memref<32x32xi32, #tpu.memory_space<vmem>> -> memref<1x32xi32, #tpu.memory_space<vmem>>
    %dma_start3A_916 = tpu.memref_squeeze %dma_start3A_915 : memref<1x32xi32, #tpu.memory_space<vmem>> -> memref<32xi32, #tpu.memory_space<vmem>>
    %dma_start3A_917 = arith.constant 0 : i32
    %dma_start3A_918 = arith.constant 0 : i32
    %dma_start3A_919 = tpu.memref_slice %arg4[%add3A, %dma_start3A_917, %dma_start3A_918] : memref<32x1024x768xf32, #tpu.memory_space<hbm>> -> memref<1x1024x768xf32, #tpu.memory_space<hbm>>
    %dma_start3A_920 = tpu.memref_squeeze %dma_start3A_919 : memref<1x1024x768xf32, #tpu.memory_space<hbm>> -> memref<1024x768xf32, #tpu.memory_space<hbm>>
    %dma_start3A_921 = arith.constant 0 : i32
    %dma_start3A_922 = arith.constant 0 : i32
    %dma_start3A_923 = tpu.memref_slice %dma_start3A_920[%dma_start3A_921, %dma_start3A_922] : memref<1024x768xf32, #tpu.memory_space<hbm>> -> memref<1024x768xf32, #tpu.memory_space<hbm>>
    tpu.enqueue_indirect_dma source(%arg9 : memref<32x768xf32, #tpu.memory_space<vmem>>) target(%dma_start3A_923 : memref<1024x768xf32, #tpu.memory_space<hbm>>) offsets(%dma_start3A_916 : memref<32xi32, #tpu.memory_space<vmem>>) semaphore(%arg17 : memref<!tpu.dma_semaphore, #tpu.memory_space<semaphore_mem>>)
    %dma_wait3A_924 = arith.constant 23 : i32
    %dma_wait3A_925 = arith.constant 0 : i32
    %dma_wait3A_926 = tpu.memref_slice %arg5[%dma_wait3A_924, %dma_wait3A_925] : memref<32x32xi32, #tpu.memory_space<vmem>> -> memref<1x32xi32, #tpu.memory_space<vmem>>
    %dma_wait3A_927 = tpu.memref_squeeze %dma_wait3A_926 : memref<1x32xi32, #tpu.memory_space<vmem>> -> memref<32xi32, #tpu.memory_space<vmem>>
    %dma_wait3A_928 = arith.constant 0 : i32
    %dma_wait3A_929 = arith.constant 0 : i32
    %dma_wait3A_930 = tpu.memref_slice %arg4[%add3A, %dma_wait3A_928, %dma_wait3A_929] : memref<32x1024x768xf32, #tpu.memory_space<hbm>> -> memref<1x1024x768xf32, #tpu.memory_space<hbm>>
    %dma_wait3A_931 = tpu.memref_squeeze %dma_wait3A_930 : memref<1x1024x768xf32, #tpu.memory_space<hbm>> -> memref<1024x768xf32, #tpu.memory_space<hbm>>
    %dma_wait3A_932 = arith.constant 0 : i32
    %dma_wait3A_933 = arith.constant 0 : i32
    %dma_wait3A_934 = tpu.memref_slice %dma_wait3A_931[%dma_wait3A_932, %dma_wait3A_933] : memref<1024x768xf32, #tpu.memory_space<hbm>> -> memref<1024x768xf32, #tpu.memory_space<hbm>>
    tpu.wait_indirect_dma semaphore(%arg17 : memref<!tpu.dma_semaphore, #tpu.memory_space<semaphore_mem>>) src(%arg9 : memref<32x768xf32, #tpu.memory_space<vmem>>) dst(%dma_wait3A_934 : memref<1024x768xf32, #tpu.memory_space<hbm>>)
    %dma_start3A_935 = arith.constant 864 : i32
    %dma_start3A_936 = arith.constant 0 : i32
    %dma_start3A_937 = tpu.memref_slice %arg2[%add3A, %dma_start3A_935, %dma_start3A_936] : memref<32x1024x768xf32, #tpu.memory_space<hbm>> -> memref<1x32x768xf32, #tpu.memory_space<hbm>>
    %dma_start3A_938 = tpu.memref_squeeze %dma_start3A_937 : memref<1x32x768xf32, #tpu.memory_space<hbm>> -> memref<32x768xf32, #tpu.memory_space<hbm>>
    %dma_start3A_939 = arith.constant 864 : i32
    %dma_start3A_940 = arith.constant 0 : i32
    %dma_start3A_941 = tpu.memref_slice %arg2[%add3A, %dma_start3A_939, %dma_start3A_940] : memref<32x1024x768xf32, #tpu.memory_space<hbm>> -> memref<1x32x768xf32, #tpu.memory_space<hbm>>
    %dma_start3A_942 = tpu.memref_squeeze %dma_start3A_941 : memref<1x32x768xf32, #tpu.memory_space<hbm>> -> memref<32x768xf32, #tpu.memory_space<hbm>>
    tpu.enqueue_dma source(%dma_start3A_942 : memref<32x768xf32, #tpu.memory_space<hbm>>) target(%arg9 : memref<32x768xf32, #tpu.memory_space<vmem>>) target_semaphore(%arg13 : memref<!tpu.dma_semaphore, #tpu.memory_space<semaphore_mem>>)
    %dma_wait3A_943 = arith.constant 768 : i32
    %dma_wait3A_944 = arith.constant 0 : i32
    %dma_wait3A_945 = tpu.memref_slice %arg2[%add3A, %dma_wait3A_943, %dma_wait3A_944] : memref<32x1024x768xf32, #tpu.memory_space<hbm>> -> memref<1x32x768xf32, #tpu.memory_space<hbm>>
    %dma_wait3A_946 = tpu.memref_squeeze %dma_wait3A_945 : memref<1x32x768xf32, #tpu.memory_space<hbm>> -> memref<32x768xf32, #tpu.memory_space<hbm>>
    %dma_wait3A_947 = arith.constant 768 : i32
    %dma_wait3A_948 = arith.constant 0 : i32
    %dma_wait3A_949 = tpu.memref_slice %arg2[%add3A, %dma_wait3A_947, %dma_wait3A_948] : memref<32x1024x768xf32, #tpu.memory_space<hbm>> -> memref<1x32x768xf32, #tpu.memory_space<hbm>>
    %dma_wait3A_950 = tpu.memref_squeeze %dma_wait3A_949 : memref<1x32x768xf32, #tpu.memory_space<hbm>> -> memref<32x768xf32, #tpu.memory_space<hbm>>
    tpu.wait_dma2 semaphore(%arg10 : memref<!tpu.dma_semaphore, #tpu.memory_space<semaphore_mem>>) src(%dma_wait3A_950 : memref<32x768xf32, #tpu.memory_space<hbm>>) dst(%arg6 : memref<32x768xf32, #tpu.memory_space<vmem>>)
    %dma_start3A_951 = arith.constant 24 : i32
    %dma_start3A_952 = arith.constant 0 : i32
    %dma_start3A_953 = tpu.memref_slice %arg5[%dma_start3A_951, %dma_start3A_952] : memref<32x32xi32, #tpu.memory_space<vmem>> -> memref<1x32xi32, #tpu.memory_space<vmem>>
    %dma_start3A_954 = tpu.memref_squeeze %dma_start3A_953 : memref<1x32xi32, #tpu.memory_space<vmem>> -> memref<32xi32, #tpu.memory_space<vmem>>
    %dma_start3A_955 = arith.constant 0 : i32
    %dma_start3A_956 = arith.constant 0 : i32
    %dma_start3A_957 = tpu.memref_slice %arg4[%add3A, %dma_start3A_955, %dma_start3A_956] : memref<32x1024x768xf32, #tpu.memory_space<hbm>> -> memref<1x1024x768xf32, #tpu.memory_space<hbm>>
    %dma_start3A_958 = tpu.memref_squeeze %dma_start3A_957 : memref<1x1024x768xf32, #tpu.memory_space<hbm>> -> memref<1024x768xf32, #tpu.memory_space<hbm>>
    %dma_start3A_959 = arith.constant 0 : i32
    %dma_start3A_960 = arith.constant 0 : i32
    %dma_start3A_961 = tpu.memref_slice %dma_start3A_958[%dma_start3A_959, %dma_start3A_960] : memref<1024x768xf32, #tpu.memory_space<hbm>> -> memref<1024x768xf32, #tpu.memory_space<hbm>>
    tpu.enqueue_indirect_dma source(%arg6 : memref<32x768xf32, #tpu.memory_space<vmem>>) target(%dma_start3A_961 : memref<1024x768xf32, #tpu.memory_space<hbm>>) offsets(%dma_start3A_954 : memref<32xi32, #tpu.memory_space<vmem>>) semaphore(%arg14 : memref<!tpu.dma_semaphore, #tpu.memory_space<semaphore_mem>>)
    %dma_wait3A_962 = arith.constant 24 : i32
    %dma_wait3A_963 = arith.constant 0 : i32
    %dma_wait3A_964 = tpu.memref_slice %arg5[%dma_wait3A_962, %dma_wait3A_963] : memref<32x32xi32, #tpu.memory_space<vmem>> -> memref<1x32xi32, #tpu.memory_space<vmem>>
    %dma_wait3A_965 = tpu.memref_squeeze %dma_wait3A_964 : memref<1x32xi32, #tpu.memory_space<vmem>> -> memref<32xi32, #tpu.memory_space<vmem>>
    %dma_wait3A_966 = arith.constant 0 : i32
    %dma_wait3A_967 = arith.constant 0 : i32
    %dma_wait3A_968 = tpu.memref_slice %arg4[%add3A, %dma_wait3A_966, %dma_wait3A_967] : memref<32x1024x768xf32, #tpu.memory_space<hbm>> -> memref<1x1024x768xf32, #tpu.memory_space<hbm>>
    %dma_wait3A_969 = tpu.memref_squeeze %dma_wait3A_968 : memref<1x1024x768xf32, #tpu.memory_space<hbm>> -> memref<1024x768xf32, #tpu.memory_space<hbm>>
    %dma_wait3A_970 = arith.constant 0 : i32
    %dma_wait3A_971 = arith.constant 0 : i32
    %dma_wait3A_972 = tpu.memref_slice %dma_wait3A_969[%dma_wait3A_970, %dma_wait3A_971] : memref<1024x768xf32, #tpu.memory_space<hbm>> -> memref<1024x768xf32, #tpu.memory_space<hbm>>
    tpu.wait_indirect_dma semaphore(%arg14 : memref<!tpu.dma_semaphore, #tpu.memory_space<semaphore_mem>>) src(%arg6 : memref<32x768xf32, #tpu.memory_space<vmem>>) dst(%dma_wait3A_972 : memref<1024x768xf32, #tpu.memory_space<hbm>>)
    %dma_start3A_973 = arith.constant 896 : i32
    %dma_start3A_974 = arith.constant 0 : i32
    %dma_start3A_975 = tpu.memref_slice %arg2[%add3A, %dma_start3A_973, %dma_start3A_974] : memref<32x1024x768xf32, #tpu.memory_space<hbm>> -> memref<1x32x768xf32, #tpu.memory_space<hbm>>
    %dma_start3A_976 = tpu.memref_squeeze %dma_start3A_975 : memref<1x32x768xf32, #tpu.memory_space<hbm>> -> memref<32x768xf32, #tpu.memory_space<hbm>>
    %dma_start3A_977 = arith.constant 896 : i32
    %dma_start3A_978 = arith.constant 0 : i32
    %dma_start3A_979 = tpu.memref_slice %arg2[%add3A, %dma_start3A_977, %dma_start3A_978] : memref<32x1024x768xf32, #tpu.memory_space<hbm>> -> memref<1x32x768xf32, #tpu.memory_space<hbm>>
    %dma_start3A_980 = tpu.memref_squeeze %dma_start3A_979 : memref<1x32x768xf32, #tpu.memory_space<hbm>> -> memref<32x768xf32, #tpu.memory_space<hbm>>
    tpu.enqueue_dma source(%dma_start3A_980 : memref<32x768xf32, #tpu.memory_space<hbm>>) target(%arg6 : memref<32x768xf32, #tpu.memory_space<vmem>>) target_semaphore(%arg10 : memref<!tpu.dma_semaphore, #tpu.memory_space<semaphore_mem>>)
    %dma_wait3A_981 = arith.constant 800 : i32
    %dma_wait3A_982 = arith.constant 0 : i32
    %dma_wait3A_983 = tpu.memref_slice %arg2[%add3A, %dma_wait3A_981, %dma_wait3A_982] : memref<32x1024x768xf32, #tpu.memory_space<hbm>> -> memref<1x32x768xf32, #tpu.memory_space<hbm>>
    %dma_wait3A_984 = tpu.memref_squeeze %dma_wait3A_983 : memref<1x32x768xf32, #tpu.memory_space<hbm>> -> memref<32x768xf32, #tpu.memory_space<hbm>>
    %dma_wait3A_985 = arith.constant 800 : i32
    %dma_wait3A_986 = arith.constant 0 : i32
    %dma_wait3A_987 = tpu.memref_slice %arg2[%add3A, %dma_wait3A_985, %dma_wait3A_986] : memref<32x1024x768xf32, #tpu.memory_space<hbm>> -> memref<1x32x768xf32, #tpu.memory_space<hbm>>
    %dma_wait3A_988 = tpu.memref_squeeze %dma_wait3A_987 : memref<1x32x768xf32, #tpu.memory_space<hbm>> -> memref<32x768xf32, #tpu.memory_space<hbm>>
    tpu.wait_dma2 semaphore(%arg11 : memref<!tpu.dma_semaphore, #tpu.memory_space<semaphore_mem>>) src(%dma_wait3A_988 : memref<32x768xf32, #tpu.memory_space<hbm>>) dst(%arg7 : memref<32x768xf32, #tpu.memory_space<vmem>>)
    %dma_start3A_989 = arith.constant 25 : i32
    %dma_start3A_990 = arith.constant 0 : i32
    %dma_start3A_991 = tpu.memref_slice %arg5[%dma_start3A_989, %dma_start3A_990] : memref<32x32xi32, #tpu.memory_space<vmem>> -> memref<1x32xi32, #tpu.memory_space<vmem>>
    %dma_start3A_992 = tpu.memref_squeeze %dma_start3A_991 : memref<1x32xi32, #tpu.memory_space<vmem>> -> memref<32xi32, #tpu.memory_space<vmem>>
    %dma_start3A_993 = arith.constant 0 : i32
    %dma_start3A_994 = arith.constant 0 : i32
    %dma_start3A_995 = tpu.memref_slice %arg4[%add3A, %dma_start3A_993, %dma_start3A_994] : memref<32x1024x768xf32, #tpu.memory_space<hbm>> -> memref<1x1024x768xf32, #tpu.memory_space<hbm>>
    %dma_start3A_996 = tpu.memref_squeeze %dma_start3A_995 : memref<1x1024x768xf32, #tpu.memory_space<hbm>> -> memref<1024x768xf32, #tpu.memory_space<hbm>>
    %dma_start3A_997 = arith.constant 0 : i32
    %dma_start3A_998 = arith.constant 0 : i32
    %dma_start3A_999 = tpu.memref_slice %dma_start3A_996[%dma_start3A_997, %dma_start3A_998] : memref<1024x768xf32, #tpu.memory_space<hbm>> -> memref<1024x768xf32, #tpu.memory_space<hbm>>
    tpu.enqueue_indirect_dma source(%arg7 : memref<32x768xf32, #tpu.memory_space<vmem>>) target(%dma_start3A_999 : memref<1024x768xf32, #tpu.memory_space<hbm>>) offsets(%dma_start3A_992 : memref<32xi32, #tpu.memory_space<vmem>>) semaphore(%arg15 : memref<!tpu.dma_semaphore, #tpu.memory_space<semaphore_mem>>)
    %dma_wait3A_1000 = arith.constant 25 : i32
    %dma_wait3A_1001 = arith.constant 0 : i32
    %dma_wait3A_1002 = tpu.memref_slice %arg5[%dma_wait3A_1000, %dma_wait3A_1001] : memref<32x32xi32, #tpu.memory_space<vmem>> -> memref<1x32xi32, #tpu.memory_space<vmem>>
    %dma_wait3A_1003 = tpu.memref_squeeze %dma_wait3A_1002 : memref<1x32xi32, #tpu.memory_space<vmem>> -> memref<32xi32, #tpu.memory_space<vmem>>
    %dma_wait3A_1004 = arith.constant 0 : i32
    %dma_wait3A_1005 = arith.constant 0 : i32
    %dma_wait3A_1006 = tpu.memref_slice %arg4[%add3A, %dma_wait3A_1004, %dma_wait3A_1005] : memref<32x1024x768xf32, #tpu.memory_space<hbm>> -> memref<1x1024x768xf32, #tpu.memory_space<hbm>>
    %dma_wait3A_1007 = tpu.memref_squeeze %dma_wait3A_1006 : memref<1x1024x768xf32, #tpu.memory_space<hbm>> -> memref<1024x768xf32, #tpu.memory_space<hbm>>
    %dma_wait3A_1008 = arith.constant 0 : i32
    %dma_wait3A_1009 = arith.constant 0 : i32
    %dma_wait3A_1010 = tpu.memref_slice %dma_wait3A_1007[%dma_wait3A_1008, %dma_wait3A_1009] : memref<1024x768xf32, #tpu.memory_space<hbm>> -> memref<1024x768xf32, #tpu.memory_space<hbm>>
    tpu.wait_indirect_dma semaphore(%arg15 : memref<!tpu.dma_semaphore, #tpu.memory_space<semaphore_mem>>) src(%arg7 : memref<32x768xf32, #tpu.memory_space<vmem>>) dst(%dma_wait3A_1010 : memref<1024x768xf32, #tpu.memory_space<hbm>>)
    %dma_start3A_1011 = arith.constant 928 : i32
    %dma_start3A_1012 = arith.constant 0 : i32
    %dma_start3A_1013 = tpu.memref_slice %arg2[%add3A, %dma_start3A_1011, %dma_start3A_1012] : memref<32x1024x768xf32, #tpu.memory_space<hbm>> -> memref<1x32x768xf32, #tpu.memory_space<hbm>>
    %dma_start3A_1014 = tpu.memref_squeeze %dma_start3A_1013 : memref<1x32x768xf32, #tpu.memory_space<hbm>> -> memref<32x768xf32, #tpu.memory_space<hbm>>
    %dma_start3A_1015 = arith.constant 928 : i32
    %dma_start3A_1016 = arith.constant 0 : i32
    %dma_start3A_1017 = tpu.memref_slice %arg2[%add3A, %dma_start3A_1015, %dma_start3A_1016] : memref<32x1024x768xf32, #tpu.memory_space<hbm>> -> memref<1x32x768xf32, #tpu.memory_space<hbm>>
    %dma_start3A_1018 = tpu.memref_squeeze %dma_start3A_1017 : memref<1x32x768xf32, #tpu.memory_space<hbm>> -> memref<32x768xf32, #tpu.memory_space<hbm>>
    tpu.enqueue_dma source(%dma_start3A_1018 : memref<32x768xf32, #tpu.memory_space<hbm>>) target(%arg7 : memref<32x768xf32, #tpu.memory_space<vmem>>) target_semaphore(%arg11 : memref<!tpu.dma_semaphore, #tpu.memory_space<semaphore_mem>>)
    %dma_wait3A_1019 = arith.constant 832 : i32
    %dma_wait3A_1020 = arith.constant 0 : i32
    %dma_wait3A_1021 = tpu.memref_slice %arg2[%add3A, %dma_wait3A_1019, %dma_wait3A_1020] : memref<32x1024x768xf32, #tpu.memory_space<hbm>> -> memref<1x32x768xf32, #tpu.memory_space<hbm>>
    %dma_wait3A_1022 = tpu.memref_squeeze %dma_wait3A_1021 : memref<1x32x768xf32, #tpu.memory_space<hbm>> -> memref<32x768xf32, #tpu.memory_space<hbm>>
    %dma_wait3A_1023 = arith.constant 832 : i32
    %dma_wait3A_1024 = arith.constant 0 : i32
    %dma_wait3A_1025 = tpu.memref_slice %arg2[%add3A, %dma_wait3A_1023, %dma_wait3A_1024] : memref<32x1024x768xf32, #tpu.memory_space<hbm>> -> memref<1x32x768xf32, #tpu.memory_space<hbm>>
    %dma_wait3A_1026 = tpu.memref_squeeze %dma_wait3A_1025 : memref<1x32x768xf32, #tpu.memory_space<hbm>> -> memref<32x768xf32, #tpu.memory_space<hbm>>
    tpu.wait_dma2 semaphore(%arg12 : memref<!tpu.dma_semaphore, #tpu.memory_space<semaphore_mem>>) src(%dma_wait3A_1026 : memref<32x768xf32, #tpu.memory_space<hbm>>) dst(%arg8 : memref<32x768xf32, #tpu.memory_space<vmem>>)
    %dma_start3A_1027 = arith.constant 26 : i32
    %dma_start3A_1028 = arith.constant 0 : i32
    %dma_start3A_1029 = tpu.memref_slice %arg5[%dma_start3A_1027, %dma_start3A_1028] : memref<32x32xi32, #tpu.memory_space<vmem>> -> memref<1x32xi32, #tpu.memory_space<vmem>>
    %dma_start3A_1030 = tpu.memref_squeeze %dma_start3A_1029 : memref<1x32xi32, #tpu.memory_space<vmem>> -> memref<32xi32, #tpu.memory_space<vmem>>
    %dma_start3A_1031 = arith.constant 0 : i32
    %dma_start3A_1032 = arith.constant 0 : i32
    %dma_start3A_1033 = tpu.memref_slice %arg4[%add3A, %dma_start3A_1031, %dma_start3A_1032] : memref<32x1024x768xf32, #tpu.memory_space<hbm>> -> memref<1x1024x768xf32, #tpu.memory_space<hbm>>
    %dma_start3A_1034 = tpu.memref_squeeze %dma_start3A_1033 : memref<1x1024x768xf32, #tpu.memory_space<hbm>> -> memref<1024x768xf32, #tpu.memory_space<hbm>>
    %dma_start3A_1035 = arith.constant 0 : i32
    %dma_start3A_1036 = arith.constant 0 : i32
    %dma_start3A_1037 = tpu.memref_slice %dma_start3A_1034[%dma_start3A_1035, %dma_start3A_1036] : memref<1024x768xf32, #tpu.memory_space<hbm>> -> memref<1024x768xf32, #tpu.memory_space<hbm>>
    tpu.enqueue_indirect_dma source(%arg8 : memref<32x768xf32, #tpu.memory_space<vmem>>) target(%dma_start3A_1037 : memref<1024x768xf32, #tpu.memory_space<hbm>>) offsets(%dma_start3A_1030 : memref<32xi32, #tpu.memory_space<vmem>>) semaphore(%arg16 : memref<!tpu.dma_semaphore, #tpu.memory_space<semaphore_mem>>)
    %dma_wait3A_1038 = arith.constant 26 : i32
    %dma_wait3A_1039 = arith.constant 0 : i32
    %dma_wait3A_1040 = tpu.memref_slice %arg5[%dma_wait3A_1038, %dma_wait3A_1039] : memref<32x32xi32, #tpu.memory_space<vmem>> -> memref<1x32xi32, #tpu.memory_space<vmem>>
    %dma_wait3A_1041 = tpu.memref_squeeze %dma_wait3A_1040 : memref<1x32xi32, #tpu.memory_space<vmem>> -> memref<32xi32, #tpu.memory_space<vmem>>
    %dma_wait3A_1042 = arith.constant 0 : i32
    %dma_wait3A_1043 = arith.constant 0 : i32
    %dma_wait3A_1044 = tpu.memref_slice %arg4[%add3A, %dma_wait3A_1042, %dma_wait3A_1043] : memref<32x1024x768xf32, #tpu.memory_space<hbm>> -> memref<1x1024x768xf32, #tpu.memory_space<hbm>>
    %dma_wait3A_1045 = tpu.memref_squeeze %dma_wait3A_1044 : memref<1x1024x768xf32, #tpu.memory_space<hbm>> -> memref<1024x768xf32, #tpu.memory_space<hbm>>
    %dma_wait3A_1046 = arith.constant 0 : i32
    %dma_wait3A_1047 = arith.constant 0 : i32
    %dma_wait3A_1048 = tpu.memref_slice %dma_wait3A_1045[%dma_wait3A_1046, %dma_wait3A_1047] : memref<1024x768xf32, #tpu.memory_space<hbm>> -> memref<1024x768xf32, #tpu.memory_space<hbm>>
    tpu.wait_indirect_dma semaphore(%arg16 : memref<!tpu.dma_semaphore, #tpu.memory_space<semaphore_mem>>) src(%arg8 : memref<32x768xf32, #tpu.memory_space<vmem>>) dst(%dma_wait3A_1048 : memref<1024x768xf32, #tpu.memory_space<hbm>>)
    %dma_start3A_1049 = arith.constant 960 : i32
    %dma_start3A_1050 = arith.constant 0 : i32
    %dma_start3A_1051 = tpu.memref_slice %arg2[%add3A, %dma_start3A_1049, %dma_start3A_1050] : memref<32x1024x768xf32, #tpu.memory_space<hbm>> -> memref<1x32x768xf32, #tpu.memory_space<hbm>>
    %dma_start3A_1052 = tpu.memref_squeeze %dma_start3A_1051 : memref<1x32x768xf32, #tpu.memory_space<hbm>> -> memref<32x768xf32, #tpu.memory_space<hbm>>
    %dma_start3A_1053 = arith.constant 960 : i32
    %dma_start3A_1054 = arith.constant 0 : i32
    %dma_start3A_1055 = tpu.memref_slice %arg2[%add3A, %dma_start3A_1053, %dma_start3A_1054] : memref<32x1024x768xf32, #tpu.memory_space<hbm>> -> memref<1x32x768xf32, #tpu.memory_space<hbm>>
    %dma_start3A_1056 = tpu.memref_squeeze %dma_start3A_1055 : memref<1x32x768xf32, #tpu.memory_space<hbm>> -> memref<32x768xf32, #tpu.memory_space<hbm>>
    tpu.enqueue_dma source(%dma_start3A_1056 : memref<32x768xf32, #tpu.memory_space<hbm>>) target(%arg8 : memref<32x768xf32, #tpu.memory_space<vmem>>) target_semaphore(%arg12 : memref<!tpu.dma_semaphore, #tpu.memory_space<semaphore_mem>>)
    %dma_wait3A_1057 = arith.constant 864 : i32
    %dma_wait3A_1058 = arith.constant 0 : i32
    %dma_wait3A_1059 = tpu.memref_slice %arg2[%add3A, %dma_wait3A_1057, %dma_wait3A_1058] : memref<32x1024x768xf32, #tpu.memory_space<hbm>> -> memref<1x32x768xf32, #tpu.memory_space<hbm>>
    %dma_wait3A_1060 = tpu.memref_squeeze %dma_wait3A_1059 : memref<1x32x768xf32, #tpu.memory_space<hbm>> -> memref<32x768xf32, #tpu.memory_space<hbm>>
    %dma_wait3A_1061 = arith.constant 864 : i32
    %dma_wait3A_1062 = arith.constant 0 : i32
    %dma_wait3A_1063 = tpu.memref_slice %arg2[%add3A, %dma_wait3A_1061, %dma_wait3A_1062] : memref<32x1024x768xf32, #tpu.memory_space<hbm>> -> memref<1x32x768xf32, #tpu.memory_space<hbm>>
    %dma_wait3A_1064 = tpu.memref_squeeze %dma_wait3A_1063 : memref<1x32x768xf32, #tpu.memory_space<hbm>> -> memref<32x768xf32, #tpu.memory_space<hbm>>
    tpu.wait_dma2 semaphore(%arg13 : memref<!tpu.dma_semaphore, #tpu.memory_space<semaphore_mem>>) src(%dma_wait3A_1064 : memref<32x768xf32, #tpu.memory_space<hbm>>) dst(%arg9 : memref<32x768xf32, #tpu.memory_space<vmem>>)
    %dma_start3A_1065 = arith.constant 27 : i32
    %dma_start3A_1066 = arith.constant 0 : i32
    %dma_start3A_1067 = tpu.memref_slice %arg5[%dma_start3A_1065, %dma_start3A_1066] : memref<32x32xi32, #tpu.memory_space<vmem>> -> memref<1x32xi32, #tpu.memory_space<vmem>>
    %dma_start3A_1068 = tpu.memref_squeeze %dma_start3A_1067 : memref<1x32xi32, #tpu.memory_space<vmem>> -> memref<32xi32, #tpu.memory_space<vmem>>
    %dma_start3A_1069 = arith.constant 0 : i32
    %dma_start3A_1070 = arith.constant 0 : i32
    %dma_start3A_1071 = tpu.memref_slice %arg4[%add3A, %dma_start3A_1069, %dma_start3A_1070] : memref<32x1024x768xf32, #tpu.memory_space<hbm>> -> memref<1x1024x768xf32, #tpu.memory_space<hbm>>
    %dma_start3A_1072 = tpu.memref_squeeze %dma_start3A_1071 : memref<1x1024x768xf32, #tpu.memory_space<hbm>> -> memref<1024x768xf32, #tpu.memory_space<hbm>>
    %dma_start3A_1073 = arith.constant 0 : i32
    %dma_start3A_1074 = arith.constant 0 : i32
    %dma_start3A_1075 = tpu.memref_slice %dma_start3A_1072[%dma_start3A_1073, %dma_start3A_1074] : memref<1024x768xf32, #tpu.memory_space<hbm>> -> memref<1024x768xf32, #tpu.memory_space<hbm>>
    tpu.enqueue_indirect_dma source(%arg9 : memref<32x768xf32, #tpu.memory_space<vmem>>) target(%dma_start3A_1075 : memref<1024x768xf32, #tpu.memory_space<hbm>>) offsets(%dma_start3A_1068 : memref<32xi32, #tpu.memory_space<vmem>>) semaphore(%arg17 : memref<!tpu.dma_semaphore, #tpu.memory_space<semaphore_mem>>)
    %dma_wait3A_1076 = arith.constant 27 : i32
    %dma_wait3A_1077 = arith.constant 0 : i32
    %dma_wait3A_1078 = tpu.memref_slice %arg5[%dma_wait3A_1076, %dma_wait3A_1077] : memref<32x32xi32, #tpu.memory_space<vmem>> -> memref<1x32xi32, #tpu.memory_space<vmem>>
    %dma_wait3A_1079 = tpu.memref_squeeze %dma_wait3A_1078 : memref<1x32xi32, #tpu.memory_space<vmem>> -> memref<32xi32, #tpu.memory_space<vmem>>
    %dma_wait3A_1080 = arith.constant 0 : i32
    %dma_wait3A_1081 = arith.constant 0 : i32
    %dma_wait3A_1082 = tpu.memref_slice %arg4[%add3A, %dma_wait3A_1080, %dma_wait3A_1081] : memref<32x1024x768xf32, #tpu.memory_space<hbm>> -> memref<1x1024x768xf32, #tpu.memory_space<hbm>>
    %dma_wait3A_1083 = tpu.memref_squeeze %dma_wait3A_1082 : memref<1x1024x768xf32, #tpu.memory_space<hbm>> -> memref<1024x768xf32, #tpu.memory_space<hbm>>
    %dma_wait3A_1084 = arith.constant 0 : i32
    %dma_wait3A_1085 = arith.constant 0 : i32
    %dma_wait3A_1086 = tpu.memref_slice %dma_wait3A_1083[%dma_wait3A_1084, %dma_wait3A_1085] : memref<1024x768xf32, #tpu.memory_space<hbm>> -> memref<1024x768xf32, #tpu.memory_space<hbm>>
    tpu.wait_indirect_dma semaphore(%arg17 : memref<!tpu.dma_semaphore, #tpu.memory_space<semaphore_mem>>) src(%arg9 : memref<32x768xf32, #tpu.memory_space<vmem>>) dst(%dma_wait3A_1086 : memref<1024x768xf32, #tpu.memory_space<hbm>>)
    %dma_start3A_1087 = arith.constant 992 : i32
    %dma_start3A_1088 = arith.constant 0 : i32
    %dma_start3A_1089 = tpu.memref_slice %arg2[%add3A, %dma_start3A_1087, %dma_start3A_1088] : memref<32x1024x768xf32, #tpu.memory_space<hbm>> -> memref<1x32x768xf32, #tpu.memory_space<hbm>>
    %dma_start3A_1090 = tpu.memref_squeeze %dma_start3A_1089 : memref<1x32x768xf32, #tpu.memory_space<hbm>> -> memref<32x768xf32, #tpu.memory_space<hbm>>
    %dma_start3A_1091 = arith.constant 992 : i32
    %dma_start3A_1092 = arith.constant 0 : i32
    %dma_start3A_1093 = tpu.memref_slice %arg2[%add3A, %dma_start3A_1091, %dma_start3A_1092] : memref<32x1024x768xf32, #tpu.memory_space<hbm>> -> memref<1x32x768xf32, #tpu.memory_space<hbm>>
    %dma_start3A_1094 = tpu.memref_squeeze %dma_start3A_1093 : memref<1x32x768xf32, #tpu.memory_space<hbm>> -> memref<32x768xf32, #tpu.memory_space<hbm>>
    tpu.enqueue_dma source(%dma_start3A_1094 : memref<32x768xf32, #tpu.memory_space<hbm>>) target(%arg9 : memref<32x768xf32, #tpu.memory_space<vmem>>) target_semaphore(%arg13 : memref<!tpu.dma_semaphore, #tpu.memory_space<semaphore_mem>>)
    %dma_wait3A_1095 = arith.constant 896 : i32
    %dma_wait3A_1096 = arith.constant 0 : i32
    %dma_wait3A_1097 = tpu.memref_slice %arg2[%add3A, %dma_wait3A_1095, %dma_wait3A_1096] : memref<32x1024x768xf32, #tpu.memory_space<hbm>> -> memref<1x32x768xf32, #tpu.memory_space<hbm>>
    %dma_wait3A_1098 = tpu.memref_squeeze %dma_wait3A_1097 : memref<1x32x768xf32, #tpu.memory_space<hbm>> -> memref<32x768xf32, #tpu.memory_space<hbm>>
    %dma_wait3A_1099 = arith.constant 896 : i32
    %dma_wait3A_1100 = arith.constant 0 : i32
    %dma_wait3A_1101 = tpu.memref_slice %arg2[%add3A, %dma_wait3A_1099, %dma_wait3A_1100] : memref<32x1024x768xf32, #tpu.memory_space<hbm>> -> memref<1x32x768xf32, #tpu.memory_space<hbm>>
    %dma_wait3A_1102 = tpu.memref_squeeze %dma_wait3A_1101 : memref<1x32x768xf32, #tpu.memory_space<hbm>> -> memref<32x768xf32, #tpu.memory_space<hbm>>
    tpu.wait_dma2 semaphore(%arg10 : memref<!tpu.dma_semaphore, #tpu.memory_space<semaphore_mem>>) src(%dma_wait3A_1102 : memref<32x768xf32, #tpu.memory_space<hbm>>) dst(%arg6 : memref<32x768xf32, #tpu.memory_space<vmem>>)
    %dma_start3A_1103 = arith.constant 28 : i32
    %dma_start3A_1104 = arith.constant 0 : i32
    %dma_start3A_1105 = tpu.memref_slice %arg5[%dma_start3A_1103, %dma_start3A_1104] : memref<32x32xi32, #tpu.memory_space<vmem>> -> memref<1x32xi32, #tpu.memory_space<vmem>>
    %dma_start3A_1106 = tpu.memref_squeeze %dma_start3A_1105 : memref<1x32xi32, #tpu.memory_space<vmem>> -> memref<32xi32, #tpu.memory_space<vmem>>
    %dma_start3A_1107 = arith.constant 0 : i32
    %dma_start3A_1108 = arith.constant 0 : i32
    %dma_start3A_1109 = tpu.memref_slice %arg4[%add3A, %dma_start3A_1107, %dma_start3A_1108] : memref<32x1024x768xf32, #tpu.memory_space<hbm>> -> memref<1x1024x768xf32, #tpu.memory_space<hbm>>
    %dma_start3A_1110 = tpu.memref_squeeze %dma_start3A_1109 : memref<1x1024x768xf32, #tpu.memory_space<hbm>> -> memref<1024x768xf32, #tpu.memory_space<hbm>>
    %dma_start3A_1111 = arith.constant 0 : i32
    %dma_start3A_1112 = arith.constant 0 : i32
    %dma_start3A_1113 = tpu.memref_slice %dma_start3A_1110[%dma_start3A_1111, %dma_start3A_1112] : memref<1024x768xf32, #tpu.memory_space<hbm>> -> memref<1024x768xf32, #tpu.memory_space<hbm>>
    tpu.enqueue_indirect_dma source(%arg6 : memref<32x768xf32, #tpu.memory_space<vmem>>) target(%dma_start3A_1113 : memref<1024x768xf32, #tpu.memory_space<hbm>>) offsets(%dma_start3A_1106 : memref<32xi32, #tpu.memory_space<vmem>>) semaphore(%arg14 : memref<!tpu.dma_semaphore, #tpu.memory_space<semaphore_mem>>)
    %dma_wait3A_1114 = arith.constant 928 : i32
    %dma_wait3A_1115 = arith.constant 0 : i32
    %dma_wait3A_1116 = tpu.memref_slice %arg2[%add3A, %dma_wait3A_1114, %dma_wait3A_1115] : memref<32x1024x768xf32, #tpu.memory_space<hbm>> -> memref<1x32x768xf32, #tpu.memory_space<hbm>>
    %dma_wait3A_1117 = tpu.memref_squeeze %dma_wait3A_1116 : memref<1x32x768xf32, #tpu.memory_space<hbm>> -> memref<32x768xf32, #tpu.memory_space<hbm>>
    %dma_wait3A_1118 = arith.constant 928 : i32
    %dma_wait3A_1119 = arith.constant 0 : i32
    %dma_wait3A_1120 = tpu.memref_slice %arg2[%add3A, %dma_wait3A_1118, %dma_wait3A_1119] : memref<32x1024x768xf32, #tpu.memory_space<hbm>> -> memref<1x32x768xf32, #tpu.memory_space<hbm>>
    %dma_wait3A_1121 = tpu.memref_squeeze %dma_wait3A_1120 : memref<1x32x768xf32, #tpu.memory_space<hbm>> -> memref<32x768xf32, #tpu.memory_space<hbm>>
    tpu.wait_dma2 semaphore(%arg11 : memref<!tpu.dma_semaphore, #tpu.memory_space<semaphore_mem>>) src(%dma_wait3A_1121 : memref<32x768xf32, #tpu.memory_space<hbm>>) dst(%arg7 : memref<32x768xf32, #tpu.memory_space<vmem>>)
    %dma_start3A_1122 = arith.constant 29 : i32
    %dma_start3A_1123 = arith.constant 0 : i32
    %dma_start3A_1124 = tpu.memref_slice %arg5[%dma_start3A_1122, %dma_start3A_1123] : memref<32x32xi32, #tpu.memory_space<vmem>> -> memref<1x32xi32, #tpu.memory_space<vmem>>
    %dma_start3A_1125 = tpu.memref_squeeze %dma_start3A_1124 : memref<1x32xi32, #tpu.memory_space<vmem>> -> memref<32xi32, #tpu.memory_space<vmem>>
    %dma_start3A_1126 = arith.constant 0 : i32
    %dma_start3A_1127 = arith.constant 0 : i32
    %dma_start3A_1128 = tpu.memref_slice %arg4[%add3A, %dma_start3A_1126, %dma_start3A_1127] : memref<32x1024x768xf32, #tpu.memory_space<hbm>> -> memref<1x1024x768xf32, #tpu.memory_space<hbm>>
    %dma_start3A_1129 = tpu.memref_squeeze %dma_start3A_1128 : memref<1x1024x768xf32, #tpu.memory_space<hbm>> -> memref<1024x768xf32, #tpu.memory_space<hbm>>
    %dma_start3A_1130 = arith.constant 0 : i32
    %dma_start3A_1131 = arith.constant 0 : i32
    %dma_start3A_1132 = tpu.memref_slice %dma_start3A_1129[%dma_start3A_1130, %dma_start3A_1131] : memref<1024x768xf32, #tpu.memory_space<hbm>> -> memref<1024x768xf32, #tpu.memory_space<hbm>>
    tpu.enqueue_indirect_dma source(%arg7 : memref<32x768xf32, #tpu.memory_space<vmem>>) target(%dma_start3A_1132 : memref<1024x768xf32, #tpu.memory_space<hbm>>) offsets(%dma_start3A_1125 : memref<32xi32, #tpu.memory_space<vmem>>) semaphore(%arg15 : memref<!tpu.dma_semaphore, #tpu.memory_space<semaphore_mem>>)
    %dma_wait3A_1133 = arith.constant 960 : i32
    %dma_wait3A_1134 = arith.constant 0 : i32
    %dma_wait3A_1135 = tpu.memref_slice %arg2[%add3A, %dma_wait3A_1133, %dma_wait3A_1134] : memref<32x1024x768xf32, #tpu.memory_space<hbm>> -> memref<1x32x768xf32, #tpu.memory_space<hbm>>
    %dma_wait3A_1136 = tpu.memref_squeeze %dma_wait3A_1135 : memref<1x32x768xf32, #tpu.memory_space<hbm>> -> memref<32x768xf32, #tpu.memory_space<hbm>>
    %dma_wait3A_1137 = arith.constant 960 : i32
    %dma_wait3A_1138 = arith.constant 0 : i32
    %dma_wait3A_1139 = tpu.memref_slice %arg2[%add3A, %dma_wait3A_1137, %dma_wait3A_1138] : memref<32x1024x768xf32, #tpu.memory_space<hbm>> -> memref<1x32x768xf32, #tpu.memory_space<hbm>>
    %dma_wait3A_1140 = tpu.memref_squeeze %dma_wait3A_1139 : memref<1x32x768xf32, #tpu.memory_space<hbm>> -> memref<32x768xf32, #tpu.memory_space<hbm>>
    tpu.wait_dma2 semaphore(%arg12 : memref<!tpu.dma_semaphore, #tpu.memory_space<semaphore_mem>>) src(%dma_wait3A_1140 : memref<32x768xf32, #tpu.memory_space<hbm>>) dst(%arg8 : memref<32x768xf32, #tpu.memory_space<vmem>>)
    %dma_start3A_1141 = arith.constant 30 : i32
    %dma_start3A_1142 = arith.constant 0 : i32
    %dma_start3A_1143 = tpu.memref_slice %arg5[%dma_start3A_1141, %dma_start3A_1142] : memref<32x32xi32, #tpu.memory_space<vmem>> -> memref<1x32xi32, #tpu.memory_space<vmem>>
    %dma_start3A_1144 = tpu.memref_squeeze %dma_start3A_1143 : memref<1x32xi32, #tpu.memory_space<vmem>> -> memref<32xi32, #tpu.memory_space<vmem>>
    %dma_start3A_1145 = arith.constant 0 : i32
    %dma_start3A_1146 = arith.constant 0 : i32
    %dma_start3A_1147 = tpu.memref_slice %arg4[%add3A, %dma_start3A_1145, %dma_start3A_1146] : memref<32x1024x768xf32, #tpu.memory_space<hbm>> -> memref<1x1024x768xf32, #tpu.memory_space<hbm>>
    %dma_start3A_1148 = tpu.memref_squeeze %dma_start3A_1147 : memref<1x1024x768xf32, #tpu.memory_space<hbm>> -> memref<1024x768xf32, #tpu.memory_space<hbm>>
    %dma_start3A_1149 = arith.constant 0 : i32
    %dma_start3A_1150 = arith.constant 0 : i32
    %dma_start3A_1151 = tpu.memref_slice %dma_start3A_1148[%dma_start3A_1149, %dma_start3A_1150] : memref<1024x768xf32, #tpu.memory_space<hbm>> -> memref<1024x768xf32, #tpu.memory_space<hbm>>
    tpu.enqueue_indirect_dma source(%arg8 : memref<32x768xf32, #tpu.memory_space<vmem>>) target(%dma_start3A_1151 : memref<1024x768xf32, #tpu.memory_space<hbm>>) offsets(%dma_start3A_1144 : memref<32xi32, #tpu.memory_space<vmem>>) semaphore(%arg16 : memref<!tpu.dma_semaphore, #tpu.memory_space<semaphore_mem>>)
    %dma_wait3A_1152 = arith.constant 992 : i32
    %dma_wait3A_1153 = arith.constant 0 : i32
    %dma_wait3A_1154 = tpu.memref_slice %arg2[%add3A, %dma_wait3A_1152, %dma_wait3A_1153] : memref<32x1024x768xf32, #tpu.memory_space<hbm>> -> memref<1x32x768xf32, #tpu.memory_space<hbm>>
    %dma_wait3A_1155 = tpu.memref_squeeze %dma_wait3A_1154 : memref<1x32x768xf32, #tpu.memory_space<hbm>> -> memref<32x768xf32, #tpu.memory_space<hbm>>
    %dma_wait3A_1156 = arith.constant 992 : i32
    %dma_wait3A_1157 = arith.constant 0 : i32
    %dma_wait3A_1158 = tpu.memref_slice %arg2[%add3A, %dma_wait3A_1156, %dma_wait3A_1157] : memref<32x1024x768xf32, #tpu.memory_space<hbm>> -> memref<1x32x768xf32, #tpu.memory_space<hbm>>
    %dma_wait3A_1159 = tpu.memref_squeeze %dma_wait3A_1158 : memref<1x32x768xf32, #tpu.memory_space<hbm>> -> memref<32x768xf32, #tpu.memory_space<hbm>>
    tpu.wait_dma2 semaphore(%arg13 : memref<!tpu.dma_semaphore, #tpu.memory_space<semaphore_mem>>) src(%dma_wait3A_1159 : memref<32x768xf32, #tpu.memory_space<hbm>>) dst(%arg9 : memref<32x768xf32, #tpu.memory_space<vmem>>)
    %dma_start3A_1160 = arith.constant 31 : i32
    %dma_start3A_1161 = arith.constant 0 : i32
    %dma_start3A_1162 = tpu.memref_slice %arg5[%dma_start3A_1160, %dma_start3A_1161] : memref<32x32xi32, #tpu.memory_space<vmem>> -> memref<1x32xi32, #tpu.memory_space<vmem>>
    %dma_start3A_1163 = tpu.memref_squeeze %dma_start3A_1162 : memref<1x32xi32, #tpu.memory_space<vmem>> -> memref<32xi32, #tpu.memory_space<vmem>>
    %dma_start3A_1164 = arith.constant 0 : i32
    %dma_start3A_1165 = arith.constant 0 : i32
    %dma_start3A_1166 = tpu.memref_slice %arg4[%add3A, %dma_start3A_1164, %dma_start3A_1165] : memref<32x1024x768xf32, #tpu.memory_space<hbm>> -> memref<1x1024x768xf32, #tpu.memory_space<hbm>>
    %dma_start3A_1167 = tpu.memref_squeeze %dma_start3A_1166 : memref<1x1024x768xf32, #tpu.memory_space<hbm>> -> memref<1024x768xf32, #tpu.memory_space<hbm>>
    %dma_start3A_1168 = arith.constant 0 : i32
    %dma_start3A_1169 = arith.constant 0 : i32
    %dma_start3A_1170 = tpu.memref_slice %dma_start3A_1167[%dma_start3A_1168, %dma_start3A_1169] : memref<1024x768xf32, #tpu.memory_space<hbm>> -> memref<1024x768xf32, #tpu.memory_space<hbm>>
    tpu.enqueue_indirect_dma source(%arg9 : memref<32x768xf32, #tpu.memory_space<vmem>>) target(%dma_start3A_1170 : memref<1024x768xf32, #tpu.memory_space<hbm>>) offsets(%dma_start3A_1163 : memref<32xi32, #tpu.memory_space<vmem>>) semaphore(%arg17 : memref<!tpu.dma_semaphore, #tpu.memory_space<semaphore_mem>>)
    %dma_wait3A_1171 = arith.constant 28 : i32
    %dma_wait3A_1172 = arith.constant 0 : i32
    %dma_wait3A_1173 = tpu.memref_slice %arg5[%dma_wait3A_1171, %dma_wait3A_1172] : memref<32x32xi32, #tpu.memory_space<vmem>> -> memref<1x32xi32, #tpu.memory_space<vmem>>
    %dma_wait3A_1174 = tpu.memref_squeeze %dma_wait3A_1173 : memref<1x32xi32, #tpu.memory_space<vmem>> -> memref<32xi32, #tpu.memory_space<vmem>>
    %dma_wait3A_1175 = arith.constant 0 : i32
    %dma_wait3A_1176 = arith.constant 0 : i32
    %dma_wait3A_1177 = tpu.memref_slice %arg4[%add3A, %dma_wait3A_1175, %dma_wait3A_1176] : memref<32x1024x768xf32, #tpu.memory_space<hbm>> -> memref<1x1024x768xf32, #tpu.memory_space<hbm>>
    %dma_wait3A_1178 = tpu.memref_squeeze %dma_wait3A_1177 : memref<1x1024x768xf32, #tpu.memory_space<hbm>> -> memref<1024x768xf32, #tpu.memory_space<hbm>>
    %dma_wait3A_1179 = arith.constant 0 : i32
    %dma_wait3A_1180 = arith.constant 0 : i32
    %dma_wait3A_1181 = tpu.memref_slice %dma_wait3A_1178[%dma_wait3A_1179, %dma_wait3A_1180] : memref<1024x768xf32, #tpu.memory_space<hbm>> -> memref<1024x768xf32, #tpu.memory_space<hbm>>
    tpu.wait_indirect_dma semaphore(%arg14 : memref<!tpu.dma_semaphore, #tpu.memory_space<semaphore_mem>>) src(%arg6 : memref<32x768xf32, #tpu.memory_space<vmem>>) dst(%dma_wait3A_1181 : memref<1024x768xf32, #tpu.memory_space<hbm>>)
    %dma_wait3A_1182 = arith.constant 29 : i32
    %dma_wait3A_1183 = arith.constant 0 : i32
    %dma_wait3A_1184 = tpu.memref_slice %arg5[%dma_wait3A_1182, %dma_wait3A_1183] : memref<32x32xi32, #tpu.memory_space<vmem>> -> memref<1x32xi32, #tpu.memory_space<vmem>>
    %dma_wait3A_1185 = tpu.memref_squeeze %dma_wait3A_1184 : memref<1x32xi32, #tpu.memory_space<vmem>> -> memref<32xi32, #tpu.memory_space<vmem>>
    %dma_wait3A_1186 = arith.constant 0 : i32
    %dma_wait3A_1187 = arith.constant 0 : i32
    %dma_wait3A_1188 = tpu.memref_slice %arg4[%add3A, %dma_wait3A_1186, %dma_wait3A_1187] : memref<32x1024x768xf32, #tpu.memory_space<hbm>> -> memref<1x1024x768xf32, #tpu.memory_space<hbm>>
    %dma_wait3A_1189 = tpu.memref_squeeze %dma_wait3A_1188 : memref<1x1024x768xf32, #tpu.memory_space<hbm>> -> memref<1024x768xf32, #tpu.memory_space<hbm>>
    %dma_wait3A_1190 = arith.constant 0 : i32
    %dma_wait3A_1191 = arith.constant 0 : i32
    %dma_wait3A_1192 = tpu.memref_slice %dma_wait3A_1189[%dma_wait3A_1190, %dma_wait3A_1191] : memref<1024x768xf32, #tpu.memory_space<hbm>> -> memref<1024x768xf32, #tpu.memory_space<hbm>>
    tpu.wait_indirect_dma semaphore(%arg15 : memref<!tpu.dma_semaphore, #tpu.memory_space<semaphore_mem>>) src(%arg7 : memref<32x768xf32, #tpu.memory_space<vmem>>) dst(%dma_wait3A_1192 : memref<1024x768xf32, #tpu.memory_space<hbm>>)
    %dma_wait3A_1193 = arith.constant 30 : i32
    %dma_wait3A_1194 = arith.constant 0 : i32
    %dma_wait3A_1195 = tpu.memref_slice %arg5[%dma_wait3A_1193, %dma_wait3A_1194] : memref<32x32xi32, #tpu.memory_space<vmem>> -> memref<1x32xi32, #tpu.memory_space<vmem>>
    %dma_wait3A_1196 = tpu.memref_squeeze %dma_wait3A_1195 : memref<1x32xi32, #tpu.memory_space<vmem>> -> memref<32xi32, #tpu.memory_space<vmem>>
    %dma_wait3A_1197 = arith.constant 0 : i32
    %dma_wait3A_1198 = arith.constant 0 : i32
    %dma_wait3A_1199 = tpu.memref_slice %arg4[%add3A, %dma_wait3A_1197, %dma_wait3A_1198] : memref<32x1024x768xf32, #tpu.memory_space<hbm>> -> memref<1x1024x768xf32, #tpu.memory_space<hbm>>
    %dma_wait3A_1200 = tpu.memref_squeeze %dma_wait3A_1199 : memref<1x1024x768xf32, #tpu.memory_space<hbm>> -> memref<1024x768xf32, #tpu.memory_space<hbm>>
    %dma_wait3A_1201 = arith.constant 0 : i32
    %dma_wait3A_1202 = arith.constant 0 : i32
    %dma_wait3A_1203 = tpu.memref_slice %dma_wait3A_1200[%dma_wait3A_1201, %dma_wait3A_1202] : memref<1024x768xf32, #tpu.memory_space<hbm>> -> memref<1024x768xf32, #tpu.memory_space<hbm>>
    tpu.wait_indirect_dma semaphore(%arg16 : memref<!tpu.dma_semaphore, #tpu.memory_space<semaphore_mem>>) src(%arg8 : memref<32x768xf32, #tpu.memory_space<vmem>>) dst(%dma_wait3A_1203 : memref<1024x768xf32, #tpu.memory_space<hbm>>)
    %dma_wait3A_1204 = arith.constant 31 : i32
    %dma_wait3A_1205 = arith.constant 0 : i32
    %dma_wait3A_1206 = tpu.memref_slice %arg5[%dma_wait3A_1204, %dma_wait3A_1205] : memref<32x32xi32, #tpu.memory_space<vmem>> -> memref<1x32xi32, #tpu.memory_space<vmem>>
    %dma_wait3A_1207 = tpu.memref_squeeze %dma_wait3A_1206 : memref<1x32xi32, #tpu.memory_space<vmem>> -> memref<32xi32, #tpu.memory_space<vmem>>
    %dma_wait3A_1208 = arith.constant 0 : i32
    %dma_wait3A_1209 = arith.constant 0 : i32
    %dma_wait3A_1210 = tpu.memref_slice %arg4[%add3A, %dma_wait3A_1208, %dma_wait3A_1209] : memref<32x1024x768xf32, #tpu.memory_space<hbm>> -> memref<1x1024x768xf32, #tpu.memory_space<hbm>>
    %dma_wait3A_1211 = tpu.memref_squeeze %dma_wait3A_1210 : memref<1x1024x768xf32, #tpu.memory_space<hbm>> -> memref<1024x768xf32, #tpu.memory_space<hbm>>
    %dma_wait3A_1212 = arith.constant 0 : i32
    %dma_wait3A_1213 = arith.constant 0 : i32
    %dma_wait3A_1214 = tpu.memref_slice %dma_wait3A_1211[%dma_wait3A_1212, %dma_wait3A_1213] : memref<1024x768xf32, #tpu.memory_space<hbm>> -> memref<1024x768xf32, #tpu.memory_space<hbm>>
    tpu.wait_indirect_dma semaphore(%arg17 : memref<!tpu.dma_semaphore, #tpu.memory_space<semaphore_mem>>) src(%arg9 : memref<32x768xf32, #tpu.memory_space<vmem>>) dst(%dma_wait3A_1214 : memref<1024x768xf32, #tpu.memory_space<hbm>>)
    return
  }
}

</mosaic_0001>

<sc_bundles>
// kernel: kernel.3.cloned.1.call-start
scs
__scs_entry_jumppad:
0x0: {  	(pc) =	sbr.rel $0x88, $3  }
0x1: {  	(tag) =	ssettag $0x0;
	lr =	simm.s32 $0x1  }
0x2: {  	[smem:$0x3F9F] =	sst lr;
	_ =	strace $0xD0000000  }
0x3: {  	_ = 	snop  }
0x4: {  	_ = 	snop  }
0x5: {  	_ = 	snop  }
0x6: {  	_ = 	snop  }
0x7: {  	_ = 	snop  }
__scs_overlays_trampoline_lowered:
0x8: {  	[smem:$0x3FAE] =	sst s0  }
0x9: {  	[smem:$0x3FAF] =	sst s1  }
0xa: {  	[smem:$0x3FB0] =	sst s2  }
0xb: {  	[smem:$0x3FB1] =	sst s3  }
0xc: {  	[smem:$0x3FB2] =	sst s4  }
0xd: {  	[smem:$0x3FB3] =	sst s5  }
0xe: {  	[smem:$0x3FB4] =	sst s6  }
0xf: {  	[smem:$0x3FB5] =	sst s7  }
0x10: {  	[smem:$0x3FB6] =	sst s8  }
0x11: {  	[smem:$0x3FB7] =	sst s9;
	s0 =	simm.s32 @!p0 $0x0  }
0x12: {  	s1 =	sld [smem:$0x3F9D];
	s0 =	simm.s32 @p0 $0x1  }
0x13: {  	[smem:$0x3FB8] =	sst s0;
	s0 =	simm.s32 @!p1 $0x0  }
0x14: {  	s2 =	sld [smem:$0x3F9C];
	s0 =	simm.s32 @p1 $0x1  }
0x15: {  	[smem:$0x3FB9] =	sst s0;
	s0 =	simm.s32 @!p2 $0x0  }
0x16: {  	s3 =	sld [smem:$0x3FDB];
	s0 =	simm.s32 @p2 $0x1  }
0x17: {  	s4 =	simm.s32 $0x1BF5;
	[smem:$0x3FBB] =	sst s0  }
0x18: {  	s0 =	sld [smem:$0x3F9E];
	_ =	swait.ge [sflag:s4], $0x0  }
0x19: {  	s7 =	sld [smem:$0x3F9F]  }
0x1a: {  	s8 =	sadd.s32 $0xFFFFE003, lr  }
0x1b: {  	s9 =	sadd.s32 $0xFFFFFEF7, lr;
	s5 =	simm.s32 $0xFFFFFFFF;
	p2 =	slt.u32 s8, $0xFFFFF086  }
0x1c: {  	p1 =	slt.u32 s9, $0xF7A;
	s5 =	simm.s32 @!p2 $0x0  }
0x1d: {  	s5 =	simm.s32 @p1 $0x1;
	p0 =	seq.s32 s7, s2  }
0x1e: {  	s7 =	smul.u32 @!p0 $0xF7A, s2;
	p2 =	seq.s32 @!p0 s5, $0x0  }
0x1f: {  	s9 =	smul.u32 $0xF7A, s1;
	s8 =	simm.s32 @!p0 $0x1BF5;
	p2 =	por !p2, p0  }
0x20: {  	[sflag:s8] =	ssyncset.s32 @!p0 $0xFFFFF086;
	s6 =	sadd.s32 @!p0 s3, s7;
	s7 =	simm.s32 @!p0 $0x108  }
0x21: {  	s3 =	sadd.s32 s3, s9;
	s6 =	sadd.s32 @!p0 $0x88, s6;
	s7 =	simm.s32 @p2 $0x1082  }
0x22: {  	[simem:s7], [sflag:s8] =	dma.local @!p0 [hbm:s6], $0xF7A  }
0x23: {  	s9 =	sor.u32 $0xD0000000, s2;
	s6 =	simm.s32 $0x108;
	_ =	swait.ge @!p0 [sflag:s8], $0x0  }
0x24: {  	s3 =	sadd.s32 $0x88, s3;
	s6 =	simm.s32 @!p1 $0x1082;
	[sflag:s4] =	ssyncset.s32 $0xFFFFF086  }
0x25: {  	[simem:s6], [sflag:s4] =	dma.local [hbm:s3], $0xF7A  }
0x26: {  	[smem:$0x3F9F] =	sst s1;
	(tag) =	ssettag s2;
	_ =	strace s9  }
0x27: {  	s1 =	sld [smem:$0x3FAF]  }
0x28: {  	s2 =	sld [smem:$0x3FB0]  }
0x29: {  	s4 =	sld [smem:$0x3FB2]  }
0x2a: {  	p0 =	seq.s32 s5, $0x0;
	s5 =	sld [smem:$0x3FB3]  }
0x2b: {  	s6 =	sld [smem:$0x3FB4]  }
0x2c: {  	s7 =	sld [smem:$0x3FB5]  }
0x2d: {  	s3 =	simm.s32 $0x108;
	s8 =	sld [smem:$0x3FB6]  }
0x2e: {  	s3 =	simm.s32 @!p0 $0x1082;
	s9 =	sld [smem:$0x3FB7]  }
0x2f: {  	lr =	sadd.s32 s0, s3;
	s0 =	sld [smem:$0x3FAE]  }
0x30: {  	s3 =	sld [smem:$0x3FB1]  }
0x31: {  	[smem:$0x3FBA] =	sst s10  }
0x32: {  	s10 =	sld [smem:$0x3FB8];
	_ =	sdelay $0x3  }
0x33: {  	p0 =	seq.s32 s10, $0x1;
	s10 =	sld [smem:$0x3FBA];
	_ =	sdelay $0x3  }
0x34: {  	[smem:$0x3FBA] =	sst s10  }
0x35: {  	s10 =	sld [smem:$0x3FB9];
	_ =	sdelay $0x3  }
0x36: {  	p1 =	seq.s32 s10, $0x1;
	s10 =	sld [smem:$0x3FBA];
	_ =	sdelay $0x3  }
0x37: {  	[smem:$0x3FBA] =	sst s10  }
0x38: {  	s10 =	sld [smem:$0x3FBB]  }
0x39: {  	_ = 	snop;
	(pc) =	sbr.ind lr, $3  }
0x3a: {  	_ = 	snop  }
0x3b: {  	_ = 	snop  }
0x3c: {  	p2 =	seq.s32 s10, $0x1;
	s10 =	sld [smem:$0x3FBA]  }
0x3d: {  	_ =	shalt  }
0x3e: {  	_ =	shalt  }
0x3f: {  	_ =	shalt  }
0x40: {  	_ =	shalt  }
0x41: {  	_ =	shalt  }
0x42: {  	_ =	shalt  }
0x43: {  	_ =	shalt  }
0x44: {  	_ =	shalt  }
0x45: {  	_ =	shalt  }
0x46: {  	_ =	shalt  }
0x47: {  	_ =	shalt  }
0x48: {  	_ =	shalt  }
0x49: {  	_ =	shalt  }
0x4a: {  	_ =	shalt  }
0x4b: {  	_ =	shalt  }
0x4c: {  	_ =	shalt  }
0x4d: {  	_ =	shalt  }
0x4e: {  	_ =	shalt  }
0x4f: {  	_ =	shalt  }
0x50: {  	_ =	shalt  }
0x51: {  	_ =	shalt  }
0x52: {  	_ =	shalt  }
0x53: {  	_ =	shalt  }
0x54: {  	_ =	shalt  }
0x55: {  	_ =	shalt  }
0x56: {  	_ =	shalt  }
0x57: {  	_ =	shalt  }
0x58: {  	_ =	shalt  }
0x59: {  	_ =	shalt  }
0x5a: {  	_ =	shalt  }
0x5b: {  	_ =	shalt  }
0x5c: {  	_ =	shalt  }
0x5d: {  	_ =	shalt  }
0x5e: {  	_ =	shalt  }
0x5f: {  	_ =	shalt  }
0x60: {  	_ =	shalt  }
0x61: {  	_ =	shalt  }
0x62: {  	_ =	shalt  }
0x63: {  	_ =	shalt  }
0x64: {  	_ =	shalt  }
0x65: {  	_ =	shalt  }
0x66: {  	_ =	shalt  }
0x67: {  	_ =	shalt  }
0x68: {  	_ =	shalt  }
0x69: {  	_ =	shalt  }
0x6a: {  	_ =	shalt  }
0x6b: {  	_ =	shalt  }
0x6c: {  	_ =	shalt  }
0x6d: {  	_ =	shalt  }
0x6e: {  	_ =	shalt  }
0x6f: {  	_ =	shalt  }
0x70: {  	_ =	shalt  }
0x71: {  	_ =	shalt  }
0x72: {  	_ =	shalt  }
0x73: {  	_ =	shalt  }
0x74: {  	_ =	shalt  }
0x75: {  	_ =	shalt  }
0x76: {  	_ =	shalt  }
0x77: {  	_ =	shalt  }
0x78: {  	_ =	shalt  }
0x79: {  	_ =	shalt  }
0x7a: {  	_ =	shalt  }
0x7b: {  	_ =	shalt  }
0x7c: {  	_ =	shalt  }
0x7d: {  	_ =	shalt  }
0x7e: {  	_ =	shalt  }
0x7f: {  	_ =	shalt  }
0x80: {  	_ =	shalt  }
0x81: {  	_ =	shalt  }
0x82: {  	_ =	shalt  }
0x83: {  	_ =	shalt  }
0x84: {  	_ =	shalt  }
0x85: {  	_ =	shalt  }
0x86: {  	_ =	shalt  }
0x87: {  	_ =	shalt  }
.Lfunc_end0:
.L_simem_size_0:
called_computation_lowered:
.L_overlay_start_0:
0x88: {  	s2 =	sld [smem:$0x3FD9]  }
0x89: {  	s3 =	sld [smem:$0x3FFE];
	_ =	sdelay $0x1  }
0x8a: {  	s1 =	srdreg.scid  }
0x8b: {  	s0 =	sand.u32 $0x1, s1  }
0x8c: {  	s17 =	sshll.u32 s0, $0xA;
	s2 =	sadd.s32 s3, s2  }
0x8d: {  	s2 =	sadd.s32 s2, s17  }
0x8e: {  	[smem:$0x3FC6] =	sst s2  }
0x8f: {  	_ = 	snop  }
0x90: {  	s2 =	sld [smem:$0x3FC9]  }
0x91: {  	s18 =	sld [smem:$0x3FD0];
	(tm) =	ssettm $0x1  }
0x92: {  	s4 =	sld [smem:$0x3FFB];
	_ =	sdelay $0x3  }
0x93: {  	_ =	strace s4  }
0x94: {  	s4 =	sld [smem:$0x3FFC];
	_ =	sdelay $0x3  }
0x95: {  	_ =	strace s4  }
0x96: {  	s4 =	sld [smem:$0x3FFD];
	_ =	sdelay $0x3  }
0x97: {  	_ =	strace s4  }
0x98: {  	_ =	strace $0x8FFFFFFF  }
0x99: {  	s19 =	sld [smem:$0x3FDB];
	_ =	sdelay $0x1  }
0x9a: {  	s5 =	simm.s32 $_scs_section_size  }
0x9b: {  	s6 =	simm.s32 $_size__tile_overlayer_lowered;
	s7 =	simm.s32 $_tile_overlayer_lowered  }
0x9c: {  	s22 =	simm.s32 $0x1BFF;
	s21 =	sshll.u32 s7, $0x1;
	s4 =	sadd.s32 s5, s19  }
0x9d: {  	s8 =	simm.s32 $0x0;
	s20 =	sshll.u32 s6, $0x1;
	s6 =	sadd.s32 s21, s4  }
0x9e: {  	[timem:s8], [sflag:s22] =	dma.local [hbm:s6], s20  }
0x9f: {  	_ =	swait.ge [sflag:s22], s20  }
0xa0: {  	s5 =	ssub.s32 $0x0, s20;
	[sflag:s22] =	ssyncset.done $0x0  }
0xa1: {  	[sflag:s22] =	ssyncadd.s32 s5;
	_ =	sdelay $0x1  }
0xa2: {  	s23 =	simm.s32 $0x1B8B  }
0xa3: {  	_ =	swait.ge [sflag:s23], $0x1  }
0xa4: {  	[sflag:s23] =	ssyncset.done $0x0  }
0xa5: {  	s25 =	simm.s32 $0x1B8E;
	s24 =	sld [smem:$0x3FFE];
	[sflag:s23] =	ssyncadd.s32 $0xFFFFFFFF  }
0xa6: {  	s26 =	simm.s32 $execute0_lowered;
	[smem:$0x3FD2] =	sst s25  }
0xa7: {  	s6 =	sshll.u32 s26, $0x1;
	_ =	strace $0x80000046;
	[dreg:$0x1] =	wrdreg $0xFFFFFFFF  }
0xa8: {  	s28 =	simm.s32 $_size_execute0_lowered;
	s4 =	sadd.s32 s4, s6;
	[dreg:$0x0] =	wrdreg $0x0  }
0xa9: {  	s6 =	sshll.u32 s28, $0x1;
	[dreg:$0x2] =	wrdreg s4  }
0xaa: {  	[dreg:$0x3] =	wrdreg s6  }
0xab: {  	[dreg:$0x4] =	wrdreg $0xC0  }
0xac: {  	_ =	task [dreg:s8], $0x5FFFF  }
0xad: {  	[dreg:$0x1] =	wrdreg $0xFFFFFFFF  }
0xae: {  	[dreg:$0x0] =	wrdreg $0x60  }
0xaf: {  	[dreg:$0x2] =	wrdreg s2  }
0xb0: {  	[dreg:$0x3] =	wrdreg s24  }
0xb1: {  	[dreg:$0x4] =	wrdreg s18  }
0xb2: {  	[dreg:$0x5] =	wrdreg $0x9  }
0xb3: {  	_ =	task.clear_ibuf [dreg:s8], $0x6FFFF;
	_ =	strace $0x90000046  }
0xb4: {  	s29 =	simm.s32 $0x9;
	_ =	strace $0x80000048  }
0xb5: {  	_ =	swait.ge [sflag:s29], $0x1  }
0xb6: {  	[sflag:s29] =	ssyncadd.s32 $0xFFFFFFFF  }
0xb7: {  	_ =	strace $0x90000048  }
0xb8: {  	_ =	sfence  }
0xb9: {  	s30 =	sld [smem:$0x0];
	_ =	sdelay $0x2  }
0xba: {  	s31 =	sshll.u32 s1, $0xD;
	s1 =	sshrl.u32 s1, $0x2  }
0xbb: {  	s3 =	sand.u32 $0x4000, s31;
	s1 =	sadd.s32 s1, s30  }
0xbc: {  	s0 =	sor.u32 s3, s0;
	s1 =	sshll.u32 s1, $0x11  }
0xbd: {  	s0 =	sor.u32 s1, s0  }
0xbe: {  	s0 =	sadd.s32 $0x8F2B, s0  }
0xbf: {  	[sflag:s0] =	ssyncadd.remote.s32 $0x1  }
0xc0: {  	_ =	sfence.sel $0xFFFF  }
0xc1: {  	[dreg:$0x0] =	wrdreg $0xFFFFFFFF;
	(pc) =	sbr.abs _section_cstart, $3  }
0xc2: {  	[dreg:$0x1] =	wrdreg $0xFFFFFFFF  }
0xc3: {  	_ =	task.clear_ibuf [dreg:s8], $0x2FFFF;
	_ =	strace $0x9FFFFFFF  }
0xc4: {  	(tm) =	ssettm $0x7FFFFFFF  }
0xc5: {  	_ =	shalt  }
tec
execute0_lowered:
.L_overlay_start_1:
0x0: {  	(tag) =	ssettag $0x1  }
0x1: {  	s0 =	srdreg.scid;
	s2 =	stileid.u32  }
0x2: {  	s1 =	sand.u32 $0x1, s0;
	s20 =	sshll.u32 s2, $0x1  }
0x3: {  	s4 =	rddreg [dreg:$0x0];
	s2 =	sor.u32 s1, s20  }
0x4: {  	s5 =	rddreg [dreg:$0x1];
	s3 =	smul.u32 $0xC0000, s2  }
0x5: {  	s0 =	rddreg [dreg:$0x2];
	s2 =	simm.s32 $0x0  }
0x6: {  	s5 =	sadd.s32 $0x400, s5;
	[smem:$0x7FF] =	sst s2;
	s3 =	sshrl.u32 s3, $0x3  }
0x7: {  	_ =	strace $0x80000047;
	[dreg:$0x4] =	wrdreg s5;
	s6 =	sadd.s32 s4, s3  }
0x8: {  	s4 =	sadd.s32 $0xC00, s6;
	[smem:$0x7FC] =	sst s6  }
0x9: {  	s21 =	sadd.s32 $0x1800, s6;
	[dreg:$0x5] =	wrdreg s4  }
0xa: {  	s22 =	sadd.s32 $0x2400, s6;
	[dreg:$0x6] =	wrdreg s21  }
0xb: {  	s23 =	sadd.s32 $0x3000, s6;
	[dreg:$0x7] =	wrdreg s22  }
0xc: {  	s24 =	sadd.s32 $0x3C00, s6;
	[dreg:$0x8] =	wrdreg s23  }
0xd: {  	s25 =	sadd.s32 $0x4800, s6;
	[dreg:$0x9] =	wrdreg s24  }
0xe: {  	s26 =	sadd.s32 $0x5400, s6;
	[dreg:$0xa] =	wrdreg s25  }
0xf: {  	s28 =	sadd.s32 $0x6000, s6;
	[dreg:$0xb] =	wrdreg s26  }
0x10: {  	s31 =	sadd.s32 $0x6C00, s6;
	[dreg:$0xc] =	wrdreg s28  }
0x11: {  	s5 =	sadd.s32 $0x7800, s6;
	[dreg:$0xd] =	wrdreg s31  }
0x12: {  	s7 =	sadd.s32 $0x8400, s6;
	[dreg:$0xe] =	wrdreg s5  }
0x13: {  	s8 =	sadd.s32 $0x9000, s6;
	[dreg:$0xf] =	wrdreg s7  }
0x14: {  	s9 =	sadd.s32 $0x9C00, s6;
	[dreg:$0x10] =	wrdreg s8  }
0x15: {  	s10 =	sadd.s32 $0xA800, s6;
	[dreg:$0x11] =	wrdreg s9  }
0x16: {  	s11 =	sadd.s32 $0xB400, s6;
	[dreg:$0x12] =	wrdreg s10  }
0x17: {  	s12 =	sadd.s32 $0xC000, s6;
	[dreg:$0x13] =	wrdreg s11  }
0x18: {  	s13 =	sadd.s32 $0xCC00, s6;
	[dreg:$0x14] =	wrdreg s12  }
0x19: {  	s14 =	sadd.s32 $0xD800, s6;
	[dreg:$0x15] =	wrdreg s13  }
0x1a: {  	s15 =	sadd.s32 $0xE400, s6;
	[dreg:$0x16] =	wrdreg s14  }
0x1b: {  	s16 =	sadd.s32 $0xF000, s6;
	[dreg:$0x17] =	wrdreg s15  }
0x1c: {  	s17 =	sadd.s32 $0xFC00, s6;
	[dreg:$0x18] =	wrdreg s16  }
0x1d: {  	s18 =	sadd.s32 $0x10800, s6;
	[dreg:$0x19] =	wrdreg s17  }
0x1e: {  	s19 =	sadd.s32 $0x11400, s6;
	[dreg:$0x1a] =	wrdreg s18  }
0x1f: {  	s29 =	simm.s32 $0x7;
	s20 =	sadd.s32 $0x12000, s6;
	[dreg:$0x1b] =	wrdreg s19  }
0x20: {  	s30 =	simm.s32 $0x4;
	[dreg:$0x1c] =	wrdreg s20;
	s21 =	sadd.s32 $0x12C00, s6  }
0x21: {  	s1 =	ssub.s32 $0x2, s1;
	s22 =	sadd.s32 $0x13800, s6;
	[dreg:$0x1d] =	wrdreg s21  }
0x22: {  	s23 =	sadd.s32 $0x14400, s6;
	s24 =	sadd.s32 $0x15000, s6;
	[dreg:$0x1e] =	wrdreg s22  }
0x23: {  	s25 =	sadd.s32 $0x15C00, s6;
	s26 =	sshrl.u32 s1, $0x1;
	[dreg:$0x1f] =	wrdreg s23  }
0x24: {  	s28 =	sadd.s32 $0x16800, s6;
	s31 =	sadd.s32 $0x17400, s6;
	[smem:$0x7F9] =	sst s24  }
0x25: {  	s4 =	sadd.s32 s0, s3;
	s11 =	simm.s32 $0x1;
	[smem:$0x7FA] =	sst s25  }
0x26: {  	v2 =	vlaneseq.u32;
	s13 =	simm.s32 $0x6;
	s14 =	simm.s32 $0x3;
	[smem:$0x7FB] =	sst s28  }
0x27: {  	vm0 =	vmmov $0xffff;
	v1 =	vshrl.u32 v2, $0x3;
	s20 =	simm.s32 $0x8;
	s1 =	ssub.s32 s1, s26;
	[smem:$0x7FD] =	sst s31  }
0x28: {  	v0 =	vand.u32 $0x7, v2;
	v2 =	vor.u32 $0x8, v2;
	v1 =	vmul.u32 $0x8, v1;
	s23 =	simm.s32 $0x5;
	s24 =	simm.s32 $0x2;
	s0 =	smax.u32 s1, $0x1  }
.LBB2_1:
0x29: {  	s22 =	sld [smem:$0x7FC];
	_ =	sdelay $0x1  }
0x2a: {  	[smem:$0x7F8] =	sst s0;
	s10 =	simm.s32 $0x1000  }
0x2b: {  	[tilespmem:s10], [sflag:$0x1] =	stream.linear.gather [hbm4b:s22+s2], $0x6000, $0x38;
	[tilespmem:$0x19000] =	vst v63  }
0x2c: {  	s21 =	rddreg [dreg:$0x5];
	s15 =	simm.s32 $0x7000  }
0x2d: {  	[tilespmem:s15], [sflag:$0x2] =	stream.linear.gather [hbm4b:s21+s2], $0x6000, $0x38;
	[tilespmem:$0x19000] =	vst v63  }
0x2e: {  	s12 =	rddreg [dreg:$0x6];
	s17 =	simm.s32 $0xD000  }
0x2f: {  	[tilespmem:s17], [sflag:$0x3] =	stream.linear.gather [hbm4b:s12+s2], $0x6000, $0x38;
	[tilespmem:$0x19000] =	vst v63  }
0x30: {  	s16 =	rddreg [dreg:$0x4];
	s18 =	simm.s32 $0x9  }
0x31: {  	[tilespmem:s2], [sflag:$0x9] =	stream.linear.gather [hbm4b:s16+s2], $0x1000, $0x38;
	[tilespmem:$0x19000] =	vst v63  }
0x32: {  	_ =	swait.ge [sflag:s18], $0x1000  }
0x33: {  	[sflag:s18] =	ssyncset.done $0x0  }
0x34: {  	s25 =	simm.s32 $0x13000;
	s19 =	rddreg [dreg:$0x7];
	[sflag:s18] =	ssyncadd.s32 $0xFFFFF000  }
0x35: {  	[tilespmem:s25], [sflag:$0x4] =	stream.linear.gather [hbm4b:s19+s2], $0x6000, $0x38;
	[tilespmem:$0x19000] =	vst v63  }
0x36: {  	_ =	swait.ge [sflag:s11], $0x6000  }
0x37: {  	[sflag:s11] =	ssyncset.done $0x0  }
0x38: {  	[sflag:s11] =	ssyncadd.s32 $0xFFFFA000  }
0x39: {  	v3 =	vld [tilespmem:$0x0];
	_ =	sdelay $0x4  }
0x3a: {  	v4 =	vshrl.u32 v3, $0x3  }
0x3b: {  	v4 =	vmul.u32 $0x30, v4  }
0x3c: {  	v3 =	vand.u32 $0x7, v3  }
0x3d: {  	v3 =	vor.u32 v3, v4  }
0x3e: {  	v4 =	vperm.xlane v3, v0;
	_ =	sdelay $0x1  }
0x3f: {  	v4 =	vadd.s32 v1, v4;
	_ =	sdelay $0x3  }
0x40: {  	s3 =	simm.s32 $0x1000;
	v3 =	vperm.xlane v3, v2  }
0x41: {  	[hbm4b:s4+s2] =	stream.indirect_vreg.scatter [tilespmem:s3], [sflag:$0x5], $0x80, v4, vm0, $0xb8;
	[tilespmem:$0x19000] =	vst v63  }
0x42: {  	s26 =	simm.s32 $0x1800;
	s21 =	sadd.s32 $0x100, s4;
	v3 =	vadd.s32 v1, v3  }
0x43: {  	[hbm4b:s21+s2] =	stream.indirect_vreg.scatter [tilespmem:s26], [sflag:$0x5], $0x80, v4, vm0, $0xb8;
	[tilespmem:$0x19000] =	vst v63  }
0x44: {  	s28 =	simm.s32 $0x2000;
	s22 =	sadd.s32 $0x200, s4  }
0x45: {  	[hbm4b:s22+s2] =	stream.indirect_vreg.scatter [tilespmem:s28], [sflag:$0x5], $0x80, v4, vm0, $0xb8;
	[tilespmem:$0x19000] =	vst v63  }
0x46: {  	s31 =	simm.s32 $0x2800  }
0x47: {  	[hbm4b:s4+s2] =	stream.indirect_vreg.scatter [tilespmem:s31], [sflag:$0x5], $0x80, v3, vm0, $0xb8;
	[tilespmem:$0x19000] =	vst v63  }
0x48: {  	s5 =	simm.s32 $0x3000  }
0x49: {  	[hbm4b:s21+s2] =	stream.indirect_vreg.scatter [tilespmem:s5], [sflag:$0x5], $0x80, v3, vm0, $0xb8;
	[tilespmem:$0x19000] =	vst v63  }
0x4a: {  	s6 =	simm.s32 $0x3800  }
0x4b: {  	[hbm4b:s22+s2] =	stream.indirect_vreg.scatter [tilespmem:s6], [sflag:$0x5], $0x80, v3, vm0, $0xb8;
	[tilespmem:$0x19000] =	vst v63  }
0x4c: {  	v3 =	vld [tilespmem:$0x10];
	_ =	sdelay $0x4  }
0x4d: {  	v57 =	vshrl.u32 v3, $0x3  }
0x4e: {  	v4 =	vmul.u32 $0x30, v57  }
0x4f: {  	v3 =	vand.u32 $0x7, v3  }
0x50: {  	v3 =	vor.u32 v3, v4  }
0x51: {  	v4 =	vperm.xlane v3, v0;
	_ =	sdelay $0x1  }
0x52: {  	v4 =	vadd.s32 v1, v4;
	_ =	sdelay $0x3  }
0x53: {  	s7 =	simm.s32 $0x4000;
	v3 =	vperm.xlane v3, v2  }
0x54: {  	[hbm4b:s4+s2] =	stream.indirect_vreg.scatter [tilespmem:s7], [sflag:$0x5], $0x80, v4, vm0, $0xb8;
	[tilespmem:$0x19000] =	vst v63  }
0x55: {  	s8 =	simm.s32 $0x4800;
	v3 =	vadd.s32 v1, v3  }
0x56: {  	[hbm4b:s21+s2] =	stream.indirect_vreg.scatter [tilespmem:s8], [sflag:$0x5], $0x80, v4, vm0, $0xb8;
	[tilespmem:$0x19000] =	vst v63  }
0x57: {  	s10 =	simm.s32 $0x5000  }
0x58: {  	[hbm4b:s22+s2] =	stream.indirect_vreg.scatter [tilespmem:s10], [sflag:$0x5], $0x80, v4, vm0, $0xb8;
	[tilespmem:$0x19000] =	vst v63  }
0x59: {  	s15 =	simm.s32 $0x5800  }
0x5a: {  	[hbm4b:s4+s2] =	stream.indirect_vreg.scatter [tilespmem:s15], [sflag:$0x5], $0x80, v3, vm0, $0xb8;
	[tilespmem:$0x19000] =	vst v63  }
0x5b: {  	s16 =	simm.s32 $0x6000  }
0x5c: {  	[hbm4b:s21+s2] =	stream.indirect_vreg.scatter [tilespmem:s16], [sflag:$0x5], $0x80, v3, vm0, $0xb8;
	[tilespmem:$0x19000] =	vst v63  }
0x5d: {  	s17 =	simm.s32 $0x6800  }
0x5e: {  	[hbm4b:s22+s2] =	stream.indirect_vreg.scatter [tilespmem:s17], [sflag:$0x5], $0x80, v3, vm0, $0xb8;
	[tilespmem:$0x19000] =	vst v63  }
0x5f: {  	_ =	swait.ge [sflag:s23], $0x6000  }
0x60: {  	[sflag:s23] =	ssyncset.done $0x0  }
0x61: {  	s25 =	rddreg [dreg:$0x8];
	[sflag:s23] =	ssyncadd.s32 $0xFFFFA000  }
0x62: {  	[tilespmem:s3], [sflag:$0x1] =	stream.linear.gather [hbm4b:s25+s2], $0x6000, $0x38;
	[tilespmem:$0x19000] =	vst v63  }
0x63: {  	_ =	swait.ge [sflag:s24], $0x6000  }
0x64: {  	[sflag:s24] =	ssyncset.done $0x0  }
0x65: {  	[sflag:s24] =	ssyncadd.s32 $0xFFFFA000  }
0x66: {  	v3 =	vld [tilespmem:$0x80];
	_ =	sdelay $0x4  }
0x67: {  	v58 =	vshrl.u32 v3, $0x3  }
0x68: {  	v4 =	vmul.u32 $0x30, v58  }
0x69: {  	v3 =	vand.u32 $0x7, v3  }
0x6a: {  	v3 =	vor.u32 v3, v4  }
0x6b: {  	v4 =	vperm.xlane v3, v0;
	_ =	sdelay $0x1  }
0x6c: {  	v4 =	vadd.s32 v1, v4;
	_ =	sdelay $0x3  }
0x6d: {  	s1 =	simm.s32 $0x7000;
	v3 =	vperm.xlane v3, v2  }
0x6e: {  	[hbm4b:s4+s2] =	stream.indirect_vreg.scatter [tilespmem:s1], [sflag:$0x6], $0x80, v4, vm0, $0xb8;
	[tilespmem:$0x19000] =	vst v63  }
0x6f: {  	s18 =	simm.s32 $0x7800;
	v3 =	vadd.s32 v1, v3  }
0x70: {  	[hbm4b:s21+s2] =	stream.indirect_vreg.scatter [tilespmem:s18], [sflag:$0x6], $0x80, v4, vm0, $0xb8;
	[tilespmem:$0x19000] =	vst v63  }
0x71: {  	s19 =	simm.s32 $0x8000  }
0x72: {  	[hbm4b:s22+s2] =	stream.indirect_vreg.scatter [tilespmem:s19], [sflag:$0x6], $0x80, v4, vm0, $0xb8;
	[tilespmem:$0x19000] =	vst v63  }
0x73: {  	s25 =	simm.s32 $0x8800  }
0x74: {  	[hbm4b:s4+s2] =	stream.indirect_vreg.scatter [tilespmem:s25], [sflag:$0x6], $0x80, v3, vm0, $0xb8;
	[tilespmem:$0x19000] =	vst v63  }
0x75: {  	s26 =	simm.s32 $0x9000  }
0x76: {  	[hbm4b:s21+s2] =	stream.indirect_vreg.scatter [tilespmem:s26], [sflag:$0x6], $0x80, v3, vm0, $0xb8;
	[tilespmem:$0x19000] =	vst v63  }
0x77: {  	s28 =	simm.s32 $0x9800  }
0x78: {  	[hbm4b:s22+s2] =	stream.indirect_vreg.scatter [tilespmem:s28], [sflag:$0x6], $0x80, v3, vm0, $0xb8;
	[tilespmem:$0x19000] =	vst v63  }
0x79: {  	v3 =	vld [tilespmem:$0x90];
	_ =	sdelay $0x4  }
0x7a: {  	v59 =	vshrl.u32 v3, $0x3  }
0x7b: {  	v4 =	vmul.u32 $0x30, v59  }
0x7c: {  	v3 =	vand.u32 $0x7, v3  }
0x7d: {  	v3 =	vor.u32 v3, v4  }
0x7e: {  	v4 =	vperm.xlane v3, v0;
	_ =	sdelay $0x1  }
0x7f: {  	v4 =	vadd.s32 v1, v4;
	_ =	sdelay $0x3  }
0x80: {  	s31 =	simm.s32 $0xA000;
	v3 =	vperm.xlane v3, v2  }
0x81: {  	[hbm4b:s4+s2] =	stream.indirect_vreg.scatter [tilespmem:s31], [sflag:$0x6], $0x80, v4, vm0, $0xb8;
	[tilespmem:$0x19000] =	vst v63  }
0x82: {  	s3 =	simm.s32 $0xA800;
	v3 =	vadd.s32 v1, v3  }
0x83: {  	[hbm4b:s21+s2] =	stream.indirect_vreg.scatter [tilespmem:s3], [sflag:$0x6], $0x80, v4, vm0, $0xb8;
	[tilespmem:$0x19000] =	vst v63  }
0x84: {  	s5 =	simm.s32 $0xB000  }
0x85: {  	[hbm4b:s22+s2] =	stream.indirect_vreg.scatter [tilespmem:s5], [sflag:$0x6], $0x80, v4, vm0, $0xb8;
	[tilespmem:$0x19000] =	vst v63  }
0x86: {  	s8 =	simm.s32 $0xB800  }
0x87: {  	[hbm4b:s4+s2] =	stream.indirect_vreg.scatter [tilespmem:s8], [sflag:$0x6], $0x80, v3, vm0, $0xb8;
	[tilespmem:$0x19000] =	vst v63  }
0x88: {  	s10 =	simm.s32 $0xC000  }
0x89: {  	[hbm4b:s21+s2] =	stream.indirect_vreg.scatter [tilespmem:s10], [sflag:$0x6], $0x80, v3, vm0, $0xb8;
	[tilespmem:$0x19000] =	vst v63  }
0x8a: {  	s15 =	simm.s32 $0xC800  }
0x8b: {  	[hbm4b:s22+s2] =	stream.indirect_vreg.scatter [tilespmem:s15], [sflag:$0x6], $0x80, v3, vm0, $0xb8;
	[tilespmem:$0x19000] =	vst v63  }
0x8c: {  	_ =	swait.ge [sflag:s13], $0x6000  }
0x8d: {  	[sflag:s13] =	ssyncset.done $0x0  }
0x8e: {  	s16 =	rddreg [dreg:$0x9];
	[sflag:s13] =	ssyncadd.s32 $0xFFFFA000  }
0x8f: {  	[tilespmem:s1], [sflag:$0x2] =	stream.linear.gather [hbm4b:s16+s2], $0x6000, $0x38;
	[tilespmem:$0x19000] =	vst v63  }
0x90: {  	_ =	swait.ge [sflag:s14], $0x6000  }
0x91: {  	[sflag:s14] =	ssyncset.done $0x0  }
0x92: {  	[sflag:s14] =	ssyncadd.s32 $0xFFFFA000  }
0x93: {  	v3 =	vld [tilespmem:$0x100];
	_ =	sdelay $0x4  }
0x94: {  	v60 =	vshrl.u32 v3, $0x3  }
0x95: {  	v4 =	vmul.u32 $0x30, v60  }
0x96: {  	v3 =	vand.u32 $0x7, v3  }
0x97: {  	v3 =	vor.u32 v3, v4  }
0x98: {  	v4 =	vperm.xlane v3, v0;
	_ =	sdelay $0x1  }
0x99: {  	v4 =	vadd.s32 v1, v4;
	_ =	sdelay $0x3  }
0x9a: {  	s0 =	simm.s32 $0xD000;
	v3 =	vperm.xlane v3, v2  }
0x9b: {  	[hbm4b:s4+s2] =	stream.indirect_vreg.scatter [tilespmem:s0], [sflag:$0x7], $0x80, v4, vm0, $0xb8;
	[tilespmem:$0x19000] =	vst v63  }
0x9c: {  	s18 =	simm.s32 $0xD800;
	v3 =	vadd.s32 v1, v3  }
0x9d: {  	[hbm4b:s21+s2] =	stream.indirect_vreg.scatter [tilespmem:s18], [sflag:$0x7], $0x80, v4, vm0, $0xb8;
	[tilespmem:$0x19000] =	vst v63  }
0x9e: {  	s19 =	simm.s32 $0xE000  }
0x9f: {  	[hbm4b:s22+s2] =	stream.indirect_vreg.scatter [tilespmem:s19], [sflag:$0x7], $0x80, v4, vm0, $0xb8;
	[tilespmem:$0x19000] =	vst v63  }
0xa0: {  	s25 =	simm.s32 $0xE800  }
0xa1: {  	[hbm4b:s4+s2] =	stream.indirect_vreg.scatter [tilespmem:s25], [sflag:$0x7], $0x80, v3, vm0, $0xb8;
	[tilespmem:$0x19000] =	vst v63  }
0xa2: {  	s26 =	simm.s32 $0xF000  }
0xa3: {  	[hbm4b:s21+s2] =	stream.indirect_vreg.scatter [tilespmem:s26], [sflag:$0x7], $0x80, v3, vm0, $0xb8;
	[tilespmem:$0x19000] =	vst v63  }
0xa4: {  	s28 =	simm.s32 $0xF800  }
0xa5: {  	[hbm4b:s22+s2] =	stream.indirect_vreg.scatter [tilespmem:s28], [sflag:$0x7], $0x80, v3, vm0, $0xb8;
	[tilespmem:$0x19000] =	vst v63  }
0xa6: {  	v3 =	vld [tilespmem:$0x110];
	_ =	sdelay $0x4  }
0xa7: {  	v61 =	vshrl.u32 v3, $0x3  }
0xa8: {  	v4 =	vmul.u32 $0x30, v61  }
0xa9: {  	v3 =	vand.u32 $0x7, v3  }
0xaa: {  	v3 =	vor.u32 v3, v4  }
0xab: {  	v4 =	vperm.xlane v3, v0;
	_ =	sdelay $0x1  }
0xac: {  	v4 =	vadd.s32 v1, v4;
	_ =	sdelay $0x3  }
0xad: {  	s31 =	simm.s32 $0x10000;
	v3 =	vperm.xlane v3, v2  }
0xae: {  	[hbm4b:s4+s2] =	stream.indirect_vreg.scatter [tilespmem:s31], [sflag:$0x7], $0x80, v4, vm0, $0xb8;
	[tilespmem:$0x19000] =	vst v63  }
0xaf: {  	s3 =	simm.s32 $0x10800;
	v3 =	vadd.s32 v1, v3  }
0xb0: {  	[hbm4b:s21+s2] =	stream.indirect_vreg.scatter [tilespmem:s3], [sflag:$0x7], $0x80, v4, vm0, $0xb8;
	[tilespmem:$0x19000] =	vst v63  }
0xb1: {  	s5 =	simm.s32 $0x11000  }
0xb2: {  	[hbm4b:s22+s2] =	stream.indirect_vreg.scatter [tilespmem:s5], [sflag:$0x7], $0x80, v4, vm0, $0xb8;
	[tilespmem:$0x19000] =	vst v63  }
0xb3: {  	s8 =	simm.s32 $0x11800  }
0xb4: {  	[hbm4b:s4+s2] =	stream.indirect_vreg.scatter [tilespmem:s8], [sflag:$0x7], $0x80, v3, vm0, $0xb8;
	[tilespmem:$0x19000] =	vst v63  }
0xb5: {  	s10 =	simm.s32 $0x12000  }
0xb6: {  	[hbm4b:s21+s2] =	stream.indirect_vreg.scatter [tilespmem:s10], [sflag:$0x7], $0x80, v3, vm0, $0xb8;
	[tilespmem:$0x19000] =	vst v63  }
0xb7: {  	s15 =	simm.s32 $0x12800  }
0xb8: {  	[hbm4b:s22+s2] =	stream.indirect_vreg.scatter [tilespmem:s15], [sflag:$0x7], $0x80, v3, vm0, $0xb8;
	[tilespmem:$0x19000] =	vst v63  }
0xb9: {  	_ =	swait.ge [sflag:s29], $0x6000  }
0xba: {  	[sflag:s29] =	ssyncset.done $0x0  }
0xbb: {  	s16 =	rddreg [dreg:$0xa];
	[sflag:s29] =	ssyncadd.s32 $0xFFFFA000  }
0xbc: {  	[tilespmem:s0], [sflag:$0x3] =	stream.linear.gather [hbm4b:s16+s2], $0x6000, $0x38;
	[tilespmem:$0x19000] =	vst v63  }
0xbd: {  	_ =	swait.ge [sflag:s30], $0x6000  }
0xbe: {  	[sflag:s30] =	ssyncset.done $0x0  }
0xbf: {  	[sflag:s30] =	ssyncadd.s32 $0xFFFFA000  }
0xc0: {  	v3 =	vld [tilespmem:$0x180];
	_ =	sdelay $0x4  }
0xc1: {  	v62 =	vshrl.u32 v3, $0x3  }
0xc2: {  	v4 =	vmul.u32 $0x30, v62  }
0xc3: {  	v3 =	vand.u32 $0x7, v3  }
0xc4: {  	v3 =	vor.u32 v3, v4  }
0xc5: {  	v4 =	vperm.xlane v3, v0;
	_ =	sdelay $0x1  }
0xc6: {  	v4 =	vadd.s32 v1, v4;
	_ =	sdelay $0x3  }
0xc7: {  	s0 =	simm.s32 $0x13000;
	v3 =	vperm.xlane v3, v2  }
0xc8: {  	[hbm4b:s4+s2] =	stream.indirect_vreg.scatter [tilespmem:s0], [sflag:$0x8], $0x80, v4, vm0, $0xb8;
	[tilespmem:$0x19000] =	vst v63  }
0xc9: {  	s18 =	simm.s32 $0x13800;
	v3 =	vadd.s32 v1, v3  }
0xca: {  	[hbm4b:s21+s2] =	stream.indirect_vreg.scatter [tilespmem:s18], [sflag:$0x8], $0x80, v4, vm0, $0xb8;
	[tilespmem:$0x19000] =	vst v63  }
0xcb: {  	s19 =	simm.s32 $0x14000  }
0xcc: {  	[hbm4b:s22+s2] =	stream.indirect_vreg.scatter [tilespmem:s19], [sflag:$0x8], $0x80, v4, vm0, $0xb8;
	[tilespmem:$0x19000] =	vst v63  }
0xcd: {  	s25 =	simm.s32 $0x14800  }
0xce: {  	[hbm4b:s4+s2] =	stream.indirect_vreg.scatter [tilespmem:s25], [sflag:$0x8], $0x80, v3, vm0, $0xb8;
	[tilespmem:$0x19000] =	vst v63  }
0xcf: {  	s26 =	simm.s32 $0x15000  }
0xd0: {  	[hbm4b:s21+s2] =	stream.indirect_vreg.scatter [tilespmem:s26], [sflag:$0x8], $0x80, v3, vm0, $0xb8;
	[tilespmem:$0x19000] =	vst v63  }
0xd1: {  	s28 =	simm.s32 $0x15800  }
0xd2: {  	[hbm4b:s22+s2] =	stream.indirect_vreg.scatter [tilespmem:s28], [sflag:$0x8], $0x80, v3, vm0, $0xb8;
	[tilespmem:$0x19000] =	vst v63  }
0xd3: {  	v3 =	vld [tilespmem:$0x190];
	_ =	sdelay $0x4  }
0xd4: {  	v63 =	vshrl.u32 v3, $0x3  }
0xd5: {  	v4 =	vmul.u32 $0x30, v63  }
0xd6: {  	v3 =	vand.u32 $0x7, v3  }
0xd7: {  	v3 =	vor.u32 v3, v4  }
0xd8: {  	v4 =	vperm.xlane v3, v0;
	_ =	sdelay $0x1  }
0xd9: {  	v4 =	vadd.s32 v1, v4;
	_ =	sdelay $0x3  }
0xda: {  	s31 =	simm.s32 $0x16000;
	v3 =	vperm.xlane v3, v2  }
0xdb: {  	[hbm4b:s4+s2] =	stream.indirect_vreg.scatter [tilespmem:s31], [sflag:$0x8], $0x80, v4, vm0, $0xb8;
	[tilespmem:$0x19000] =	vst v63  }
0xdc: {  	s3 =	simm.s32 $0x16800;
	v3 =	vadd.s32 v1, v3  }
0xdd: {  	[hbm4b:s21+s2] =	stream.indirect_vreg.scatter [tilespmem:s3], [sflag:$0x8], $0x80, v4, vm0, $0xb8;
	[tilespmem:$0x19000] =	vst v63  }
0xde: {  	s5 =	simm.s32 $0x17000  }
0xdf: {  	[hbm4b:s22+s2] =	stream.indirect_vreg.scatter [tilespmem:s5], [sflag:$0x8], $0x80, v4, vm0, $0xb8;
	[tilespmem:$0x19000] =	vst v63  }
0xe0: {  	s8 =	simm.s32 $0x17800  }
0xe1: {  	[hbm4b:s4+s2] =	stream.indirect_vreg.scatter [tilespmem:s8], [sflag:$0x8], $0x80, v3, vm0, $0xb8;
	[tilespmem:$0x19000] =	vst v63  }
0xe2: {  	s10 =	simm.s32 $0x18000  }
0xe3: {  	[hbm4b:s21+s2] =	stream.indirect_vreg.scatter [tilespmem:s10], [sflag:$0x8], $0x80, v3, vm0, $0xb8;
	[tilespmem:$0x19000] =	vst v63  }
0xe4: {  	s15 =	simm.s32 $0x18800  }
0xe5: {  	[hbm4b:s22+s2] =	stream.indirect_vreg.scatter [tilespmem:s15], [sflag:$0x8], $0x80, v3, vm0, $0xb8;
	[tilespmem:$0x19000] =	vst v63  }
0xe6: {  	_ =	swait.ge [sflag:s20], $0x6000  }
0xe7: {  	[sflag:s20] =	ssyncset.done $0x0  }
0xe8: {  	s16 =	rddreg [dreg:$0xb];
	[sflag:s20] =	ssyncadd.s32 $0xFFFFA000  }
0xe9: {  	[tilespmem:s0], [sflag:$0x4] =	stream.linear.gather [hbm4b:s16+s2], $0x6000, $0x38;
	[tilespmem:$0x19000] =	vst v63  }
0xea: {  	_ =	swait.ge [sflag:s11], $0x6000  }
0xeb: {  	[sflag:s11] =	ssyncset.done $0x0  }
0xec: {  	[sflag:s11] =	ssyncadd.s32 $0xFFFFA000  }
0xed: {  	v3 =	vld [tilespmem:$0x200];
	_ =	sdelay $0x4  }
0xee: {  	v8 =	vshrl.u32 v3, $0x3  }
0xef: {  	v4 =	vmul.u32 $0x30, v8  }
0xf0: {  	v3 =	vand.u32 $0x7, v3  }
0xf1: {  	v3 =	vor.u32 v3, v4  }
0xf2: {  	v4 =	vperm.xlane v3, v0;
	_ =	sdelay $0x1  }
0xf3: {  	v4 =	vadd.s32 v1, v4;
	_ =	sdelay $0x3  }
0xf4: {  	s18 =	simm.s32 $0x1000;
	v3 =	vperm.xlane v3, v2  }
0xf5: {  	[hbm4b:s4+s2] =	stream.indirect_vreg.scatter [tilespmem:s18], [sflag:$0x5], $0x80, v4, vm0, $0xb8;
	[tilespmem:$0x19000] =	vst v63  }
0xf6: {  	s10 =	simm.s32 $0x1800;
	v3 =	vadd.s32 v1, v3  }
0xf7: {  	[hbm4b:s21+s2] =	stream.indirect_vreg.scatter [tilespmem:s10], [sflag:$0x5], $0x80, v4, vm0, $0xb8;
	[tilespmem:$0x19000] =	vst v63  }
0xf8: {  	s1 =	simm.s32 $0x2000  }
0xf9: {  	[hbm4b:s22+s2] =	stream.indirect_vreg.scatter [tilespmem:s1], [sflag:$0x5], $0x80, v4, vm0, $0xb8;
	[tilespmem:$0x19000] =	vst v63  }
0xfa: {  	s3 =	simm.s32 $0x2800  }
0xfb: {  	[hbm4b:s4+s2] =	stream.indirect_vreg.scatter [tilespmem:s3], [sflag:$0x5], $0x80, v3, vm0, $0xb8;
	[tilespmem:$0x19000] =	vst v63  }
0xfc: {  	s5 =	simm.s32 $0x3000  }
0xfd: {  	[hbm4b:s21+s2] =	stream.indirect_vreg.scatter [tilespmem:s5], [sflag:$0x5], $0x80, v3, vm0, $0xb8;
	[tilespmem:$0x19000] =	vst v63  }
0xfe: {  	s9 =	simm.s32 $0x3800  }
0xff: {  	[hbm4b:s22+s2] =	stream.indirect_vreg.scatter [tilespmem:s9], [sflag:$0x5], $0x80, v3, vm0, $0xb8;
	[tilespmem:$0x19000] =	vst v63  }
0x100: {  	v3 =	vld [tilespmem:$0x210];
	_ =	sdelay $0x4  }
0x101: {  	v9 =	vshrl.u32 v3, $0x3  }
0x102: {  	v4 =	vmul.u32 $0x30, v9  }
0x103: {  	v3 =	vand.u32 $0x7, v3  }
0x104: {  	v3 =	vor.u32 v3, v4  }
0x105: {  	v4 =	vperm.xlane v3, v0;
	_ =	sdelay $0x1  }
0x106: {  	v4 =	vadd.s32 v1, v4;
	_ =	sdelay $0x3  }
0x107: {  	s12 =	simm.s32 $0x4000;
	v3 =	vperm.xlane v3, v2  }
0x108: {  	[hbm4b:s4+s2] =	stream.indirect_vreg.scatter [tilespmem:s12], [sflag:$0x5], $0x80, v4, vm0, $0xb8;
	[tilespmem:$0x19000] =	vst v63  }
0x109: {  	s9 =	simm.s32 $0x4800;
	v3 =	vadd.s32 v1, v3  }
0x10a: {  	[hbm4b:s21+s2] =	stream.indirect_vreg.scatter [tilespmem:s9], [sflag:$0x5], $0x80, v4, vm0, $0xb8;
	[tilespmem:$0x19000] =	vst v63  }
0x10b: {  	s12 =	simm.s32 $0x5000  }
0x10c: {  	[hbm4b:s22+s2] =	stream.indirect_vreg.scatter [tilespmem:s12], [sflag:$0x5], $0x80, v4, vm0, $0xb8;
	[tilespmem:$0x19000] =	vst v63  }
0x10d: {  	s15 =	simm.s32 $0x5800  }
0x10e: {  	[hbm4b:s4+s2] =	stream.indirect_vreg.scatter [tilespmem:s15], [sflag:$0x5], $0x80, v3, vm0, $0xb8;
	[tilespmem:$0x19000] =	vst v63  }
0x10f: {  	s16 =	simm.s32 $0x6000  }
0x110: {  	[hbm4b:s21+s2] =	stream.indirect_vreg.scatter [tilespmem:s16], [sflag:$0x5], $0x80, v3, vm0, $0xb8;
	[tilespmem:$0x19000] =	vst v63  }
0x111: {  	s17 =	simm.s32 $0x6800  }
0x112: {  	[hbm4b:s22+s2] =	stream.indirect_vreg.scatter [tilespmem:s17], [sflag:$0x5], $0x80, v3, vm0, $0xb8;
	[tilespmem:$0x19000] =	vst v63  }
0x113: {  	_ =	swait.ge [sflag:s23], $0x6000  }
0x114: {  	[sflag:s23] =	ssyncset.done $0x0  }
0x115: {  	s19 =	rddreg [dreg:$0xc];
	[sflag:s23] =	ssyncadd.s32 $0xFFFFA000  }
0x116: {  	[tilespmem:s18], [sflag:$0x1] =	stream.linear.gather [hbm4b:s19+s2], $0x6000, $0x38;
	[tilespmem:$0x19000] =	vst v63  }
0x117: {  	_ =	swait.ge [sflag:s24], $0x6000  }
0x118: {  	[sflag:s24] =	ssyncset.done $0x0  }
0x119: {  	[sflag:s24] =	ssyncadd.s32 $0xFFFFA000  }
0x11a: {  	v3 =	vld [tilespmem:$0x280];
	_ =	sdelay $0x4  }
0x11b: {  	v10 =	vshrl.u32 v3, $0x3  }
0x11c: {  	v4 =	vmul.u32 $0x30, v10  }
0x11d: {  	v3 =	vand.u32 $0x7, v3  }
0x11e: {  	v3 =	vor.u32 v3, v4  }
0x11f: {  	v4 =	vperm.xlane v3, v0;
	_ =	sdelay $0x1  }
0x120: {  	v4 =	vadd.s32 v1, v4;
	_ =	sdelay $0x3  }
0x121: {  	s0 =	simm.s32 $0x7000;
	v3 =	vperm.xlane v3, v2  }
0x122: {  	[hbm4b:s4+s2] =	stream.indirect_vreg.scatter [tilespmem:s0], [sflag:$0x6], $0x80, v4, vm0, $0xb8;
	[tilespmem:$0x19000] =	vst v63  }
0x123: {  	s17 =	simm.s32 $0x7800;
	v3 =	vadd.s32 v1, v3  }
0x124: {  	[hbm4b:s21+s2] =	stream.indirect_vreg.scatter [tilespmem:s17], [sflag:$0x6], $0x80, v4, vm0, $0xb8;
	[tilespmem:$0x19000] =	vst v63  }
0x125: {  	s18 =	simm.s32 $0x8000  }
0x126: {  	[hbm4b:s22+s2] =	stream.indirect_vreg.scatter [tilespmem:s18], [sflag:$0x6], $0x80, v4, vm0, $0xb8;
	[tilespmem:$0x19000] =	vst v63  }
0x127: {  	s19 =	simm.s32 $0x8800  }
0x128: {  	[hbm4b:s4+s2] =	stream.indirect_vreg.scatter [tilespmem:s19], [sflag:$0x6], $0x80, v3, vm0, $0xb8;
	[tilespmem:$0x19000] =	vst v63  }
0x129: {  	s26 =	simm.s32 $0x9000  }
0x12a: {  	[hbm4b:s21+s2] =	stream.indirect_vreg.scatter [tilespmem:s26], [sflag:$0x6], $0x80, v3, vm0, $0xb8;
	[tilespmem:$0x19000] =	vst v63  }
0x12b: {  	s6 =	simm.s32 $0x9800  }
0x12c: {  	[hbm4b:s22+s2] =	stream.indirect_vreg.scatter [tilespmem:s6], [sflag:$0x6], $0x80, v3, vm0, $0xb8;
	[tilespmem:$0x19000] =	vst v63  }
0x12d: {  	v3 =	vld [tilespmem:$0x290];
	_ =	sdelay $0x4  }
0x12e: {  	v11 =	vshrl.u32 v3, $0x3  }
0x12f: {  	v4 =	vmul.u32 $0x30, v11  }
0x130: {  	v3 =	vand.u32 $0x7, v3  }
0x131: {  	v3 =	vor.u32 v3, v4  }
0x132: {  	v4 =	vperm.xlane v3, v0;
	_ =	sdelay $0x1  }
0x133: {  	v4 =	vadd.s32 v1, v4;
	_ =	sdelay $0x3  }
0x134: {  	s7 =	simm.s32 $0xA000;
	v3 =	vperm.xlane v3, v2  }
0x135: {  	[hbm4b:s4+s2] =	stream.indirect_vreg.scatter [tilespmem:s7], [sflag:$0x6], $0x80, v4, vm0, $0xb8;
	[tilespmem:$0x19000] =	vst v63  }
0x136: {  	s28 =	simm.s32 $0xA800;
	v3 =	vadd.s32 v1, v3  }
0x137: {  	[hbm4b:s21+s2] =	stream.indirect_vreg.scatter [tilespmem:s28], [sflag:$0x6], $0x80, v4, vm0, $0xb8;
	[tilespmem:$0x19000] =	vst v63  }
0x138: {  	s31 =	simm.s32 $0xB000  }
0x139: {  	[hbm4b:s22+s2] =	stream.indirect_vreg.scatter [tilespmem:s31], [sflag:$0x6], $0x80, v4, vm0, $0xb8;
	[tilespmem:$0x19000] =	vst v63  }
0x13a: {  	s6 =	simm.s32 $0xB800  }
0x13b: {  	[hbm4b:s4+s2] =	stream.indirect_vreg.scatter [tilespmem:s6], [sflag:$0x6], $0x80, v3, vm0, $0xb8;
	[tilespmem:$0x19000] =	vst v63  }
0x13c: {  	s7 =	simm.s32 $0xC000  }
0x13d: {  	[hbm4b:s21+s2] =	stream.indirect_vreg.scatter [tilespmem:s7], [sflag:$0x6], $0x80, v3, vm0, $0xb8;
	[tilespmem:$0x19000] =	vst v63  }
0x13e: {  	s8 =	simm.s32 $0xC800  }
0x13f: {  	[hbm4b:s22+s2] =	stream.indirect_vreg.scatter [tilespmem:s8], [sflag:$0x6], $0x80, v3, vm0, $0xb8;
	[tilespmem:$0x19000] =	vst v63  }
0x140: {  	_ =	swait.ge [sflag:s13], $0x6000  }
0x141: {  	[sflag:s13] =	ssyncset.done $0x0  }
0x142: {  	s25 =	rddreg [dreg:$0xd];
	[sflag:s13] =	ssyncadd.s32 $0xFFFFA000  }
0x143: {  	[tilespmem:s0], [sflag:$0x2] =	stream.linear.gather [hbm4b:s25+s2], $0x6000, $0x38;
	[tilespmem:$0x19000] =	vst v63  }
0x144: {  	_ =	swait.ge [sflag:s14], $0x6000  }
0x145: {  	[sflag:s14] =	ssyncset.done $0x0  }
0x146: {  	[sflag:s14] =	ssyncadd.s32 $0xFFFFA000  }
0x147: {  	v3 =	vld [tilespmem:$0x300];
	_ =	sdelay $0x4  }
0x148: {  	v12 =	vshrl.u32 v3, $0x3  }
0x149: {  	v4 =	vmul.u32 $0x30, v12  }
0x14a: {  	v3 =	vand.u32 $0x7, v3  }
0x14b: {  	v3 =	vor.u32 v3, v4  }
0x14c: {  	v4 =	vperm.xlane v3, v0;
	_ =	sdelay $0x1  }
0x14d: {  	v4 =	vadd.s32 v1, v4;
	_ =	sdelay $0x3  }
0x14e: {  	s0 =	simm.s32 $0xD000;
	v3 =	vperm.xlane v3, v2  }
0x14f: {  	[hbm4b:s4+s2] =	stream.indirect_vreg.scatter [tilespmem:s0], [sflag:$0x7], $0x80, v4, vm0, $0xb8;
	[tilespmem:$0x19000] =	vst v63  }
0x150: {  	s25 =	simm.s32 $0xD800;
	v3 =	vadd.s32 v1, v3  }
0x151: {  	[hbm4b:s21+s2] =	stream.indirect_vreg.scatter [tilespmem:s25], [sflag:$0x7], $0x80, v4, vm0, $0xb8;
	[tilespmem:$0x19000] =	vst v63  }
0x152: {  	s25 =	simm.s32 $0xE000  }
0x153: {  	[hbm4b:s22+s2] =	stream.indirect_vreg.scatter [tilespmem:s25], [sflag:$0x7], $0x80, v4, vm0, $0xb8;
	[tilespmem:$0x19000] =	vst v63  }
0x154: {  	s25 =	simm.s32 $0xE800  }
0x155: {  	[hbm4b:s4+s2] =	stream.indirect_vreg.scatter [tilespmem:s25], [sflag:$0x7], $0x80, v3, vm0, $0xb8;
	[tilespmem:$0x19000] =	vst v63  }
0x156: {  	s25 =	simm.s32 $0xF000  }
0x157: {  	[hbm4b:s21+s2] =	stream.indirect_vreg.scatter [tilespmem:s25], [sflag:$0x7], $0x80, v3, vm0, $0xb8;
	[tilespmem:$0x19000] =	vst v63  }
0x158: {  	s25 =	simm.s32 $0xF800  }
0x159: {  	[hbm4b:s22+s2] =	stream.indirect_vreg.scatter [tilespmem:s25], [sflag:$0x7], $0x80, v3, vm0, $0xb8;
	[tilespmem:$0x19000] =	vst v63  }
0x15a: {  	v3 =	vld [tilespmem:$0x310];
	_ =	sdelay $0x4  }
0x15b: {  	v13 =	vshrl.u32 v3, $0x3  }
0x15c: {  	v4 =	vmul.u32 $0x30, v13  }
0x15d: {  	v3 =	vand.u32 $0x7, v3  }
0x15e: {  	v3 =	vor.u32 v3, v4  }
0x15f: {  	v4 =	vperm.xlane v3, v0;
	_ =	sdelay $0x1  }
0x160: {  	v4 =	vadd.s32 v1, v4;
	_ =	sdelay $0x3  }
0x161: {  	s25 =	simm.s32 $0x10000;
	v3 =	vperm.xlane v3, v2  }
0x162: {  	[hbm4b:s4+s2] =	stream.indirect_vreg.scatter [tilespmem:s25], [sflag:$0x7], $0x80, v4, vm0, $0xb8;
	[tilespmem:$0x19000] =	vst v63  }
0x163: {  	v3 =	vadd.s32 v1, v3;
	s25 =	simm.s32 $0x10800  }
0x164: {  	[hbm4b:s21+s2] =	stream.indirect_vreg.scatter [tilespmem:s25], [sflag:$0x7], $0x80, v4, vm0, $0xb8;
	[tilespmem:$0x19000] =	vst v63  }
0x165: {  	s25 =	simm.s32 $0x11000  }
0x166: {  	[hbm4b:s22+s2] =	stream.indirect_vreg.scatter [tilespmem:s25], [sflag:$0x7], $0x80, v4, vm0, $0xb8;
	[tilespmem:$0x19000] =	vst v63  }
0x167: {  	s25 =	simm.s32 $0x11800  }
0x168: {  	[hbm4b:s4+s2] =	stream.indirect_vreg.scatter [tilespmem:s25], [sflag:$0x7], $0x80, v3, vm0, $0xb8;
	[tilespmem:$0x19000] =	vst v63  }
0x169: {  	s25 =	simm.s32 $0x12000  }
0x16a: {  	[hbm4b:s21+s2] =	stream.indirect_vreg.scatter [tilespmem:s25], [sflag:$0x7], $0x80, v3, vm0, $0xb8;
	[tilespmem:$0x19000] =	vst v63  }
0x16b: {  	s25 =	simm.s32 $0x12800  }
0x16c: {  	[hbm4b:s22+s2] =	stream.indirect_vreg.scatter [tilespmem:s25], [sflag:$0x7], $0x80, v3, vm0, $0xb8;
	[tilespmem:$0x19000] =	vst v63  }
0x16d: {  	_ =	swait.ge [sflag:s29], $0x6000  }
0x16e: {  	[sflag:s29] =	ssyncset.done $0x0  }
0x16f: {  	s25 =	rddreg [dreg:$0xe];
	[sflag:s29] =	ssyncadd.s32 $0xFFFFA000  }
0x170: {  	[tilespmem:s0], [sflag:$0x3] =	stream.linear.gather [hbm4b:s25+s2], $0x6000, $0x38;
	[tilespmem:$0x19000] =	vst v63  }
0x171: {  	_ =	swait.ge [sflag:s30], $0x6000  }
0x172: {  	[sflag:s30] =	ssyncset.done $0x0  }
0x173: {  	[sflag:s30] =	ssyncadd.s32 $0xFFFFA000  }
0x174: {  	v3 =	vld [tilespmem:$0x380];
	_ =	sdelay $0x4  }
0x175: {  	v14 =	vshrl.u32 v3, $0x3  }
0x176: {  	v4 =	vmul.u32 $0x30, v14  }
0x177: {  	v3 =	vand.u32 $0x7, v3  }
0x178: {  	v3 =	vor.u32 v3, v4  }
0x179: {  	v4 =	vperm.xlane v3, v0;
	_ =	sdelay $0x1  }
0x17a: {  	v4 =	vadd.s32 v1, v4;
	_ =	sdelay $0x3  }
0x17b: {  	s0 =	simm.s32 $0x13000;
	v3 =	vperm.xlane v3, v2  }
0x17c: {  	[hbm4b:s4+s2] =	stream.indirect_vreg.scatter [tilespmem:s0], [sflag:$0x8], $0x80, v4, vm0, $0xb8;
	[tilespmem:$0x19000] =	vst v63  }
0x17d: {  	s25 =	simm.s32 $0x13800;
	v3 =	vadd.s32 v1, v3  }
0x17e: {  	[hbm4b:s21+s2] =	stream.indirect_vreg.scatter [tilespmem:s25], [sflag:$0x8], $0x80, v4, vm0, $0xb8;
	[tilespmem:$0x19000] =	vst v63  }
0x17f: {  	s25 =	simm.s32 $0x14000  }
0x180: {  	[hbm4b:s22+s2] =	stream.indirect_vreg.scatter [tilespmem:s25], [sflag:$0x8], $0x80, v4, vm0, $0xb8;
	[tilespmem:$0x19000] =	vst v63  }
0x181: {  	s25 =	simm.s32 $0x14800  }
0x182: {  	[hbm4b:s4+s2] =	stream.indirect_vreg.scatter [tilespmem:s25], [sflag:$0x8], $0x80, v3, vm0, $0xb8;
	[tilespmem:$0x19000] =	vst v63  }
0x183: {  	s25 =	simm.s32 $0x15000  }
0x184: {  	[hbm4b:s21+s2] =	stream.indirect_vreg.scatter [tilespmem:s25], [sflag:$0x8], $0x80, v3, vm0, $0xb8;
	[tilespmem:$0x19000] =	vst v63  }
0x185: {  	s25 =	simm.s32 $0x15800  }
0x186: {  	[hbm4b:s22+s2] =	stream.indirect_vreg.scatter [tilespmem:s25], [sflag:$0x8], $0x80, v3, vm0, $0xb8;
	[tilespmem:$0x19000] =	vst v63  }
0x187: {  	v3 =	vld [tilespmem:$0x390];
	_ =	sdelay $0x4  }
0x188: {  	v15 =	vshrl.u32 v3, $0x3  }
0x189: {  	v4 =	vmul.u32 $0x30, v15  }
0x18a: {  	v3 =	vand.u32 $0x7, v3  }
0x18b: {  	v3 =	vor.u32 v3, v4  }
0x18c: {  	v4 =	vperm.xlane v3, v0;
	_ =	sdelay $0x1  }
0x18d: {  	v4 =	vadd.s32 v1, v4;
	_ =	sdelay $0x3  }
0x18e: {  	s25 =	simm.s32 $0x16000;
	v3 =	vperm.xlane v3, v2  }
0x18f: {  	[hbm4b:s4+s2] =	stream.indirect_vreg.scatter [tilespmem:s25], [sflag:$0x8], $0x80, v4, vm0, $0xb8;
	[tilespmem:$0x19000] =	vst v63  }
0x190: {  	v3 =	vadd.s32 v1, v3;
	s25 =	simm.s32 $0x16800  }
0x191: {  	[hbm4b:s21+s2] =	stream.indirect_vreg.scatter [tilespmem:s25], [sflag:$0x8], $0x80, v4, vm0, $0xb8;
	[tilespmem:$0x19000] =	vst v63  }
0x192: {  	s25 =	simm.s32 $0x17000  }
0x193: {  	[hbm4b:s22+s2] =	stream.indirect_vreg.scatter [tilespmem:s25], [sflag:$0x8], $0x80, v4, vm0, $0xb8;
	[tilespmem:$0x19000] =	vst v63  }
0x194: {  	s25 =	simm.s32 $0x17800  }
0x195: {  	[hbm4b:s4+s2] =	stream.indirect_vreg.scatter [tilespmem:s25], [sflag:$0x8], $0x80, v3, vm0, $0xb8;
	[tilespmem:$0x19000] =	vst v63  }
0x196: {  	s25 =	simm.s32 $0x18000  }
0x197: {  	[hbm4b:s21+s2] =	stream.indirect_vreg.scatter [tilespmem:s25], [sflag:$0x8], $0x80, v3, vm0, $0xb8;
	[tilespmem:$0x19000] =	vst v63  }
0x198: {  	s25 =	simm.s32 $0x18800  }
0x199: {  	[hbm4b:s22+s2] =	stream.indirect_vreg.scatter [tilespmem:s25], [sflag:$0x8], $0x80, v3, vm0, $0xb8;
	[tilespmem:$0x19000] =	vst v63  }
0x19a: {  	_ =	swait.ge [sflag:s20], $0x6000  }
0x19b: {  	[sflag:s20] =	ssyncset.done $0x0  }
0x19c: {  	s25 =	rddreg [dreg:$0xf];
	[sflag:s20] =	ssyncadd.s32 $0xFFFFA000  }
0x19d: {  	[tilespmem:s0], [sflag:$0x4] =	stream.linear.gather [hbm4b:s25+s2], $0x6000, $0x38;
	[tilespmem:$0x19000] =	vst v63  }
0x19e: {  	_ =	swait.ge [sflag:s11], $0x6000  }
0x19f: {  	[sflag:s11] =	ssyncset.done $0x0  }
0x1a0: {  	[sflag:s11] =	ssyncadd.s32 $0xFFFFA000  }
0x1a1: {  	v3 =	vld [tilespmem:$0x400];
	_ =	sdelay $0x4  }
0x1a2: {  	v16 =	vshrl.u32 v3, $0x3  }
0x1a3: {  	v4 =	vmul.u32 $0x30, v16  }
0x1a4: {  	v3 =	vand.u32 $0x7, v3  }
0x1a5: {  	v3 =	vor.u32 v3, v4  }
0x1a6: {  	v4 =	vperm.xlane v3, v0;
	_ =	sdelay $0x1  }
0x1a7: {  	v4 =	vadd.s32 v1, v4;
	_ =	sdelay $0x3  }
0x1a8: {  	s25 =	simm.s32 $0x1000;
	v3 =	vperm.xlane v3, v2  }
0x1a9: {  	[hbm4b:s4+s2] =	stream.indirect_vreg.scatter [tilespmem:s25], [sflag:$0x5], $0x80, v4, vm0, $0xb8;
	[tilespmem:$0x19000] =	vst v63  }
0x1aa: {  	v3 =	vadd.s32 v1, v3  }
0x1ab: {  	[hbm4b:s21+s2] =	stream.indirect_vreg.scatter [tilespmem:s10], [sflag:$0x5], $0x80, v4, vm0, $0xb8;
	[tilespmem:$0x19000] =	vst v63  }
0x1ac: {  	_ = 	snop  }
0x1ad: {  	[hbm4b:s22+s2] =	stream.indirect_vreg.scatter [tilespmem:s1], [sflag:$0x5], $0x80, v4, vm0, $0xb8;
	[tilespmem:$0x19000] =	vst v63  }
0x1ae: {  	_ = 	snop  }
0x1af: {  	[hbm4b:s4+s2] =	stream.indirect_vreg.scatter [tilespmem:s3], [sflag:$0x5], $0x80, v3, vm0, $0xb8;
	[tilespmem:$0x19000] =	vst v63  }
0x1b0: {  	_ = 	snop  }
0x1b1: {  	[hbm4b:s21+s2] =	stream.indirect_vreg.scatter [tilespmem:s5], [sflag:$0x5], $0x80, v3, vm0, $0xb8;
	[tilespmem:$0x19000] =	vst v63  }
0x1b2: {  	s10 =	simm.s32 $0x3800  }
0x1b3: {  	[hbm4b:s22+s2] =	stream.indirect_vreg.scatter [tilespmem:s10], [sflag:$0x5], $0x80, v3, vm0, $0xb8;
	[tilespmem:$0x19000] =	vst v63  }
0x1b4: {  	v3 =	vld [tilespmem:$0x410];
	_ =	sdelay $0x4  }
0x1b5: {  	v17 =	vshrl.u32 v3, $0x3  }
0x1b6: {  	v4 =	vmul.u32 $0x30, v17  }
0x1b7: {  	v3 =	vand.u32 $0x7, v3  }
0x1b8: {  	v3 =	vor.u32 v3, v4  }
0x1b9: {  	v4 =	vperm.xlane v3, v0;
	_ =	sdelay $0x1  }
0x1ba: {  	v4 =	vadd.s32 v1, v4;
	_ =	sdelay $0x3  }
0x1bb: {  	s3 =	simm.s32 $0x4000;
	v3 =	vperm.xlane v3, v2  }
0x1bc: {  	[hbm4b:s4+s2] =	stream.indirect_vreg.scatter [tilespmem:s3], [sflag:$0x5], $0x80, v4, vm0, $0xb8;
	[tilespmem:$0x19000] =	vst v63  }
0x1bd: {  	v3 =	vadd.s32 v1, v3  }
0x1be: {  	[hbm4b:s21+s2] =	stream.indirect_vreg.scatter [tilespmem:s9], [sflag:$0x5], $0x80, v4, vm0, $0xb8;
	[tilespmem:$0x19000] =	vst v63  }
0x1bf: {  	_ = 	snop  }
0x1c0: {  	[hbm4b:s22+s2] =	stream.indirect_vreg.scatter [tilespmem:s12], [sflag:$0x5], $0x80, v4, vm0, $0xb8;
	[tilespmem:$0x19000] =	vst v63  }
0x1c1: {  	_ = 	snop  }
0x1c2: {  	[hbm4b:s4+s2] =	stream.indirect_vreg.scatter [tilespmem:s15], [sflag:$0x5], $0x80, v3, vm0, $0xb8;
	[tilespmem:$0x19000] =	vst v63  }
0x1c3: {  	_ = 	snop  }
0x1c4: {  	[hbm4b:s21+s2] =	stream.indirect_vreg.scatter [tilespmem:s16], [sflag:$0x5], $0x80, v3, vm0, $0xb8;
	[tilespmem:$0x19000] =	vst v63  }
0x1c5: {  	s5 =	simm.s32 $0x6800  }
0x1c6: {  	[hbm4b:s22+s2] =	stream.indirect_vreg.scatter [tilespmem:s5], [sflag:$0x5], $0x80, v3, vm0, $0xb8;
	[tilespmem:$0x19000] =	vst v63  }
0x1c7: {  	_ =	swait.ge [sflag:s23], $0x6000  }
0x1c8: {  	[sflag:s23] =	ssyncset.done $0x0  }
0x1c9: {  	s16 =	rddreg [dreg:$0x10];
	[sflag:s23] =	ssyncadd.s32 $0xFFFFA000  }
0x1ca: {  	[tilespmem:s25], [sflag:$0x1] =	stream.linear.gather [hbm4b:s16+s2], $0x6000, $0x38;
	[tilespmem:$0x19000] =	vst v63  }
0x1cb: {  	_ =	swait.ge [sflag:s24], $0x6000  }
0x1cc: {  	[sflag:s24] =	ssyncset.done $0x0  }
0x1cd: {  	[sflag:s24] =	ssyncadd.s32 $0xFFFFA000  }
0x1ce: {  	v3 =	vld [tilespmem:$0x480];
	_ =	sdelay $0x4  }
0x1cf: {  	v18 =	vshrl.u32 v3, $0x3  }
0x1d0: {  	v4 =	vmul.u32 $0x30, v18  }
0x1d1: {  	v3 =	vand.u32 $0x7, v3  }
0x1d2: {  	v3 =	vor.u32 v3, v4  }
0x1d3: {  	v4 =	vperm.xlane v3, v0;
	_ =	sdelay $0x1  }
0x1d4: {  	v4 =	vadd.s32 v1, v4;
	_ =	sdelay $0x3  }
0x1d5: {  	s25 =	simm.s32 $0x7000;
	v3 =	vperm.xlane v3, v2  }
0x1d6: {  	[hbm4b:s4+s2] =	stream.indirect_vreg.scatter [tilespmem:s25], [sflag:$0x6], $0x80, v4, vm0, $0xb8;
	[tilespmem:$0x19000] =	vst v63  }
0x1d7: {  	v3 =	vadd.s32 v1, v3  }
0x1d8: {  	[hbm4b:s21+s2] =	stream.indirect_vreg.scatter [tilespmem:s17], [sflag:$0x6], $0x80, v4, vm0, $0xb8;
	[tilespmem:$0x19000] =	vst v63  }
0x1d9: {  	_ = 	snop  }
0x1da: {  	[hbm4b:s22+s2] =	stream.indirect_vreg.scatter [tilespmem:s18], [sflag:$0x6], $0x80, v4, vm0, $0xb8;
	[tilespmem:$0x19000] =	vst v63  }
0x1db: {  	_ = 	snop  }
0x1dc: {  	[hbm4b:s4+s2] =	stream.indirect_vreg.scatter [tilespmem:s19], [sflag:$0x6], $0x80, v3, vm0, $0xb8;
	[tilespmem:$0x19000] =	vst v63  }
0x1dd: {  	_ = 	snop  }
0x1de: {  	[hbm4b:s21+s2] =	stream.indirect_vreg.scatter [tilespmem:s26], [sflag:$0x6], $0x80, v3, vm0, $0xb8;
	[tilespmem:$0x19000] =	vst v63  }
0x1df: {  	s1 =	simm.s32 $0x9800  }
0x1e0: {  	[hbm4b:s22+s2] =	stream.indirect_vreg.scatter [tilespmem:s1], [sflag:$0x6], $0x80, v3, vm0, $0xb8;
	[tilespmem:$0x19000] =	vst v63  }
0x1e1: {  	v3 =	vld [tilespmem:$0x490];
	_ =	sdelay $0x4  }
0x1e2: {  	v19 =	vshrl.u32 v3, $0x3  }
0x1e3: {  	v4 =	vmul.u32 $0x30, v19  }
0x1e4: {  	v3 =	vand.u32 $0x7, v3  }
0x1e5: {  	v3 =	vor.u32 v3, v4  }
0x1e6: {  	v4 =	vperm.xlane v3, v0;
	_ =	sdelay $0x1  }
0x1e7: {  	v4 =	vadd.s32 v1, v4;
	_ =	sdelay $0x3  }
0x1e8: {  	s9 =	simm.s32 $0xA000;
	v3 =	vperm.xlane v3, v2  }
0x1e9: {  	[hbm4b:s4+s2] =	stream.indirect_vreg.scatter [tilespmem:s9], [sflag:$0x6], $0x80, v4, vm0, $0xb8;
	[tilespmem:$0x19000] =	vst v63  }
0x1ea: {  	v3 =	vadd.s32 v1, v3  }
0x1eb: {  	[hbm4b:s21+s2] =	stream.indirect_vreg.scatter [tilespmem:s28], [sflag:$0x6], $0x80, v4, vm0, $0xb8;
	[tilespmem:$0x19000] =	vst v63  }
0x1ec: {  	_ = 	snop  }
0x1ed: {  	[hbm4b:s22+s2] =	stream.indirect_vreg.scatter [tilespmem:s31], [sflag:$0x6], $0x80, v4, vm0, $0xb8;
	[tilespmem:$0x19000] =	vst v63  }
0x1ee: {  	_ = 	snop  }
0x1ef: {  	[hbm4b:s4+s2] =	stream.indirect_vreg.scatter [tilespmem:s6], [sflag:$0x6], $0x80, v3, vm0, $0xb8;
	[tilespmem:$0x19000] =	vst v63  }
0x1f0: {  	_ = 	snop  }
0x1f1: {  	[hbm4b:s21+s2] =	stream.indirect_vreg.scatter [tilespmem:s7], [sflag:$0x6], $0x80, v3, vm0, $0xb8;
	[tilespmem:$0x19000] =	vst v63  }
0x1f2: {  	_ = 	snop  }
0x1f3: {  	[hbm4b:s22+s2] =	stream.indirect_vreg.scatter [tilespmem:s8], [sflag:$0x6], $0x80, v3, vm0, $0xb8;
	[tilespmem:$0x19000] =	vst v63  }
0x1f4: {  	_ =	swait.ge [sflag:s13], $0x6000  }
0x1f5: {  	[sflag:s13] =	ssyncset.done $0x0  }
0x1f6: {  	s15 =	rddreg [dreg:$0x11];
	[sflag:s13] =	ssyncadd.s32 $0xFFFFA000  }
0x1f7: {  	[tilespmem:s25], [sflag:$0x2] =	stream.linear.gather [hbm4b:s15+s2], $0x6000, $0x38;
	[tilespmem:$0x19000] =	vst v63  }
0x1f8: {  	_ =	swait.ge [sflag:s14], $0x6000  }
0x1f9: {  	[sflag:s14] =	ssyncset.done $0x0  }
0x1fa: {  	[sflag:s14] =	ssyncadd.s32 $0xFFFFA000  }
0x1fb: {  	v3 =	vld [tilespmem:$0x500];
	_ =	sdelay $0x4  }
0x1fc: {  	v20 =	vshrl.u32 v3, $0x3  }
0x1fd: {  	v4 =	vmul.u32 $0x30, v20  }
0x1fe: {  	v3 =	vand.u32 $0x7, v3  }
0x1ff: {  	v3 =	vor.u32 v3, v4  }
0x200: {  	v4 =	vperm.xlane v3, v0;
	_ =	sdelay $0x1  }
0x201: {  	v4 =	vadd.s32 v1, v4;
	_ =	sdelay $0x3  }
0x202: {  	s6 =	simm.s32 $0xD000;
	v3 =	vperm.xlane v3, v2  }
0x203: {  	[hbm4b:s4+s2] =	stream.indirect_vreg.scatter [tilespmem:s6], [sflag:$0x7], $0x80, v4, vm0, $0xb8;
	[tilespmem:$0x19000] =	vst v63  }
0x204: {  	s16 =	simm.s32 $0xD800;
	v3 =	vadd.s32 v1, v3  }
0x205: {  	[hbm4b:s21+s2] =	stream.indirect_vreg.scatter [tilespmem:s16], [sflag:$0x7], $0x80, v4, vm0, $0xb8;
	[tilespmem:$0x19000] =	vst v63  }
0x206: {  	s17 =	simm.s32 $0xE000  }
0x207: {  	[hbm4b:s22+s2] =	stream.indirect_vreg.scatter [tilespmem:s17], [sflag:$0x7], $0x80, v4, vm0, $0xb8;
	[tilespmem:$0x19000] =	vst v63  }
0x208: {  	s18 =	simm.s32 $0xE800  }
0x209: {  	[hbm4b:s4+s2] =	stream.indirect_vreg.scatter [tilespmem:s18], [sflag:$0x7], $0x80, v3, vm0, $0xb8;
	[tilespmem:$0x19000] =	vst v63  }
0x20a: {  	s19 =	simm.s32 $0xF000  }
0x20b: {  	[hbm4b:s21+s2] =	stream.indirect_vreg.scatter [tilespmem:s19], [sflag:$0x7], $0x80, v3, vm0, $0xb8;
	[tilespmem:$0x19000] =	vst v63  }
0x20c: {  	s25 =	simm.s32 $0xF800  }
0x20d: {  	[hbm4b:s22+s2] =	stream.indirect_vreg.scatter [tilespmem:s25], [sflag:$0x7], $0x80, v3, vm0, $0xb8;
	[tilespmem:$0x19000] =	vst v63  }
0x20e: {  	v3 =	vld [tilespmem:$0x510];
	_ =	sdelay $0x4  }
0x20f: {  	v21 =	vshrl.u32 v3, $0x3  }
0x210: {  	v4 =	vmul.u32 $0x30, v21  }
0x211: {  	v3 =	vand.u32 $0x7, v3  }
0x212: {  	v3 =	vor.u32 v3, v4  }
0x213: {  	v4 =	vperm.xlane v3, v0;
	_ =	sdelay $0x1  }
0x214: {  	v4 =	vadd.s32 v1, v4;
	_ =	sdelay $0x3  }
0x215: {  	s26 =	simm.s32 $0x10000;
	v3 =	vperm.xlane v3, v2  }
0x216: {  	[hbm4b:s4+s2] =	stream.indirect_vreg.scatter [tilespmem:s26], [sflag:$0x7], $0x80, v4, vm0, $0xb8;
	[tilespmem:$0x19000] =	vst v63  }
0x217: {  	s28 =	simm.s32 $0x10800;
	v3 =	vadd.s32 v1, v3  }
0x218: {  	[hbm4b:s21+s2] =	stream.indirect_vreg.scatter [tilespmem:s28], [sflag:$0x7], $0x80, v4, vm0, $0xb8;
	[tilespmem:$0x19000] =	vst v63  }
0x219: {  	s31 =	simm.s32 $0x11000  }
0x21a: {  	[hbm4b:s22+s2] =	stream.indirect_vreg.scatter [tilespmem:s31], [sflag:$0x7], $0x80, v4, vm0, $0xb8;
	[tilespmem:$0x19000] =	vst v63  }
0x21b: {  	s8 =	simm.s32 $0x11800  }
0x21c: {  	[hbm4b:s4+s2] =	stream.indirect_vreg.scatter [tilespmem:s8], [sflag:$0x7], $0x80, v3, vm0, $0xb8;
	[tilespmem:$0x19000] =	vst v63  }
0x21d: {  	s12 =	simm.s32 $0x12000  }
0x21e: {  	[hbm4b:s21+s2] =	stream.indirect_vreg.scatter [tilespmem:s12], [sflag:$0x7], $0x80, v3, vm0, $0xb8;
	[tilespmem:$0x19000] =	vst v63  }
0x21f: {  	s15 =	simm.s32 $0x12800  }
0x220: {  	[hbm4b:s22+s2] =	stream.indirect_vreg.scatter [tilespmem:s15], [sflag:$0x7], $0x80, v3, vm0, $0xb8;
	[tilespmem:$0x19000] =	vst v63  }
0x221: {  	_ =	swait.ge [sflag:s29], $0x6000  }
0x222: {  	[sflag:s29] =	ssyncset.done $0x0  }
0x223: {  	s16 =	rddreg [dreg:$0x12];
	[sflag:s29] =	ssyncadd.s32 $0xFFFFA000  }
0x224: {  	[tilespmem:s6], [sflag:$0x3] =	stream.linear.gather [hbm4b:s16+s2], $0x6000, $0x38;
	[tilespmem:$0x19000] =	vst v63  }
0x225: {  	_ =	swait.ge [sflag:s30], $0x6000  }
0x226: {  	[sflag:s30] =	ssyncset.done $0x0  }
0x227: {  	[sflag:s30] =	ssyncadd.s32 $0xFFFFA000  }
0x228: {  	v3 =	vld [tilespmem:$0x580];
	_ =	sdelay $0x4  }
0x229: {  	v22 =	vshrl.u32 v3, $0x3  }
0x22a: {  	v4 =	vmul.u32 $0x30, v22  }
0x22b: {  	v3 =	vand.u32 $0x7, v3  }
0x22c: {  	v3 =	vor.u32 v3, v4  }
0x22d: {  	v4 =	vperm.xlane v3, v0;
	_ =	sdelay $0x1  }
0x22e: {  	v4 =	vadd.s32 v1, v4;
	_ =	sdelay $0x3  }
0x22f: {  	s6 =	simm.s32 $0x13000;
	v3 =	vperm.xlane v3, v2  }
0x230: {  	[hbm4b:s4+s2] =	stream.indirect_vreg.scatter [tilespmem:s6], [sflag:$0x8], $0x80, v4, vm0, $0xb8;
	[tilespmem:$0x19000] =	vst v63  }
0x231: {  	s17 =	simm.s32 $0x13800;
	v3 =	vadd.s32 v1, v3  }
0x232: {  	[hbm4b:s21+s2] =	stream.indirect_vreg.scatter [tilespmem:s17], [sflag:$0x8], $0x80, v4, vm0, $0xb8;
	[tilespmem:$0x19000] =	vst v63  }
0x233: {  	s18 =	simm.s32 $0x14000  }
0x234: {  	[hbm4b:s22+s2] =	stream.indirect_vreg.scatter [tilespmem:s18], [sflag:$0x8], $0x80, v4, vm0, $0xb8;
	[tilespmem:$0x19000] =	vst v63  }
0x235: {  	s19 =	simm.s32 $0x14800  }
0x236: {  	[hbm4b:s4+s2] =	stream.indirect_vreg.scatter [tilespmem:s19], [sflag:$0x8], $0x80, v3, vm0, $0xb8;
	[tilespmem:$0x19000] =	vst v63  }
0x237: {  	s25 =	simm.s32 $0x15000  }
0x238: {  	[hbm4b:s21+s2] =	stream.indirect_vreg.scatter [tilespmem:s25], [sflag:$0x8], $0x80, v3, vm0, $0xb8;
	[tilespmem:$0x19000] =	vst v63  }
0x239: {  	s26 =	simm.s32 $0x15800  }
0x23a: {  	[hbm4b:s22+s2] =	stream.indirect_vreg.scatter [tilespmem:s26], [sflag:$0x8], $0x80, v3, vm0, $0xb8;
	[tilespmem:$0x19000] =	vst v63  }
0x23b: {  	v3 =	vld [tilespmem:$0x590];
	_ =	sdelay $0x4  }
0x23c: {  	v23 =	vshrl.u32 v3, $0x3  }
0x23d: {  	v4 =	vmul.u32 $0x30, v23  }
0x23e: {  	v3 =	vand.u32 $0x7, v3  }
0x23f: {  	v3 =	vor.u32 v3, v4  }
0x240: {  	v4 =	vperm.xlane v3, v0;
	_ =	sdelay $0x1  }
0x241: {  	v4 =	vadd.s32 v1, v4;
	_ =	sdelay $0x3  }
0x242: {  	s28 =	simm.s32 $0x16000;
	v3 =	vperm.xlane v3, v2  }
0x243: {  	[hbm4b:s4+s2] =	stream.indirect_vreg.scatter [tilespmem:s28], [sflag:$0x8], $0x80, v4, vm0, $0xb8;
	[tilespmem:$0x19000] =	vst v63  }
0x244: {  	s31 =	simm.s32 $0x16800;
	v3 =	vadd.s32 v1, v3  }
0x245: {  	[hbm4b:s21+s2] =	stream.indirect_vreg.scatter [tilespmem:s31], [sflag:$0x8], $0x80, v4, vm0, $0xb8;
	[tilespmem:$0x19000] =	vst v63  }
0x246: {  	s8 =	simm.s32 $0x17000  }
0x247: {  	[hbm4b:s22+s2] =	stream.indirect_vreg.scatter [tilespmem:s8], [sflag:$0x8], $0x80, v4, vm0, $0xb8;
	[tilespmem:$0x19000] =	vst v63  }
0x248: {  	s12 =	simm.s32 $0x17800  }
0x249: {  	[hbm4b:s4+s2] =	stream.indirect_vreg.scatter [tilespmem:s12], [sflag:$0x8], $0x80, v3, vm0, $0xb8;
	[tilespmem:$0x19000] =	vst v63  }
0x24a: {  	s15 =	simm.s32 $0x18000  }
0x24b: {  	[hbm4b:s21+s2] =	stream.indirect_vreg.scatter [tilespmem:s15], [sflag:$0x8], $0x80, v3, vm0, $0xb8;
	[tilespmem:$0x19000] =	vst v63  }
0x24c: {  	s16 =	simm.s32 $0x18800  }
0x24d: {  	[hbm4b:s22+s2] =	stream.indirect_vreg.scatter [tilespmem:s16], [sflag:$0x8], $0x80, v3, vm0, $0xb8;
	[tilespmem:$0x19000] =	vst v63  }
0x24e: {  	_ =	swait.ge [sflag:s20], $0x6000  }
0x24f: {  	[sflag:s20] =	ssyncset.done $0x0  }
0x250: {  	s17 =	rddreg [dreg:$0x13];
	[sflag:s20] =	ssyncadd.s32 $0xFFFFA000  }
0x251: {  	[tilespmem:s6], [sflag:$0x4] =	stream.linear.gather [hbm4b:s17+s2], $0x6000, $0x38;
	[tilespmem:$0x19000] =	vst v63  }
0x252: {  	_ =	swait.ge [sflag:s11], $0x6000  }
0x253: {  	[sflag:s11] =	ssyncset.done $0x0  }
0x254: {  	[sflag:s11] =	ssyncadd.s32 $0xFFFFA000  }
0x255: {  	v3 =	vld [tilespmem:$0x600];
	_ =	sdelay $0x4  }
0x256: {  	v24 =	vshrl.u32 v3, $0x3  }
0x257: {  	v4 =	vmul.u32 $0x30, v24  }
0x258: {  	v3 =	vand.u32 $0x7, v3  }
0x259: {  	v3 =	vor.u32 v3, v4  }
0x25a: {  	v4 =	vperm.xlane v3, v0;
	_ =	sdelay $0x1  }
0x25b: {  	v4 =	vadd.s32 v1, v4;
	_ =	sdelay $0x3  }
0x25c: {  	s18 =	simm.s32 $0x1000;
	v3 =	vperm.xlane v3, v2  }
0x25d: {  	[hbm4b:s4+s2] =	stream.indirect_vreg.scatter [tilespmem:s18], [sflag:$0x5], $0x80, v4, vm0, $0xb8;
	[tilespmem:$0x19000] =	vst v63  }
0x25e: {  	s31 =	simm.s32 $0x1800;
	v3 =	vadd.s32 v1, v3  }
0x25f: {  	[hbm4b:s21+s2] =	stream.indirect_vreg.scatter [tilespmem:s31], [sflag:$0x5], $0x80, v4, vm0, $0xb8;
	[tilespmem:$0x19000] =	vst v63  }
0x260: {  	s6 =	simm.s32 $0x2000  }
0x261: {  	[hbm4b:s22+s2] =	stream.indirect_vreg.scatter [tilespmem:s6], [sflag:$0x5], $0x80, v4, vm0, $0xb8;
	[tilespmem:$0x19000] =	vst v63  }
0x262: {  	s7 =	simm.s32 $0x2800  }
0x263: {  	[hbm4b:s4+s2] =	stream.indirect_vreg.scatter [tilespmem:s7], [sflag:$0x5], $0x80, v3, vm0, $0xb8;
	[tilespmem:$0x19000] =	vst v63  }
0x264: {  	s8 =	simm.s32 $0x3000  }
0x265: {  	[hbm4b:s21+s2] =	stream.indirect_vreg.scatter [tilespmem:s8], [sflag:$0x5], $0x80, v3, vm0, $0xb8;
	[tilespmem:$0x19000] =	vst v63  }
0x266: {  	_ = 	snop  }
0x267: {  	[hbm4b:s22+s2] =	stream.indirect_vreg.scatter [tilespmem:s10], [sflag:$0x5], $0x80, v3, vm0, $0xb8;
	[tilespmem:$0x19000] =	vst v63  }
0x268: {  	v3 =	vld [tilespmem:$0x610];
	_ =	sdelay $0x4  }
0x269: {  	v25 =	vshrl.u32 v3, $0x3  }
0x26a: {  	v4 =	vmul.u32 $0x30, v25  }
0x26b: {  	v3 =	vand.u32 $0x7, v3  }
0x26c: {  	v3 =	vor.u32 v3, v4  }
0x26d: {  	v4 =	vperm.xlane v3, v0;
	_ =	sdelay $0x1  }
0x26e: {  	v4 =	vadd.s32 v1, v4;
	_ =	sdelay $0x3  }
0x26f: {  	v3 =	vperm.xlane v3, v2  }
0x270: {  	[hbm4b:s4+s2] =	stream.indirect_vreg.scatter [tilespmem:s3], [sflag:$0x5], $0x80, v4, vm0, $0xb8;
	[tilespmem:$0x19000] =	vst v63  }
0x271: {  	v3 =	vadd.s32 v1, v3;
	s3 =	simm.s32 $0x4800  }
0x272: {  	[hbm4b:s21+s2] =	stream.indirect_vreg.scatter [tilespmem:s3], [sflag:$0x5], $0x80, v4, vm0, $0xb8;
	[tilespmem:$0x19000] =	vst v63  }
0x273: {  	s10 =	simm.s32 $0x5000  }
0x274: {  	[hbm4b:s22+s2] =	stream.indirect_vreg.scatter [tilespmem:s10], [sflag:$0x5], $0x80, v4, vm0, $0xb8;
	[tilespmem:$0x19000] =	vst v63  }
0x275: {  	s12 =	simm.s32 $0x5800  }
0x276: {  	[hbm4b:s4+s2] =	stream.indirect_vreg.scatter [tilespmem:s12], [sflag:$0x5], $0x80, v3, vm0, $0xb8;
	[tilespmem:$0x19000] =	vst v63  }
0x277: {  	s15 =	simm.s32 $0x6000  }
0x278: {  	[hbm4b:s21+s2] =	stream.indirect_vreg.scatter [tilespmem:s15], [sflag:$0x5], $0x80, v3, vm0, $0xb8;
	[tilespmem:$0x19000] =	vst v63  }
0x279: {  	_ = 	snop  }
0x27a: {  	[hbm4b:s22+s2] =	stream.indirect_vreg.scatter [tilespmem:s5], [sflag:$0x5], $0x80, v3, vm0, $0xb8;
	[tilespmem:$0x19000] =	vst v63  }
0x27b: {  	_ =	swait.ge [sflag:s23], $0x6000  }
0x27c: {  	[sflag:s23] =	ssyncset.done $0x0  }
0x27d: {  	s19 =	rddreg [dreg:$0x14];
	[sflag:s23] =	ssyncadd.s32 $0xFFFFA000  }
0x27e: {  	[tilespmem:s18], [sflag:$0x1] =	stream.linear.gather [hbm4b:s19+s2], $0x6000, $0x38;
	[tilespmem:$0x19000] =	vst v63  }
0x27f: {  	_ =	swait.ge [sflag:s24], $0x6000  }
0x280: {  	[sflag:s24] =	ssyncset.done $0x0  }
0x281: {  	[sflag:s24] =	ssyncadd.s32 $0xFFFFA000  }
0x282: {  	v3 =	vld [tilespmem:$0x680];
	_ =	sdelay $0x4  }
0x283: {  	v26 =	vshrl.u32 v3, $0x3  }
0x284: {  	v4 =	vmul.u32 $0x30, v26  }
0x285: {  	v3 =	vand.u32 $0x7, v3  }
0x286: {  	v3 =	vor.u32 v3, v4  }
0x287: {  	v4 =	vperm.xlane v3, v0;
	_ =	sdelay $0x1  }
0x288: {  	v4 =	vadd.s32 v1, v4;
	_ =	sdelay $0x3  }
0x289: {  	s25 =	simm.s32 $0x7000;
	v3 =	vperm.xlane v3, v2  }
0x28a: {  	[hbm4b:s4+s2] =	stream.indirect_vreg.scatter [tilespmem:s25], [sflag:$0x6], $0x80, v4, vm0, $0xb8;
	[tilespmem:$0x19000] =	vst v63  }
0x28b: {  	s5 =	simm.s32 $0x7800;
	v3 =	vadd.s32 v1, v3  }
0x28c: {  	[hbm4b:s21+s2] =	stream.indirect_vreg.scatter [tilespmem:s5], [sflag:$0x6], $0x80, v4, vm0, $0xb8;
	[tilespmem:$0x19000] =	vst v63  }
0x28d: {  	s16 =	simm.s32 $0x8000  }
0x28e: {  	[hbm4b:s22+s2] =	stream.indirect_vreg.scatter [tilespmem:s16], [sflag:$0x6], $0x80, v4, vm0, $0xb8;
	[tilespmem:$0x19000] =	vst v63  }
0x28f: {  	s17 =	simm.s32 $0x8800  }
0x290: {  	[hbm4b:s4+s2] =	stream.indirect_vreg.scatter [tilespmem:s17], [sflag:$0x6], $0x80, v3, vm0, $0xb8;
	[tilespmem:$0x19000] =	vst v63  }
0x291: {  	s18 =	simm.s32 $0x9000  }
0x292: {  	[hbm4b:s21+s2] =	stream.indirect_vreg.scatter [tilespmem:s18], [sflag:$0x6], $0x80, v3, vm0, $0xb8;
	[tilespmem:$0x19000] =	vst v63  }
0x293: {  	_ = 	snop  }
0x294: {  	[hbm4b:s22+s2] =	stream.indirect_vreg.scatter [tilespmem:s1], [sflag:$0x6], $0x80, v3, vm0, $0xb8;
	[tilespmem:$0x19000] =	vst v63  }
0x295: {  	v3 =	vld [tilespmem:$0x690];
	_ =	sdelay $0x4  }
0x296: {  	v27 =	vshrl.u32 v3, $0x3  }
0x297: {  	v4 =	vmul.u32 $0x30, v27  }
0x298: {  	v3 =	vand.u32 $0x7, v3  }
0x299: {  	v3 =	vor.u32 v3, v4  }
0x29a: {  	v4 =	vperm.xlane v3, v0;
	_ =	sdelay $0x1  }
0x29b: {  	v4 =	vadd.s32 v1, v4;
	_ =	sdelay $0x3  }
0x29c: {  	v3 =	vperm.xlane v3, v2  }
0x29d: {  	[hbm4b:s4+s2] =	stream.indirect_vreg.scatter [tilespmem:s9], [sflag:$0x6], $0x80, v4, vm0, $0xb8;
	[tilespmem:$0x19000] =	vst v63  }
0x29e: {  	s28 =	simm.s32 $0xA800;
	v3 =	vadd.s32 v1, v3  }
0x29f: {  	[hbm4b:s21+s2] =	stream.indirect_vreg.scatter [tilespmem:s28], [sflag:$0x6], $0x80, v4, vm0, $0xb8;
	[tilespmem:$0x19000] =	vst v63  }
0x2a0: {  	s9 =	simm.s32 $0xB000  }
0x2a1: {  	[hbm4b:s22+s2] =	stream.indirect_vreg.scatter [tilespmem:s9], [sflag:$0x6], $0x80, v4, vm0, $0xb8;
	[tilespmem:$0x19000] =	vst v63  }
0x2a2: {  	s0 =	simm.s32 $0xB800  }
0x2a3: {  	[hbm4b:s4+s2] =	stream.indirect_vreg.scatter [tilespmem:s0], [sflag:$0x6], $0x80, v3, vm0, $0xb8;
	[tilespmem:$0x19000] =	vst v63  }
0x2a4: {  	s1 =	simm.s32 $0xC000  }
0x2a5: {  	[hbm4b:s21+s2] =	stream.indirect_vreg.scatter [tilespmem:s1], [sflag:$0x6], $0x80, v3, vm0, $0xb8;
	[tilespmem:$0x19000] =	vst v63  }
0x2a6: {  	s19 =	simm.s32 $0xC800  }
0x2a7: {  	[hbm4b:s22+s2] =	stream.indirect_vreg.scatter [tilespmem:s19], [sflag:$0x6], $0x80, v3, vm0, $0xb8;
	[tilespmem:$0x19000] =	vst v63  }
0x2a8: {  	_ =	swait.ge [sflag:s13], $0x6000  }
0x2a9: {  	[sflag:s13] =	ssyncset.done $0x0  }
0x2aa: {  	s0 =	rddreg [dreg:$0x15];
	[sflag:s13] =	ssyncadd.s32 $0xFFFFA000  }
0x2ab: {  	[tilespmem:s25], [sflag:$0x2] =	stream.linear.gather [hbm4b:s0+s2], $0x6000, $0x38;
	[tilespmem:$0x19000] =	vst v63  }
0x2ac: {  	_ =	swait.ge [sflag:s14], $0x6000  }
0x2ad: {  	[sflag:s14] =	ssyncset.done $0x0  }
0x2ae: {  	[sflag:s14] =	ssyncadd.s32 $0xFFFFA000  }
0x2af: {  	v3 =	vld [tilespmem:$0x700];
	_ =	sdelay $0x4  }
0x2b0: {  	v28 =	vshrl.u32 v3, $0x3  }
0x2b1: {  	v4 =	vmul.u32 $0x30, v28  }
0x2b2: {  	v3 =	vand.u32 $0x7, v3  }
0x2b3: {  	v3 =	vor.u32 v3, v4  }
0x2b4: {  	v4 =	vperm.xlane v3, v0;
	_ =	sdelay $0x1  }
0x2b5: {  	v4 =	vadd.s32 v1, v4;
	_ =	sdelay $0x3  }
0x2b6: {  	s0 =	simm.s32 $0xD000;
	v3 =	vperm.xlane v3, v2  }
0x2b7: {  	[hbm4b:s4+s2] =	stream.indirect_vreg.scatter [tilespmem:s0], [sflag:$0x7], $0x80, v4, vm0, $0xb8;
	[tilespmem:$0x19000] =	vst v63  }
0x2b8: {  	s26 =	simm.s32 $0xD800;
	v3 =	vadd.s32 v1, v3  }
0x2b9: {  	[hbm4b:s21+s2] =	stream.indirect_vreg.scatter [tilespmem:s26], [sflag:$0x7], $0x80, v4, vm0, $0xb8;
	[tilespmem:$0x19000] =	vst v63  }
0x2ba: {  	s28 =	simm.s32 $0xE000  }
0x2bb: {  	[hbm4b:s22+s2] =	stream.indirect_vreg.scatter [tilespmem:s28], [sflag:$0x7], $0x80, v4, vm0, $0xb8;
	[tilespmem:$0x19000] =	vst v63  }
0x2bc: {  	s25 =	simm.s32 $0xE800  }
0x2bd: {  	[hbm4b:s4+s2] =	stream.indirect_vreg.scatter [tilespmem:s25], [sflag:$0x7], $0x80, v3, vm0, $0xb8;
	[tilespmem:$0x19000] =	vst v63  }
0x2be: {  	s25 =	simm.s32 $0xF000  }
0x2bf: {  	[hbm4b:s21+s2] =	stream.indirect_vreg.scatter [tilespmem:s25], [sflag:$0x7], $0x80, v3, vm0, $0xb8;
	[tilespmem:$0x19000] =	vst v63  }
0x2c0: {  	s25 =	simm.s32 $0xF800  }
0x2c1: {  	[hbm4b:s22+s2] =	stream.indirect_vreg.scatter [tilespmem:s25], [sflag:$0x7], $0x80, v3, vm0, $0xb8;
	[tilespmem:$0x19000] =	vst v63  }
0x2c2: {  	v3 =	vld [tilespmem:$0x710];
	_ =	sdelay $0x4  }
0x2c3: {  	v29 =	vshrl.u32 v3, $0x3  }
0x2c4: {  	v4 =	vmul.u32 $0x30, v29  }
0x2c5: {  	v3 =	vand.u32 $0x7, v3  }
0x2c6: {  	v3 =	vor.u32 v3, v4  }
0x2c7: {  	v4 =	vperm.xlane v3, v0;
	_ =	sdelay $0x1  }
0x2c8: {  	v4 =	vadd.s32 v1, v4;
	_ =	sdelay $0x3  }
0x2c9: {  	s25 =	simm.s32 $0x10000;
	v3 =	vperm.xlane v3, v2  }
0x2ca: {  	[hbm4b:s4+s2] =	stream.indirect_vreg.scatter [tilespmem:s25], [sflag:$0x7], $0x80, v4, vm0, $0xb8;
	[tilespmem:$0x19000] =	vst v63  }
0x2cb: {  	v3 =	vadd.s32 v1, v3;
	s25 =	simm.s32 $0x10800  }
0x2cc: {  	[hbm4b:s21+s2] =	stream.indirect_vreg.scatter [tilespmem:s25], [sflag:$0x7], $0x80, v4, vm0, $0xb8;
	[tilespmem:$0x19000] =	vst v63  }
0x2cd: {  	s25 =	simm.s32 $0x11000  }
0x2ce: {  	[hbm4b:s22+s2] =	stream.indirect_vreg.scatter [tilespmem:s25], [sflag:$0x7], $0x80, v4, vm0, $0xb8;
	[tilespmem:$0x19000] =	vst v63  }
0x2cf: {  	s25 =	simm.s32 $0x11800  }
0x2d0: {  	[hbm4b:s4+s2] =	stream.indirect_vreg.scatter [tilespmem:s25], [sflag:$0x7], $0x80, v3, vm0, $0xb8;
	[tilespmem:$0x19000] =	vst v63  }
0x2d1: {  	s25 =	simm.s32 $0x12000  }
0x2d2: {  	[hbm4b:s21+s2] =	stream.indirect_vreg.scatter [tilespmem:s25], [sflag:$0x7], $0x80, v3, vm0, $0xb8;
	[tilespmem:$0x19000] =	vst v63  }
0x2d3: {  	s25 =	simm.s32 $0x12800  }
0x2d4: {  	[hbm4b:s22+s2] =	stream.indirect_vreg.scatter [tilespmem:s25], [sflag:$0x7], $0x80, v3, vm0, $0xb8;
	[tilespmem:$0x19000] =	vst v63  }
0x2d5: {  	_ =	swait.ge [sflag:s29], $0x6000  }
0x2d6: {  	[sflag:s29] =	ssyncset.done $0x0  }
0x2d7: {  	s25 =	rddreg [dreg:$0x16];
	[sflag:s29] =	ssyncadd.s32 $0xFFFFA000  }
0x2d8: {  	[tilespmem:s0], [sflag:$0x3] =	stream.linear.gather [hbm4b:s25+s2], $0x6000, $0x38;
	[tilespmem:$0x19000] =	vst v63  }
0x2d9: {  	_ =	swait.ge [sflag:s30], $0x6000  }
0x2da: {  	[sflag:s30] =	ssyncset.done $0x0  }
0x2db: {  	[sflag:s30] =	ssyncadd.s32 $0xFFFFA000  }
0x2dc: {  	v3 =	vld [tilespmem:$0x780];
	_ =	sdelay $0x4  }
0x2dd: {  	v30 =	vshrl.u32 v3, $0x3  }
0x2de: {  	v4 =	vmul.u32 $0x30, v30  }
0x2df: {  	v3 =	vand.u32 $0x7, v3  }
0x2e0: {  	v3 =	vor.u32 v3, v4  }
0x2e1: {  	v4 =	vperm.xlane v3, v0;
	_ =	sdelay $0x1  }
0x2e2: {  	v4 =	vadd.s32 v1, v4;
	_ =	sdelay $0x3  }
0x2e3: {  	s0 =	simm.s32 $0x13000;
	v3 =	vperm.xlane v3, v2  }
0x2e4: {  	[hbm4b:s4+s2] =	stream.indirect_vreg.scatter [tilespmem:s0], [sflag:$0x8], $0x80, v4, vm0, $0xb8;
	[tilespmem:$0x19000] =	vst v63  }
0x2e5: {  	s25 =	simm.s32 $0x13800;
	v3 =	vadd.s32 v1, v3  }
0x2e6: {  	[hbm4b:s21+s2] =	stream.indirect_vreg.scatter [tilespmem:s25], [sflag:$0x8], $0x80, v4, vm0, $0xb8;
	[tilespmem:$0x19000] =	vst v63  }
0x2e7: {  	s25 =	simm.s32 $0x14000  }
0x2e8: {  	[hbm4b:s22+s2] =	stream.indirect_vreg.scatter [tilespmem:s25], [sflag:$0x8], $0x80, v4, vm0, $0xb8;
	[tilespmem:$0x19000] =	vst v63  }
0x2e9: {  	s25 =	simm.s32 $0x14800  }
0x2ea: {  	[hbm4b:s4+s2] =	stream.indirect_vreg.scatter [tilespmem:s25], [sflag:$0x8], $0x80, v3, vm0, $0xb8;
	[tilespmem:$0x19000] =	vst v63  }
0x2eb: {  	s25 =	simm.s32 $0x15000  }
0x2ec: {  	[hbm4b:s21+s2] =	stream.indirect_vreg.scatter [tilespmem:s25], [sflag:$0x8], $0x80, v3, vm0, $0xb8;
	[tilespmem:$0x19000] =	vst v63  }
0x2ed: {  	s25 =	simm.s32 $0x15800  }
0x2ee: {  	[hbm4b:s22+s2] =	stream.indirect_vreg.scatter [tilespmem:s25], [sflag:$0x8], $0x80, v3, vm0, $0xb8;
	[tilespmem:$0x19000] =	vst v63  }
0x2ef: {  	v3 =	vld [tilespmem:$0x790];
	_ =	sdelay $0x4  }
0x2f0: {  	v31 =	vshrl.u32 v3, $0x3  }
0x2f1: {  	v4 =	vmul.u32 $0x30, v31  }
0x2f2: {  	v3 =	vand.u32 $0x7, v3  }
0x2f3: {  	v3 =	vor.u32 v3, v4  }
0x2f4: {  	v4 =	vperm.xlane v3, v0;
	_ =	sdelay $0x1  }
0x2f5: {  	v4 =	vadd.s32 v1, v4;
	_ =	sdelay $0x3  }
0x2f6: {  	s25 =	simm.s32 $0x16000;
	v3 =	vperm.xlane v3, v2  }
0x2f7: {  	[hbm4b:s4+s2] =	stream.indirect_vreg.scatter [tilespmem:s25], [sflag:$0x8], $0x80, v4, vm0, $0xb8;
	[tilespmem:$0x19000] =	vst v63  }
0x2f8: {  	v3 =	vadd.s32 v1, v3;
	s25 =	simm.s32 $0x16800  }
0x2f9: {  	[hbm4b:s21+s2] =	stream.indirect_vreg.scatter [tilespmem:s25], [sflag:$0x8], $0x80, v4, vm0, $0xb8;
	[tilespmem:$0x19000] =	vst v63  }
0x2fa: {  	s25 =	simm.s32 $0x17000  }
0x2fb: {  	[hbm4b:s22+s2] =	stream.indirect_vreg.scatter [tilespmem:s25], [sflag:$0x8], $0x80, v4, vm0, $0xb8;
	[tilespmem:$0x19000] =	vst v63  }
0x2fc: {  	s25 =	simm.s32 $0x17800  }
0x2fd: {  	[hbm4b:s4+s2] =	stream.indirect_vreg.scatter [tilespmem:s25], [sflag:$0x8], $0x80, v3, vm0, $0xb8;
	[tilespmem:$0x19000] =	vst v63  }
0x2fe: {  	s25 =	simm.s32 $0x18000  }
0x2ff: {  	[hbm4b:s21+s2] =	stream.indirect_vreg.scatter [tilespmem:s25], [sflag:$0x8], $0x80, v3, vm0, $0xb8;
	[tilespmem:$0x19000] =	vst v63  }
0x300: {  	s25 =	simm.s32 $0x18800  }
0x301: {  	[hbm4b:s22+s2] =	stream.indirect_vreg.scatter [tilespmem:s25], [sflag:$0x8], $0x80, v3, vm0, $0xb8;
	[tilespmem:$0x19000] =	vst v63  }
0x302: {  	_ =	swait.ge [sflag:s20], $0x6000  }
0x303: {  	[sflag:s20] =	ssyncset.done $0x0  }
0x304: {  	s25 =	rddreg [dreg:$0x17];
	[sflag:s20] =	ssyncadd.s32 $0xFFFFA000  }
0x305: {  	[tilespmem:s0], [sflag:$0x4] =	stream.linear.gather [hbm4b:s25+s2], $0x6000, $0x38;
	[tilespmem:$0x19000] =	vst v63  }
0x306: {  	_ =	swait.ge [sflag:s11], $0x6000  }
0x307: {  	[sflag:s11] =	ssyncset.done $0x0  }
0x308: {  	[sflag:s11] =	ssyncadd.s32 $0xFFFFA000  }
0x309: {  	v3 =	vld [tilespmem:$0x800];
	_ =	sdelay $0x4  }
0x30a: {  	v32 =	vshrl.u32 v3, $0x3  }
0x30b: {  	v4 =	vmul.u32 $0x30, v32  }
0x30c: {  	v3 =	vand.u32 $0x7, v3  }
0x30d: {  	v3 =	vor.u32 v3, v4  }
0x30e: {  	v4 =	vperm.xlane v3, v0;
	_ =	sdelay $0x1  }
0x30f: {  	v4 =	vadd.s32 v1, v4;
	_ =	sdelay $0x3  }
0x310: {  	s25 =	simm.s32 $0x1000;
	v3 =	vperm.xlane v3, v2  }
0x311: {  	[hbm4b:s4+s2] =	stream.indirect_vreg.scatter [tilespmem:s25], [sflag:$0x5], $0x80, v4, vm0, $0xb8;
	[tilespmem:$0x19000] =	vst v63  }
0x312: {  	v3 =	vadd.s32 v1, v3  }
0x313: {  	[hbm4b:s21+s2] =	stream.indirect_vreg.scatter [tilespmem:s31], [sflag:$0x5], $0x80, v4, vm0, $0xb8;
	[tilespmem:$0x19000] =	vst v63  }
0x314: {  	_ = 	snop  }
0x315: {  	[hbm4b:s22+s2] =	stream.indirect_vreg.scatter [tilespmem:s6], [sflag:$0x5], $0x80, v4, vm0, $0xb8;
	[tilespmem:$0x19000] =	vst v63  }
0x316: {  	_ = 	snop  }
0x317: {  	[hbm4b:s4+s2] =	stream.indirect_vreg.scatter [tilespmem:s7], [sflag:$0x5], $0x80, v3, vm0, $0xb8;
	[tilespmem:$0x19000] =	vst v63  }
0x318: {  	_ = 	snop  }
0x319: {  	[hbm4b:s21+s2] =	stream.indirect_vreg.scatter [tilespmem:s8], [sflag:$0x5], $0x80, v3, vm0, $0xb8;
	[tilespmem:$0x19000] =	vst v63  }
0x31a: {  	s7 =	simm.s32 $0x3800  }
0x31b: {  	[hbm4b:s22+s2] =	stream.indirect_vreg.scatter [tilespmem:s7], [sflag:$0x5], $0x80, v3, vm0, $0xb8;
	[tilespmem:$0x19000] =	vst v63  }
0x31c: {  	v3 =	vld [tilespmem:$0x810];
	_ =	sdelay $0x4  }
0x31d: {  	v33 =	vshrl.u32 v3, $0x3  }
0x31e: {  	v4 =	vmul.u32 $0x30, v33  }
0x31f: {  	v3 =	vand.u32 $0x7, v3  }
0x320: {  	v3 =	vor.u32 v3, v4  }
0x321: {  	v4 =	vperm.xlane v3, v0;
	_ =	sdelay $0x1  }
0x322: {  	v4 =	vadd.s32 v1, v4;
	_ =	sdelay $0x3  }
0x323: {  	s8 =	simm.s32 $0x4000;
	v3 =	vperm.xlane v3, v2  }
0x324: {  	[hbm4b:s4+s2] =	stream.indirect_vreg.scatter [tilespmem:s8], [sflag:$0x5], $0x80, v4, vm0, $0xb8;
	[tilespmem:$0x19000] =	vst v63  }
0x325: {  	v3 =	vadd.s32 v1, v3  }
0x326: {  	[hbm4b:s21+s2] =	stream.indirect_vreg.scatter [tilespmem:s3], [sflag:$0x5], $0x80, v4, vm0, $0xb8;
	[tilespmem:$0x19000] =	vst v63  }
0x327: {  	_ = 	snop  }
0x328: {  	[hbm4b:s22+s2] =	stream.indirect_vreg.scatter [tilespmem:s10], [sflag:$0x5], $0x80, v4, vm0, $0xb8;
	[tilespmem:$0x19000] =	vst v63  }
0x329: {  	_ = 	snop  }
0x32a: {  	[hbm4b:s4+s2] =	stream.indirect_vreg.scatter [tilespmem:s12], [sflag:$0x5], $0x80, v3, vm0, $0xb8;
	[tilespmem:$0x19000] =	vst v63  }
0x32b: {  	_ = 	snop  }
0x32c: {  	[hbm4b:s21+s2] =	stream.indirect_vreg.scatter [tilespmem:s15], [sflag:$0x5], $0x80, v3, vm0, $0xb8;
	[tilespmem:$0x19000] =	vst v63  }
0x32d: {  	s3 =	simm.s32 $0x6800  }
0x32e: {  	[hbm4b:s22+s2] =	stream.indirect_vreg.scatter [tilespmem:s3], [sflag:$0x5], $0x80, v3, vm0, $0xb8;
	[tilespmem:$0x19000] =	vst v63  }
0x32f: {  	_ =	swait.ge [sflag:s23], $0x6000  }
0x330: {  	[sflag:s23] =	ssyncset.done $0x0  }
0x331: {  	s12 =	rddreg [dreg:$0x18];
	[sflag:s23] =	ssyncadd.s32 $0xFFFFA000  }
0x332: {  	[tilespmem:s25], [sflag:$0x1] =	stream.linear.gather [hbm4b:s12+s2], $0x6000, $0x38;
	[tilespmem:$0x19000] =	vst v63  }
0x333: {  	_ =	swait.ge [sflag:s24], $0x6000  }
0x334: {  	[sflag:s24] =	ssyncset.done $0x0  }
0x335: {  	[sflag:s24] =	ssyncadd.s32 $0xFFFFA000  }
0x336: {  	v3 =	vld [tilespmem:$0x880];
	_ =	sdelay $0x4  }
0x337: {  	v34 =	vshrl.u32 v3, $0x3  }
0x338: {  	v4 =	vmul.u32 $0x30, v34  }
0x339: {  	v3 =	vand.u32 $0x7, v3  }
0x33a: {  	v3 =	vor.u32 v3, v4  }
0x33b: {  	v4 =	vperm.xlane v3, v0;
	_ =	sdelay $0x1  }
0x33c: {  	v4 =	vadd.s32 v1, v4;
	_ =	sdelay $0x3  }
0x33d: {  	s15 =	simm.s32 $0x7000;
	v3 =	vperm.xlane v3, v2  }
0x33e: {  	[hbm4b:s4+s2] =	stream.indirect_vreg.scatter [tilespmem:s15], [sflag:$0x6], $0x80, v4, vm0, $0xb8;
	[tilespmem:$0x19000] =	vst v63  }
0x33f: {  	v3 =	vadd.s32 v1, v3  }
0x340: {  	[hbm4b:s21+s2] =	stream.indirect_vreg.scatter [tilespmem:s5], [sflag:$0x6], $0x80, v4, vm0, $0xb8;
	[tilespmem:$0x19000] =	vst v63  }
0x341: {  	_ = 	snop  }
0x342: {  	[hbm4b:s22+s2] =	stream.indirect_vreg.scatter [tilespmem:s16], [sflag:$0x6], $0x80, v4, vm0, $0xb8;
	[tilespmem:$0x19000] =	vst v63  }
0x343: {  	_ = 	snop  }
0x344: {  	[hbm4b:s4+s2] =	stream.indirect_vreg.scatter [tilespmem:s17], [sflag:$0x6], $0x80, v3, vm0, $0xb8;
	[tilespmem:$0x19000] =	vst v63  }
0x345: {  	_ = 	snop  }
0x346: {  	[hbm4b:s21+s2] =	stream.indirect_vreg.scatter [tilespmem:s18], [sflag:$0x6], $0x80, v3, vm0, $0xb8;
	[tilespmem:$0x19000] =	vst v63  }
0x347: {  	s5 =	simm.s32 $0x9800  }
0x348: {  	[hbm4b:s22+s2] =	stream.indirect_vreg.scatter [tilespmem:s5], [sflag:$0x6], $0x80, v3, vm0, $0xb8;
	[tilespmem:$0x19000] =	vst v63  }
0x349: {  	v3 =	vld [tilespmem:$0x890];
	_ =	sdelay $0x4  }
0x34a: {  	v35 =	vshrl.u32 v3, $0x3  }
0x34b: {  	v4 =	vmul.u32 $0x30, v35  }
0x34c: {  	v3 =	vand.u32 $0x7, v3  }
0x34d: {  	v3 =	vor.u32 v3, v4  }
0x34e: {  	v4 =	vperm.xlane v3, v0;
	_ =	sdelay $0x1  }
0x34f: {  	v4 =	vadd.s32 v1, v4;
	_ =	sdelay $0x3  }
0x350: {  	s0 =	simm.s32 $0xA000;
	v3 =	vperm.xlane v3, v2  }
0x351: {  	[hbm4b:s4+s2] =	stream.indirect_vreg.scatter [tilespmem:s0], [sflag:$0x6], $0x80, v4, vm0, $0xb8;
	[tilespmem:$0x19000] =	vst v63  }
0x352: {  	s18 =	simm.s32 $0xA800;
	v3 =	vadd.s32 v1, v3  }
0x353: {  	[hbm4b:s21+s2] =	stream.indirect_vreg.scatter [tilespmem:s18], [sflag:$0x6], $0x80, v4, vm0, $0xb8;
	[tilespmem:$0x19000] =	vst v63  }
0x354: {  	_ = 	snop  }
0x355: {  	[hbm4b:s22+s2] =	stream.indirect_vreg.scatter [tilespmem:s9], [sflag:$0x6], $0x80, v4, vm0, $0xb8;
	[tilespmem:$0x19000] =	vst v63  }
0x356: {  	s6 =	simm.s32 $0xB800  }
0x357: {  	[hbm4b:s4+s2] =	stream.indirect_vreg.scatter [tilespmem:s6], [sflag:$0x6], $0x80, v3, vm0, $0xb8;
	[tilespmem:$0x19000] =	vst v63  }
0x358: {  	_ = 	snop  }
0x359: {  	[hbm4b:s21+s2] =	stream.indirect_vreg.scatter [tilespmem:s1], [sflag:$0x6], $0x80, v3, vm0, $0xb8;
	[tilespmem:$0x19000] =	vst v63  }
0x35a: {  	_ = 	snop  }
0x35b: {  	[hbm4b:s22+s2] =	stream.indirect_vreg.scatter [tilespmem:s19], [sflag:$0x6], $0x80, v3, vm0, $0xb8;
	[tilespmem:$0x19000] =	vst v63  }
0x35c: {  	_ =	swait.ge [sflag:s13], $0x6000  }
0x35d: {  	[sflag:s13] =	ssyncset.done $0x0  }
0x35e: {  	s19 =	rddreg [dreg:$0x19];
	[sflag:s13] =	ssyncadd.s32 $0xFFFFA000  }
0x35f: {  	[tilespmem:s15], [sflag:$0x2] =	stream.linear.gather [hbm4b:s19+s2], $0x6000, $0x38;
	[tilespmem:$0x19000] =	vst v63  }
0x360: {  	_ =	swait.ge [sflag:s14], $0x6000  }
0x361: {  	[sflag:s14] =	ssyncset.done $0x0  }
0x362: {  	[sflag:s14] =	ssyncadd.s32 $0xFFFFA000  }
0x363: {  	v3 =	vld [tilespmem:$0x900];
	_ =	sdelay $0x4  }
0x364: {  	v36 =	vshrl.u32 v3, $0x3  }
0x365: {  	v4 =	vmul.u32 $0x30, v36  }
0x366: {  	v3 =	vand.u32 $0x7, v3  }
0x367: {  	v3 =	vor.u32 v3, v4  }
0x368: {  	v4 =	vperm.xlane v3, v0;
	_ =	sdelay $0x1  }
0x369: {  	v4 =	vadd.s32 v1, v4;
	_ =	sdelay $0x3  }
0x36a: {  	s25 =	simm.s32 $0xD000;
	v3 =	vperm.xlane v3, v2  }
0x36b: {  	[hbm4b:s4+s2] =	stream.indirect_vreg.scatter [tilespmem:s25], [sflag:$0x7], $0x80, v4, vm0, $0xb8;
	[tilespmem:$0x19000] =	vst v63  }
0x36c: {  	v3 =	vadd.s32 v1, v3  }
0x36d: {  	[hbm4b:s21+s2] =	stream.indirect_vreg.scatter [tilespmem:s26], [sflag:$0x7], $0x80, v4, vm0, $0xb8;
	[tilespmem:$0x19000] =	vst v63  }
0x36e: {  	_ = 	snop  }
0x36f: {  	[hbm4b:s22+s2] =	stream.indirect_vreg.scatter [tilespmem:s28], [sflag:$0x7], $0x80, v4, vm0, $0xb8;
	[tilespmem:$0x19000] =	vst v63  }
0x370: {  	s26 =	simm.s32 $0xE800  }
0x371: {  	[hbm4b:s4+s2] =	stream.indirect_vreg.scatter [tilespmem:s26], [sflag:$0x7], $0x80, v3, vm0, $0xb8;
	[tilespmem:$0x19000] =	vst v63  }
0x372: {  	s28 =	simm.s32 $0xF000  }
0x373: {  	[hbm4b:s21+s2] =	stream.indirect_vreg.scatter [tilespmem:s28], [sflag:$0x7], $0x80, v3, vm0, $0xb8;
	[tilespmem:$0x19000] =	vst v63  }
0x374: {  	s31 =	simm.s32 $0xF800  }
0x375: {  	[hbm4b:s22+s2] =	stream.indirect_vreg.scatter [tilespmem:s31], [sflag:$0x7], $0x80, v3, vm0, $0xb8;
	[tilespmem:$0x19000] =	vst v63  }
0x376: {  	v3 =	vld [tilespmem:$0x910];
	_ =	sdelay $0x4  }
0x377: {  	v37 =	vshrl.u32 v3, $0x3  }
0x378: {  	v4 =	vmul.u32 $0x30, v37  }
0x379: {  	v3 =	vand.u32 $0x7, v3  }
0x37a: {  	v3 =	vor.u32 v3, v4  }
0x37b: {  	v4 =	vperm.xlane v3, v0;
	_ =	sdelay $0x1  }
0x37c: {  	v4 =	vadd.s32 v1, v4;
	_ =	sdelay $0x3  }
0x37d: {  	s10 =	simm.s32 $0x10000;
	v3 =	vperm.xlane v3, v2  }
0x37e: {  	[hbm4b:s4+s2] =	stream.indirect_vreg.scatter [tilespmem:s10], [sflag:$0x7], $0x80, v4, vm0, $0xb8;
	[tilespmem:$0x19000] =	vst v63  }
0x37f: {  	s12 =	simm.s32 $0x10800;
	v3 =	vadd.s32 v1, v3  }
0x380: {  	[hbm4b:s21+s2] =	stream.indirect_vreg.scatter [tilespmem:s12], [sflag:$0x7], $0x80, v4, vm0, $0xb8;
	[tilespmem:$0x19000] =	vst v63  }
0x381: {  	s15 =	simm.s32 $0x11000  }
0x382: {  	[hbm4b:s22+s2] =	stream.indirect_vreg.scatter [tilespmem:s15], [sflag:$0x7], $0x80, v4, vm0, $0xb8;
	[tilespmem:$0x19000] =	vst v63  }
0x383: {  	s16 =	simm.s32 $0x11800  }
0x384: {  	[hbm4b:s4+s2] =	stream.indirect_vreg.scatter [tilespmem:s16], [sflag:$0x7], $0x80, v3, vm0, $0xb8;
	[tilespmem:$0x19000] =	vst v63  }
0x385: {  	s17 =	simm.s32 $0x12000  }
0x386: {  	[hbm4b:s21+s2] =	stream.indirect_vreg.scatter [tilespmem:s17], [sflag:$0x7], $0x80, v3, vm0, $0xb8;
	[tilespmem:$0x19000] =	vst v63  }
0x387: {  	s18 =	simm.s32 $0x12800  }
0x388: {  	[hbm4b:s22+s2] =	stream.indirect_vreg.scatter [tilespmem:s18], [sflag:$0x7], $0x80, v3, vm0, $0xb8;
	[tilespmem:$0x19000] =	vst v63  }
0x389: {  	_ =	swait.ge [sflag:s29], $0x6000  }
0x38a: {  	[sflag:s29] =	ssyncset.done $0x0  }
0x38b: {  	s19 =	rddreg [dreg:$0x1a];
	[sflag:s29] =	ssyncadd.s32 $0xFFFFA000  }
0x38c: {  	[tilespmem:s25], [sflag:$0x3] =	stream.linear.gather [hbm4b:s19+s2], $0x6000, $0x38;
	[tilespmem:$0x19000] =	vst v63  }
0x38d: {  	_ =	swait.ge [sflag:s30], $0x6000  }
0x38e: {  	[sflag:s30] =	ssyncset.done $0x0  }
0x38f: {  	[sflag:s30] =	ssyncadd.s32 $0xFFFFA000  }
0x390: {  	v3 =	vld [tilespmem:$0x980];
	_ =	sdelay $0x4  }
0x391: {  	v38 =	vshrl.u32 v3, $0x3  }
0x392: {  	v4 =	vmul.u32 $0x30, v38  }
0x393: {  	v3 =	vand.u32 $0x7, v3  }
0x394: {  	v3 =	vor.u32 v3, v4  }
0x395: {  	v4 =	vperm.xlane v3, v0;
	_ =	sdelay $0x1  }
0x396: {  	v4 =	vadd.s32 v1, v4;
	_ =	sdelay $0x3  }
0x397: {  	s1 =	simm.s32 $0x13000;
	v3 =	vperm.xlane v3, v2  }
0x398: {  	[hbm4b:s4+s2] =	stream.indirect_vreg.scatter [tilespmem:s1], [sflag:$0x8], $0x80, v4, vm0, $0xb8;
	[tilespmem:$0x19000] =	vst v63  }
0x399: {  	s26 =	simm.s32 $0x13800;
	v3 =	vadd.s32 v1, v3  }
0x39a: {  	[hbm4b:s21+s2] =	stream.indirect_vreg.scatter [tilespmem:s26], [sflag:$0x8], $0x80, v4, vm0, $0xb8;
	[tilespmem:$0x19000] =	vst v63  }
0x39b: {  	s28 =	simm.s32 $0x14000  }
0x39c: {  	[hbm4b:s22+s2] =	stream.indirect_vreg.scatter [tilespmem:s28], [sflag:$0x8], $0x80, v4, vm0, $0xb8;
	[tilespmem:$0x19000] =	vst v63  }
0x39d: {  	s31 =	simm.s32 $0x14800  }
0x39e: {  	[hbm4b:s4+s2] =	stream.indirect_vreg.scatter [tilespmem:s31], [sflag:$0x8], $0x80, v3, vm0, $0xb8;
	[tilespmem:$0x19000] =	vst v63  }
0x39f: {  	s10 =	simm.s32 $0x15000  }
0x3a0: {  	[hbm4b:s21+s2] =	stream.indirect_vreg.scatter [tilespmem:s10], [sflag:$0x8], $0x80, v3, vm0, $0xb8;
	[tilespmem:$0x19000] =	vst v63  }
0x3a1: {  	s12 =	simm.s32 $0x15800  }
0x3a2: {  	[hbm4b:s22+s2] =	stream.indirect_vreg.scatter [tilespmem:s12], [sflag:$0x8], $0x80, v3, vm0, $0xb8;
	[tilespmem:$0x19000] =	vst v63  }
0x3a3: {  	v3 =	vld [tilespmem:$0x990];
	_ =	sdelay $0x4  }
0x3a4: {  	v39 =	vshrl.u32 v3, $0x3  }
0x3a5: {  	v4 =	vmul.u32 $0x30, v39  }
0x3a6: {  	v3 =	vand.u32 $0x7, v3  }
0x3a7: {  	v3 =	vor.u32 v3, v4  }
0x3a8: {  	v4 =	vperm.xlane v3, v0;
	_ =	sdelay $0x1  }
0x3a9: {  	v4 =	vadd.s32 v1, v4;
	_ =	sdelay $0x3  }
0x3aa: {  	s15 =	simm.s32 $0x16000;
	v3 =	vperm.xlane v3, v2  }
0x3ab: {  	[hbm4b:s4+s2] =	stream.indirect_vreg.scatter [tilespmem:s15], [sflag:$0x8], $0x80, v4, vm0, $0xb8;
	[tilespmem:$0x19000] =	vst v63  }
0x3ac: {  	s16 =	simm.s32 $0x16800;
	v3 =	vadd.s32 v1, v3  }
0x3ad: {  	[hbm4b:s21+s2] =	stream.indirect_vreg.scatter [tilespmem:s16], [sflag:$0x8], $0x80, v4, vm0, $0xb8;
	[tilespmem:$0x19000] =	vst v63  }
0x3ae: {  	s17 =	simm.s32 $0x17000  }
0x3af: {  	[hbm4b:s22+s2] =	stream.indirect_vreg.scatter [tilespmem:s17], [sflag:$0x8], $0x80, v4, vm0, $0xb8;
	[tilespmem:$0x19000] =	vst v63  }
0x3b0: {  	s18 =	simm.s32 $0x17800  }
0x3b1: {  	[hbm4b:s4+s2] =	stream.indirect_vreg.scatter [tilespmem:s18], [sflag:$0x8], $0x80, v3, vm0, $0xb8;
	[tilespmem:$0x19000] =	vst v63  }
0x3b2: {  	s19 =	simm.s32 $0x18000  }
0x3b3: {  	[hbm4b:s21+s2] =	stream.indirect_vreg.scatter [tilespmem:s19], [sflag:$0x8], $0x80, v3, vm0, $0xb8;
	[tilespmem:$0x19000] =	vst v63  }
0x3b4: {  	s25 =	simm.s32 $0x18800  }
0x3b5: {  	[hbm4b:s22+s2] =	stream.indirect_vreg.scatter [tilespmem:s25], [sflag:$0x8], $0x80, v3, vm0, $0xb8;
	[tilespmem:$0x19000] =	vst v63  }
0x3b6: {  	_ =	swait.ge [sflag:s20], $0x6000  }
0x3b7: {  	[sflag:s20] =	ssyncset.done $0x0  }
0x3b8: {  	s26 =	rddreg [dreg:$0x1b];
	[sflag:s20] =	ssyncadd.s32 $0xFFFFA000  }
0x3b9: {  	[tilespmem:s1], [sflag:$0x4] =	stream.linear.gather [hbm4b:s26+s2], $0x6000, $0x38;
	[tilespmem:$0x19000] =	vst v63  }
0x3ba: {  	_ =	swait.ge [sflag:s11], $0x6000  }
0x3bb: {  	[sflag:s11] =	ssyncset.done $0x0  }
0x3bc: {  	[sflag:s11] =	ssyncadd.s32 $0xFFFFA000  }
0x3bd: {  	v3 =	vld [tilespmem:$0xA00];
	_ =	sdelay $0x4  }
0x3be: {  	v40 =	vshrl.u32 v3, $0x3  }
0x3bf: {  	v4 =	vmul.u32 $0x30, v40  }
0x3c0: {  	v3 =	vand.u32 $0x7, v3  }
0x3c1: {  	v3 =	vor.u32 v3, v4  }
0x3c2: {  	v4 =	vperm.xlane v3, v0;
	_ =	sdelay $0x1  }
0x3c3: {  	v4 =	vadd.s32 v1, v4;
	_ =	sdelay $0x3  }
0x3c4: {  	s28 =	simm.s32 $0x1000;
	v3 =	vperm.xlane v3, v2  }
0x3c5: {  	[hbm4b:s4+s2] =	stream.indirect_vreg.scatter [tilespmem:s28], [sflag:$0x5], $0x80, v4, vm0, $0xb8;
	[tilespmem:$0x19000] =	vst v63  }
0x3c6: {  	s31 =	simm.s32 $0x1800;
	v3 =	vadd.s32 v1, v3  }
0x3c7: {  	[hbm4b:s21+s2] =	stream.indirect_vreg.scatter [tilespmem:s31], [sflag:$0x5], $0x80, v4, vm0, $0xb8;
	[tilespmem:$0x19000] =	vst v63  }
0x3c8: {  	s9 =	simm.s32 $0x2000  }
0x3c9: {  	[hbm4b:s22+s2] =	stream.indirect_vreg.scatter [tilespmem:s9], [sflag:$0x5], $0x80, v4, vm0, $0xb8;
	[tilespmem:$0x19000] =	vst v63  }
0x3ca: {  	s10 =	simm.s32 $0x2800  }
0x3cb: {  	[hbm4b:s4+s2] =	stream.indirect_vreg.scatter [tilespmem:s10], [sflag:$0x5], $0x80, v3, vm0, $0xb8;
	[tilespmem:$0x19000] =	vst v63  }
0x3cc: {  	s12 =	simm.s32 $0x3000  }
0x3cd: {  	[hbm4b:s21+s2] =	stream.indirect_vreg.scatter [tilespmem:s12], [sflag:$0x5], $0x80, v3, vm0, $0xb8;
	[tilespmem:$0x19000] =	vst v63  }
0x3ce: {  	_ = 	snop  }
0x3cf: {  	[hbm4b:s22+s2] =	stream.indirect_vreg.scatter [tilespmem:s7], [sflag:$0x5], $0x80, v3, vm0, $0xb8;
	[tilespmem:$0x19000] =	vst v63  }
0x3d0: {  	v3 =	vld [tilespmem:$0xA10];
	_ =	sdelay $0x4  }
0x3d1: {  	v41 =	vshrl.u32 v3, $0x3  }
0x3d2: {  	v4 =	vmul.u32 $0x30, v41  }
0x3d3: {  	v3 =	vand.u32 $0x7, v3  }
0x3d4: {  	v3 =	vor.u32 v3, v4  }
0x3d5: {  	v4 =	vperm.xlane v3, v0;
	_ =	sdelay $0x1  }
0x3d6: {  	v4 =	vadd.s32 v1, v4;
	_ =	sdelay $0x3  }
0x3d7: {  	v3 =	vperm.xlane v3, v2  }
0x3d8: {  	[hbm4b:s4+s2] =	stream.indirect_vreg.scatter [tilespmem:s8], [sflag:$0x5], $0x80, v4, vm0, $0xb8;
	[tilespmem:$0x19000] =	vst v63  }
0x3d9: {  	s7 =	simm.s32 $0x4800;
	v3 =	vadd.s32 v1, v3  }
0x3da: {  	[hbm4b:s21+s2] =	stream.indirect_vreg.scatter [tilespmem:s7], [sflag:$0x5], $0x80, v4, vm0, $0xb8;
	[tilespmem:$0x19000] =	vst v63  }
0x3db: {  	s8 =	simm.s32 $0x5000  }
0x3dc: {  	[hbm4b:s22+s2] =	stream.indirect_vreg.scatter [tilespmem:s8], [sflag:$0x5], $0x80, v4, vm0, $0xb8;
	[tilespmem:$0x19000] =	vst v63  }
0x3dd: {  	s15 =	simm.s32 $0x5800  }
0x3de: {  	[hbm4b:s4+s2] =	stream.indirect_vreg.scatter [tilespmem:s15], [sflag:$0x5], $0x80, v3, vm0, $0xb8;
	[tilespmem:$0x19000] =	vst v63  }
0x3df: {  	s16 =	simm.s32 $0x6000  }
0x3e0: {  	[hbm4b:s21+s2] =	stream.indirect_vreg.scatter [tilespmem:s16], [sflag:$0x5], $0x80, v3, vm0, $0xb8;
	[tilespmem:$0x19000] =	vst v63  }
0x3e1: {  	_ = 	snop  }
0x3e2: {  	[hbm4b:s22+s2] =	stream.indirect_vreg.scatter [tilespmem:s3], [sflag:$0x5], $0x80, v3, vm0, $0xb8;
	[tilespmem:$0x19000] =	vst v63  }
0x3e3: {  	_ =	swait.ge [sflag:s23], $0x6000  }
0x3e4: {  	[sflag:s23] =	ssyncset.done $0x0  }
0x3e5: {  	s1 =	rddreg [dreg:$0x1c];
	[sflag:s23] =	ssyncadd.s32 $0xFFFFA000  }
0x3e6: {  	[tilespmem:s28], [sflag:$0x1] =	stream.linear.gather [hbm4b:s1+s2], $0x6000, $0x38;
	[tilespmem:$0x19000] =	vst v63  }
0x3e7: {  	_ =	swait.ge [sflag:s24], $0x6000  }
0x3e8: {  	[sflag:s24] =	ssyncset.done $0x0  }
0x3e9: {  	[sflag:s24] =	ssyncadd.s32 $0xFFFFA000  }
0x3ea: {  	v3 =	vld [tilespmem:$0xA80];
	_ =	sdelay $0x4  }
0x3eb: {  	v42 =	vshrl.u32 v3, $0x3  }
0x3ec: {  	v4 =	vmul.u32 $0x30, v42  }
0x3ed: {  	v3 =	vand.u32 $0x7, v3  }
0x3ee: {  	v3 =	vor.u32 v3, v4  }
0x3ef: {  	v4 =	vperm.xlane v3, v0;
	_ =	sdelay $0x1  }
0x3f0: {  	v4 =	vadd.s32 v1, v4;
	_ =	sdelay $0x3  }
0x3f1: {  	s3 =	simm.s32 $0x7000;
	v3 =	vperm.xlane v3, v2  }
0x3f2: {  	[hbm4b:s4+s2] =	stream.indirect_vreg.scatter [tilespmem:s3], [sflag:$0x6], $0x80, v4, vm0, $0xb8;
	[tilespmem:$0x19000] =	vst v63  }
0x3f3: {  	s1 =	simm.s32 $0x7800;
	v3 =	vadd.s32 v1, v3  }
0x3f4: {  	[hbm4b:s21+s2] =	stream.indirect_vreg.scatter [tilespmem:s1], [sflag:$0x6], $0x80, v4, vm0, $0xb8;
	[tilespmem:$0x19000] =	vst v63  }
0x3f5: {  	s17 =	simm.s32 $0x8000  }
0x3f6: {  	[hbm4b:s22+s2] =	stream.indirect_vreg.scatter [tilespmem:s17], [sflag:$0x6], $0x80, v4, vm0, $0xb8;
	[tilespmem:$0x19000] =	vst v63  }
0x3f7: {  	s18 =	simm.s32 $0x8800  }
0x3f8: {  	[hbm4b:s4+s2] =	stream.indirect_vreg.scatter [tilespmem:s18], [sflag:$0x6], $0x80, v3, vm0, $0xb8;
	[tilespmem:$0x19000] =	vst v63  }
0x3f9: {  	s19 =	simm.s32 $0x9000  }
0x3fa: {  	[hbm4b:s21+s2] =	stream.indirect_vreg.scatter [tilespmem:s19], [sflag:$0x6], $0x80, v3, vm0, $0xb8;
	[tilespmem:$0x19000] =	vst v63  }
0x3fb: {  	_ = 	snop  }
0x3fc: {  	[hbm4b:s22+s2] =	stream.indirect_vreg.scatter [tilespmem:s5], [sflag:$0x6], $0x80, v3, vm0, $0xb8;
	[tilespmem:$0x19000] =	vst v63  }
0x3fd: {  	v3 =	vld [tilespmem:$0xA90];
	_ =	sdelay $0x4  }
0x3fe: {  	v43 =	vshrl.u32 v3, $0x3  }
0x3ff: {  	v4 =	vmul.u32 $0x30, v43  }
0x400: {  	v3 =	vand.u32 $0x7, v3  }
0x401: {  	v3 =	vor.u32 v3, v4  }
0x402: {  	v4 =	vperm.xlane v3, v0;
	_ =	sdelay $0x1  }
0x403: {  	v4 =	vadd.s32 v1, v4;
	_ =	sdelay $0x3  }
0x404: {  	v3 =	vperm.xlane v3, v2  }
0x405: {  	[hbm4b:s4+s2] =	stream.indirect_vreg.scatter [tilespmem:s0], [sflag:$0x6], $0x80, v4, vm0, $0xb8;
	[tilespmem:$0x19000] =	vst v63  }
0x406: {  	s26 =	simm.s32 $0xA800;
	v3 =	vadd.s32 v1, v3  }
0x407: {  	[hbm4b:s21+s2] =	stream.indirect_vreg.scatter [tilespmem:s26], [sflag:$0x6], $0x80, v4, vm0, $0xb8;
	[tilespmem:$0x19000] =	vst v63  }
0x408: {  	s25 =	simm.s32 $0xB000  }
0x409: {  	[hbm4b:s22+s2] =	stream.indirect_vreg.scatter [tilespmem:s25], [sflag:$0x6], $0x80, v4, vm0, $0xb8;
	[tilespmem:$0x19000] =	vst v63  }
0x40a: {  	_ = 	snop  }
0x40b: {  	[hbm4b:s4+s2] =	stream.indirect_vreg.scatter [tilespmem:s6], [sflag:$0x6], $0x80, v3, vm0, $0xb8;
	[tilespmem:$0x19000] =	vst v63  }
0x40c: {  	s6 =	simm.s32 $0xC000  }
0x40d: {  	[hbm4b:s21+s2] =	stream.indirect_vreg.scatter [tilespmem:s6], [sflag:$0x6], $0x80, v3, vm0, $0xb8;
	[tilespmem:$0x19000] =	vst v63  }
0x40e: {  	s31 =	simm.s32 $0xC800  }
0x40f: {  	[hbm4b:s22+s2] =	stream.indirect_vreg.scatter [tilespmem:s31], [sflag:$0x6], $0x80, v3, vm0, $0xb8;
	[tilespmem:$0x19000] =	vst v63  }
0x410: {  	_ =	swait.ge [sflag:s13], $0x6000  }
0x411: {  	[sflag:s13] =	ssyncset.done $0x0  }
0x412: {  	s0 =	rddreg [dreg:$0x1d];
	[sflag:s13] =	ssyncadd.s32 $0xFFFFA000  }
0x413: {  	[tilespmem:s3], [sflag:$0x2] =	stream.linear.gather [hbm4b:s0+s2], $0x6000, $0x38;
	[tilespmem:$0x19000] =	vst v63  }
0x414: {  	_ =	swait.ge [sflag:s14], $0x6000  }
0x415: {  	[sflag:s14] =	ssyncset.done $0x0  }
0x416: {  	[sflag:s14] =	ssyncadd.s32 $0xFFFFA000  }
0x417: {  	v3 =	vld [tilespmem:$0xB00];
	_ =	sdelay $0x4  }
0x418: {  	v44 =	vshrl.u32 v3, $0x3  }
0x419: {  	v4 =	vmul.u32 $0x30, v44  }
0x41a: {  	v3 =	vand.u32 $0x7, v3  }
0x41b: {  	v3 =	vor.u32 v3, v4  }
0x41c: {  	v4 =	vperm.xlane v3, v0;
	_ =	sdelay $0x1  }
0x41d: {  	v4 =	vadd.s32 v1, v4;
	_ =	sdelay $0x3  }
0x41e: {  	s0 =	simm.s32 $0xD000;
	v3 =	vperm.xlane v3, v2  }
0x41f: {  	[hbm4b:s4+s2] =	stream.indirect_vreg.scatter [tilespmem:s0], [sflag:$0x7], $0x80, v4, vm0, $0xb8;
	[tilespmem:$0x19000] =	vst v63  }
0x420: {  	s28 =	simm.s32 $0xD800;
	v3 =	vadd.s32 v1, v3  }
0x421: {  	[hbm4b:s21+s2] =	stream.indirect_vreg.scatter [tilespmem:s28], [sflag:$0x7], $0x80, v4, vm0, $0xb8;
	[tilespmem:$0x19000] =	vst v63  }
0x422: {  	s31 =	simm.s32 $0xE000  }
0x423: {  	[hbm4b:s22+s2] =	stream.indirect_vreg.scatter [tilespmem:s31], [sflag:$0x7], $0x80, v4, vm0, $0xb8;
	[tilespmem:$0x19000] =	vst v63  }
0x424: {  	s3 =	simm.s32 $0xE800  }
0x425: {  	[hbm4b:s4+s2] =	stream.indirect_vreg.scatter [tilespmem:s3], [sflag:$0x7], $0x80, v3, vm0, $0xb8;
	[tilespmem:$0x19000] =	vst v63  }
0x426: {  	s5 =	simm.s32 $0xF000  }
0x427: {  	[hbm4b:s21+s2] =	stream.indirect_vreg.scatter [tilespmem:s5], [sflag:$0x7], $0x80, v3, vm0, $0xb8;
	[tilespmem:$0x19000] =	vst v63  }
0x428: {  	s3 =	simm.s32 $0xF800  }
0x429: {  	[hbm4b:s22+s2] =	stream.indirect_vreg.scatter [tilespmem:s3], [sflag:$0x7], $0x80, v3, vm0, $0xb8;
	[tilespmem:$0x19000] =	vst v63  }
0x42a: {  	v3 =	vld [tilespmem:$0xB10];
	_ =	sdelay $0x4  }
0x42b: {  	v45 =	vshrl.u32 v3, $0x3  }
0x42c: {  	v4 =	vmul.u32 $0x30, v45  }
0x42d: {  	v3 =	vand.u32 $0x7, v3  }
0x42e: {  	v3 =	vor.u32 v3, v4  }
0x42f: {  	v4 =	vperm.xlane v3, v0;
	_ =	sdelay $0x1  }
0x430: {  	v4 =	vadd.s32 v1, v4;
	_ =	sdelay $0x3  }
0x431: {  	s5 =	simm.s32 $0x10000;
	v3 =	vperm.xlane v3, v2  }
0x432: {  	[hbm4b:s4+s2] =	stream.indirect_vreg.scatter [tilespmem:s5], [sflag:$0x7], $0x80, v4, vm0, $0xb8;
	[tilespmem:$0x19000] =	vst v63  }
0x433: {  	s3 =	simm.s32 $0x10800;
	v3 =	vadd.s32 v1, v3  }
0x434: {  	[hbm4b:s21+s2] =	stream.indirect_vreg.scatter [tilespmem:s3], [sflag:$0x7], $0x80, v4, vm0, $0xb8;
	[tilespmem:$0x19000] =	vst v63  }
0x435: {  	s5 =	simm.s32 $0x11000  }
0x436: {  	[hbm4b:s22+s2] =	stream.indirect_vreg.scatter [tilespmem:s5], [sflag:$0x7], $0x80, v4, vm0, $0xb8;
	[tilespmem:$0x19000] =	vst v63  }
0x437: {  	s3 =	simm.s32 $0x11800  }
0x438: {  	[hbm4b:s4+s2] =	stream.indirect_vreg.scatter [tilespmem:s3], [sflag:$0x7], $0x80, v3, vm0, $0xb8;
	[tilespmem:$0x19000] =	vst v63  }
0x439: {  	s5 =	simm.s32 $0x12000  }
0x43a: {  	[hbm4b:s21+s2] =	stream.indirect_vreg.scatter [tilespmem:s5], [sflag:$0x7], $0x80, v3, vm0, $0xb8;
	[tilespmem:$0x19000] =	vst v63  }
0x43b: {  	s3 =	simm.s32 $0x12800  }
0x43c: {  	[hbm4b:s22+s2] =	stream.indirect_vreg.scatter [tilespmem:s3], [sflag:$0x7], $0x80, v3, vm0, $0xb8;
	[tilespmem:$0x19000] =	vst v63  }
0x43d: {  	_ =	swait.ge [sflag:s29], $0x6000  }
0x43e: {  	[sflag:s29] =	ssyncset.done $0x0  }
0x43f: {  	s5 =	rddreg [dreg:$0x1e];
	[sflag:s29] =	ssyncadd.s32 $0xFFFFA000  }
0x440: {  	[tilespmem:s0], [sflag:$0x3] =	stream.linear.gather [hbm4b:s5+s2], $0x6000, $0x38;
	[tilespmem:$0x19000] =	vst v63  }
0x441: {  	_ =	swait.ge [sflag:s30], $0x6000  }
0x442: {  	[sflag:s30] =	ssyncset.done $0x0  }
0x443: {  	[sflag:s30] =	ssyncadd.s32 $0xFFFFA000  }
0x444: {  	v3 =	vld [tilespmem:$0xB80];
	_ =	sdelay $0x4  }
0x445: {  	v46 =	vshrl.u32 v3, $0x3  }
0x446: {  	v4 =	vmul.u32 $0x30, v46  }
0x447: {  	v3 =	vand.u32 $0x7, v3  }
0x448: {  	v3 =	vor.u32 v3, v4  }
0x449: {  	v4 =	vperm.xlane v3, v0;
	_ =	sdelay $0x1  }
0x44a: {  	v4 =	vadd.s32 v1, v4;
	_ =	sdelay $0x3  }
0x44b: {  	s0 =	simm.s32 $0x13000;
	v3 =	vperm.xlane v3, v2  }
0x44c: {  	[hbm4b:s4+s2] =	stream.indirect_vreg.scatter [tilespmem:s0], [sflag:$0x8], $0x80, v4, vm0, $0xb8;
	[tilespmem:$0x19000] =	vst v63  }
0x44d: {  	s3 =	simm.s32 $0x13800;
	v3 =	vadd.s32 v1, v3  }
0x44e: {  	[hbm4b:s21+s2] =	stream.indirect_vreg.scatter [tilespmem:s3], [sflag:$0x8], $0x80, v4, vm0, $0xb8;
	[tilespmem:$0x19000] =	vst v63  }
0x44f: {  	s5 =	simm.s32 $0x14000  }
0x450: {  	[hbm4b:s22+s2] =	stream.indirect_vreg.scatter [tilespmem:s5], [sflag:$0x8], $0x80, v4, vm0, $0xb8;
	[tilespmem:$0x19000] =	vst v63  }
0x451: {  	s3 =	simm.s32 $0x14800  }
0x452: {  	[hbm4b:s4+s2] =	stream.indirect_vreg.scatter [tilespmem:s3], [sflag:$0x8], $0x80, v3, vm0, $0xb8;
	[tilespmem:$0x19000] =	vst v63  }
0x453: {  	s5 =	simm.s32 $0x15000  }
0x454: {  	[hbm4b:s21+s2] =	stream.indirect_vreg.scatter [tilespmem:s5], [sflag:$0x8], $0x80, v3, vm0, $0xb8;
	[tilespmem:$0x19000] =	vst v63  }
0x455: {  	s3 =	simm.s32 $0x15800  }
0x456: {  	[hbm4b:s22+s2] =	stream.indirect_vreg.scatter [tilespmem:s3], [sflag:$0x8], $0x80, v3, vm0, $0xb8;
	[tilespmem:$0x19000] =	vst v63  }
0x457: {  	v3 =	vld [tilespmem:$0xB90];
	_ =	sdelay $0x4  }
0x458: {  	v47 =	vshrl.u32 v3, $0x3  }
0x459: {  	v4 =	vmul.u32 $0x30, v47  }
0x45a: {  	v3 =	vand.u32 $0x7, v3  }
0x45b: {  	v3 =	vor.u32 v3, v4  }
0x45c: {  	v4 =	vperm.xlane v3, v0;
	_ =	sdelay $0x1  }
0x45d: {  	v4 =	vadd.s32 v1, v4;
	_ =	sdelay $0x3  }
0x45e: {  	s5 =	simm.s32 $0x16000;
	v3 =	vperm.xlane v3, v2  }
0x45f: {  	[hbm4b:s4+s2] =	stream.indirect_vreg.scatter [tilespmem:s5], [sflag:$0x8], $0x80, v4, vm0, $0xb8;
	[tilespmem:$0x19000] =	vst v63  }
0x460: {  	s3 =	simm.s32 $0x16800;
	v3 =	vadd.s32 v1, v3  }
0x461: {  	[hbm4b:s21+s2] =	stream.indirect_vreg.scatter [tilespmem:s3], [sflag:$0x8], $0x80, v4, vm0, $0xb8;
	[tilespmem:$0x19000] =	vst v63  }
0x462: {  	s5 =	simm.s32 $0x17000  }
0x463: {  	[hbm4b:s22+s2] =	stream.indirect_vreg.scatter [tilespmem:s5], [sflag:$0x8], $0x80, v4, vm0, $0xb8;
	[tilespmem:$0x19000] =	vst v63  }
0x464: {  	s3 =	simm.s32 $0x17800  }
0x465: {  	[hbm4b:s4+s2] =	stream.indirect_vreg.scatter [tilespmem:s3], [sflag:$0x8], $0x80, v3, vm0, $0xb8;
	[tilespmem:$0x19000] =	vst v63  }
0x466: {  	s5 =	simm.s32 $0x18000  }
0x467: {  	[hbm4b:s21+s2] =	stream.indirect_vreg.scatter [tilespmem:s5], [sflag:$0x8], $0x80, v3, vm0, $0xb8;
	[tilespmem:$0x19000] =	vst v63  }
0x468: {  	s3 =	simm.s32 $0x18800  }
0x469: {  	[hbm4b:s22+s2] =	stream.indirect_vreg.scatter [tilespmem:s3], [sflag:$0x8], $0x80, v3, vm0, $0xb8;
	[tilespmem:$0x19000] =	vst v63  }
0x46a: {  	_ =	swait.ge [sflag:s20], $0x6000  }
0x46b: {  	[sflag:s20] =	ssyncset.done $0x0  }
0x46c: {  	s5 =	rddreg [dreg:$0x1f];
	[sflag:s20] =	ssyncadd.s32 $0xFFFFA000  }
0x46d: {  	[tilespmem:s0], [sflag:$0x4] =	stream.linear.gather [hbm4b:s5+s2], $0x6000, $0x38;
	[tilespmem:$0x19000] =	vst v63  }
0x46e: {  	_ =	swait.ge [sflag:s11], $0x6000  }
0x46f: {  	[sflag:s11] =	ssyncset.done $0x0  }
0x470: {  	[sflag:s11] =	ssyncadd.s32 $0xFFFFA000  }
0x471: {  	v3 =	vld [tilespmem:$0xC00];
	_ =	sdelay $0x4  }
0x472: {  	v48 =	vshrl.u32 v3, $0x3  }
0x473: {  	v4 =	vmul.u32 $0x30, v48  }
0x474: {  	v3 =	vand.u32 $0x7, v3  }
0x475: {  	v3 =	vor.u32 v3, v4  }
0x476: {  	v4 =	vperm.xlane v3, v0;
	_ =	sdelay $0x1  }
0x477: {  	v4 =	vadd.s32 v1, v4;
	_ =	sdelay $0x3  }
0x478: {  	s25 =	simm.s32 $0x1000;
	v3 =	vperm.xlane v3, v2  }
0x479: {  	[hbm4b:s4+s2] =	stream.indirect_vreg.scatter [tilespmem:s25], [sflag:$0x5], $0x80, v4, vm0, $0xb8;
	[tilespmem:$0x19000] =	vst v63  }
0x47a: {  	s5 =	simm.s32 $0x1800;
	v3 =	vadd.s32 v1, v3  }
0x47b: {  	[hbm4b:s21+s2] =	stream.indirect_vreg.scatter [tilespmem:s5], [sflag:$0x5], $0x80, v4, vm0, $0xb8;
	[tilespmem:$0x19000] =	vst v63  }
0x47c: {  	_ = 	snop  }
0x47d: {  	[hbm4b:s22+s2] =	stream.indirect_vreg.scatter [tilespmem:s9], [sflag:$0x5], $0x80, v4, vm0, $0xb8;
	[tilespmem:$0x19000] =	vst v63  }
0x47e: {  	_ = 	snop  }
0x47f: {  	[hbm4b:s4+s2] =	stream.indirect_vreg.scatter [tilespmem:s10], [sflag:$0x5], $0x80, v3, vm0, $0xb8;
	[tilespmem:$0x19000] =	vst v63  }
0x480: {  	_ = 	snop  }
0x481: {  	[hbm4b:s21+s2] =	stream.indirect_vreg.scatter [tilespmem:s12], [sflag:$0x5], $0x80, v3, vm0, $0xb8;
	[tilespmem:$0x19000] =	vst v63  }
0x482: {  	s9 =	simm.s32 $0x3800  }
0x483: {  	[hbm4b:s22+s2] =	stream.indirect_vreg.scatter [tilespmem:s9], [sflag:$0x5], $0x80, v3, vm0, $0xb8;
	[tilespmem:$0x19000] =	vst v63  }
0x484: {  	v3 =	vld [tilespmem:$0xC10];
	_ =	sdelay $0x4  }
0x485: {  	v49 =	vshrl.u32 v3, $0x3  }
0x486: {  	v4 =	vmul.u32 $0x30, v49  }
0x487: {  	v3 =	vand.u32 $0x7, v3  }
0x488: {  	v3 =	vor.u32 v3, v4  }
0x489: {  	v4 =	vperm.xlane v3, v0;
	_ =	sdelay $0x1  }
0x48a: {  	v4 =	vadd.s32 v1, v4;
	_ =	sdelay $0x3  }
0x48b: {  	s10 =	simm.s32 $0x4000;
	v3 =	vperm.xlane v3, v2  }
0x48c: {  	[hbm4b:s4+s2] =	stream.indirect_vreg.scatter [tilespmem:s10], [sflag:$0x5], $0x80, v4, vm0, $0xb8;
	[tilespmem:$0x19000] =	vst v63  }
0x48d: {  	v3 =	vadd.s32 v1, v3  }
0x48e: {  	[hbm4b:s21+s2] =	stream.indirect_vreg.scatter [tilespmem:s7], [sflag:$0x5], $0x80, v4, vm0, $0xb8;
	[tilespmem:$0x19000] =	vst v63  }
0x48f: {  	_ = 	snop  }
0x490: {  	[hbm4b:s22+s2] =	stream.indirect_vreg.scatter [tilespmem:s8], [sflag:$0x5], $0x80, v4, vm0, $0xb8;
	[tilespmem:$0x19000] =	vst v63  }
0x491: {  	_ = 	snop  }
0x492: {  	[hbm4b:s4+s2] =	stream.indirect_vreg.scatter [tilespmem:s15], [sflag:$0x5], $0x80, v3, vm0, $0xb8;
	[tilespmem:$0x19000] =	vst v63  }
0x493: {  	_ = 	snop  }
0x494: {  	[hbm4b:s21+s2] =	stream.indirect_vreg.scatter [tilespmem:s16], [sflag:$0x5], $0x80, v3, vm0, $0xb8;
	[tilespmem:$0x19000] =	vst v63  }
0x495: {  	s12 =	simm.s32 $0x6800  }
0x496: {  	[hbm4b:s22+s2] =	stream.indirect_vreg.scatter [tilespmem:s12], [sflag:$0x5], $0x80, v3, vm0, $0xb8;
	[tilespmem:$0x19000] =	vst v63  }
0x497: {  	_ =	swait.ge [sflag:s23], $0x6000  }
0x498: {  	s15 =	sld [smem:$0x7F9]  }
0x499: {  	[sflag:s23] =	ssyncset.done $0x0  }
0x49a: {  	[sflag:s23] =	ssyncadd.s32 $0xFFFFA000  }
0x49b: {  	[tilespmem:s25], [sflag:$0x1] =	stream.linear.gather [hbm4b:s15+s2], $0x6000, $0x38;
	[tilespmem:$0x19000] =	vst v63  }
0x49c: {  	_ =	swait.ge [sflag:s24], $0x6000  }
0x49d: {  	[sflag:s24] =	ssyncset.done $0x0  }
0x49e: {  	[sflag:s24] =	ssyncadd.s32 $0xFFFFA000  }
0x49f: {  	v3 =	vld [tilespmem:$0xC80];
	_ =	sdelay $0x4  }
0x4a0: {  	v50 =	vshrl.u32 v3, $0x3  }
0x4a1: {  	v4 =	vmul.u32 $0x30, v50  }
0x4a2: {  	v3 =	vand.u32 $0x7, v3  }
0x4a3: {  	v3 =	vor.u32 v3, v4  }
0x4a4: {  	v4 =	vperm.xlane v3, v0;
	_ =	sdelay $0x1  }
0x4a5: {  	v4 =	vadd.s32 v1, v4;
	_ =	sdelay $0x3  }
0x4a6: {  	s16 =	simm.s32 $0x7000;
	v3 =	vperm.xlane v3, v2  }
0x4a7: {  	[hbm4b:s4+s2] =	stream.indirect_vreg.scatter [tilespmem:s16], [sflag:$0x6], $0x80, v4, vm0, $0xb8;
	[tilespmem:$0x19000] =	vst v63  }
0x4a8: {  	v3 =	vadd.s32 v1, v3  }
0x4a9: {  	[hbm4b:s21+s2] =	stream.indirect_vreg.scatter [tilespmem:s1], [sflag:$0x6], $0x80, v4, vm0, $0xb8;
	[tilespmem:$0x19000] =	vst v63  }
0x4aa: {  	_ = 	snop  }
0x4ab: {  	[hbm4b:s22+s2] =	stream.indirect_vreg.scatter [tilespmem:s17], [sflag:$0x6], $0x80, v4, vm0, $0xb8;
	[tilespmem:$0x19000] =	vst v63  }
0x4ac: {  	_ = 	snop  }
0x4ad: {  	[hbm4b:s4+s2] =	stream.indirect_vreg.scatter [tilespmem:s18], [sflag:$0x6], $0x80, v3, vm0, $0xb8;
	[tilespmem:$0x19000] =	vst v63  }
0x4ae: {  	_ = 	snop  }
0x4af: {  	[hbm4b:s21+s2] =	stream.indirect_vreg.scatter [tilespmem:s19], [sflag:$0x6], $0x80, v3, vm0, $0xb8;
	[tilespmem:$0x19000] =	vst v63  }
0x4b0: {  	s5 =	simm.s32 $0x9800  }
0x4b1: {  	[hbm4b:s22+s2] =	stream.indirect_vreg.scatter [tilespmem:s5], [sflag:$0x6], $0x80, v3, vm0, $0xb8;
	[tilespmem:$0x19000] =	vst v63  }
0x4b2: {  	v3 =	vld [tilespmem:$0xC90];
	_ =	sdelay $0x4  }
0x4b3: {  	v51 =	vshrl.u32 v3, $0x3  }
0x4b4: {  	v4 =	vmul.u32 $0x30, v51  }
0x4b5: {  	v3 =	vand.u32 $0x7, v3  }
0x4b6: {  	v3 =	vor.u32 v3, v4  }
0x4b7: {  	v4 =	vperm.xlane v3, v0;
	_ =	sdelay $0x1  }
0x4b8: {  	v4 =	vadd.s32 v1, v4;
	_ =	sdelay $0x3  }
0x4b9: {  	s7 =	simm.s32 $0xA000;
	v3 =	vperm.xlane v3, v2  }
0x4ba: {  	[hbm4b:s4+s2] =	stream.indirect_vreg.scatter [tilespmem:s7], [sflag:$0x6], $0x80, v4, vm0, $0xb8;
	[tilespmem:$0x19000] =	vst v63  }
0x4bb: {  	v3 =	vadd.s32 v1, v3  }
0x4bc: {  	[hbm4b:s21+s2] =	stream.indirect_vreg.scatter [tilespmem:s26], [sflag:$0x6], $0x80, v4, vm0, $0xb8;
	[tilespmem:$0x19000] =	vst v63  }
0x4bd: {  	s25 =	simm.s32 $0xB000  }
0x4be: {  	[hbm4b:s22+s2] =	stream.indirect_vreg.scatter [tilespmem:s25], [sflag:$0x6], $0x80, v4, vm0, $0xb8;
	[tilespmem:$0x19000] =	vst v63  }
0x4bf: {  	s3 =	simm.s32 $0xB800  }
0x4c0: {  	[hbm4b:s4+s2] =	stream.indirect_vreg.scatter [tilespmem:s3], [sflag:$0x6], $0x80, v3, vm0, $0xb8;
	[tilespmem:$0x19000] =	vst v63  }
0x4c1: {  	_ = 	snop  }
0x4c2: {  	[hbm4b:s21+s2] =	stream.indirect_vreg.scatter [tilespmem:s6], [sflag:$0x6], $0x80, v3, vm0, $0xb8;
	[tilespmem:$0x19000] =	vst v63  }
0x4c3: {  	s26 =	simm.s32 $0xC800  }
0x4c4: {  	[hbm4b:s22+s2] =	stream.indirect_vreg.scatter [tilespmem:s26], [sflag:$0x6], $0x80, v3, vm0, $0xb8;
	[tilespmem:$0x19000] =	vst v63  }
0x4c5: {  	_ =	swait.ge [sflag:s13], $0x6000  }
0x4c6: {  	s0 =	sld [smem:$0x7FA]  }
0x4c7: {  	[sflag:s13] =	ssyncset.done $0x0  }
0x4c8: {  	[sflag:s13] =	ssyncadd.s32 $0xFFFFA000  }
0x4c9: {  	[tilespmem:s16], [sflag:$0x2] =	stream.linear.gather [hbm4b:s0+s2], $0x6000, $0x38;
	[tilespmem:$0x19000] =	vst v63  }
0x4ca: {  	_ =	swait.ge [sflag:s14], $0x6000  }
0x4cb: {  	[sflag:s14] =	ssyncset.done $0x0  }
0x4cc: {  	[sflag:s14] =	ssyncadd.s32 $0xFFFFA000  }
0x4cd: {  	v3 =	vld [tilespmem:$0xD00];
	_ =	sdelay $0x4  }
0x4ce: {  	v52 =	vshrl.u32 v3, $0x3  }
0x4cf: {  	v4 =	vmul.u32 $0x30, v52  }
0x4d0: {  	v3 =	vand.u32 $0x7, v3  }
0x4d1: {  	v3 =	vor.u32 v3, v4  }
0x4d2: {  	v4 =	vperm.xlane v3, v0;
	_ =	sdelay $0x1  }
0x4d3: {  	v4 =	vadd.s32 v1, v4;
	_ =	sdelay $0x3  }
0x4d4: {  	s1 =	simm.s32 $0xD000;
	v3 =	vperm.xlane v3, v2  }
0x4d5: {  	[hbm4b:s4+s2] =	stream.indirect_vreg.scatter [tilespmem:s1], [sflag:$0x7], $0x80, v4, vm0, $0xb8;
	[tilespmem:$0x19000] =	vst v63  }
0x4d6: {  	v3 =	vadd.s32 v1, v3  }
0x4d7: {  	[hbm4b:s21+s2] =	stream.indirect_vreg.scatter [tilespmem:s28], [sflag:$0x7], $0x80, v4, vm0, $0xb8;
	[tilespmem:$0x19000] =	vst v63  }
0x4d8: {  	_ = 	snop  }
0x4d9: {  	[hbm4b:s22+s2] =	stream.indirect_vreg.scatter [tilespmem:s31], [sflag:$0x7], $0x80, v4, vm0, $0xb8;
	[tilespmem:$0x19000] =	vst v63  }
0x4da: {  	s10 =	simm.s32 $0xE800  }
0x4db: {  	[hbm4b:s4+s2] =	stream.indirect_vreg.scatter [tilespmem:s10], [sflag:$0x7], $0x80, v3, vm0, $0xb8;
	[tilespmem:$0x19000] =	vst v63  }
0x4dc: {  	s12 =	simm.s32 $0xF000  }
0x4dd: {  	[hbm4b:s21+s2] =	stream.indirect_vreg.scatter [tilespmem:s12], [sflag:$0x7], $0x80, v3, vm0, $0xb8;
	[tilespmem:$0x19000] =	vst v63  }
0x4de: {  	s15 =	simm.s32 $0xF800  }
0x4df: {  	[hbm4b:s22+s2] =	stream.indirect_vreg.scatter [tilespmem:s15], [sflag:$0x7], $0x80, v3, vm0, $0xb8;
	[tilespmem:$0x19000] =	vst v63  }
0x4e0: {  	v3 =	vld [tilespmem:$0xD10];
	_ =	sdelay $0x4  }
0x4e1: {  	v53 =	vshrl.u32 v3, $0x3  }
0x4e2: {  	v4 =	vmul.u32 $0x30, v53  }
0x4e3: {  	v3 =	vand.u32 $0x7, v3  }
0x4e4: {  	v3 =	vor.u32 v3, v4  }
0x4e5: {  	v4 =	vperm.xlane v3, v0;
	_ =	sdelay $0x1  }
0x4e6: {  	v4 =	vadd.s32 v1, v4;
	_ =	sdelay $0x3  }
0x4e7: {  	s16 =	simm.s32 $0x10000;
	v3 =	vperm.xlane v3, v2  }
0x4e8: {  	[hbm4b:s4+s2] =	stream.indirect_vreg.scatter [tilespmem:s16], [sflag:$0x7], $0x80, v4, vm0, $0xb8;
	[tilespmem:$0x19000] =	vst v63  }
0x4e9: {  	s17 =	simm.s32 $0x10800;
	v3 =	vadd.s32 v1, v3  }
0x4ea: {  	[hbm4b:s21+s2] =	stream.indirect_vreg.scatter [tilespmem:s17], [sflag:$0x7], $0x80, v4, vm0, $0xb8;
	[tilespmem:$0x19000] =	vst v63  }
0x4eb: {  	s18 =	simm.s32 $0x11000  }
0x4ec: {  	[hbm4b:s22+s2] =	stream.indirect_vreg.scatter [tilespmem:s18], [sflag:$0x7], $0x80, v4, vm0, $0xb8;
	[tilespmem:$0x19000] =	vst v63  }
0x4ed: {  	s19 =	simm.s32 $0x11800  }
0x4ee: {  	[hbm4b:s4+s2] =	stream.indirect_vreg.scatter [tilespmem:s19], [sflag:$0x7], $0x80, v3, vm0, $0xb8;
	[tilespmem:$0x19000] =	vst v63  }
0x4ef: {  	s25 =	simm.s32 $0x12000  }
0x4f0: {  	[hbm4b:s21+s2] =	stream.indirect_vreg.scatter [tilespmem:s25], [sflag:$0x7], $0x80, v3, vm0, $0xb8;
	[tilespmem:$0x19000] =	vst v63  }
0x4f1: {  	s26 =	simm.s32 $0x12800  }
0x4f2: {  	[hbm4b:s22+s2] =	stream.indirect_vreg.scatter [tilespmem:s26], [sflag:$0x7], $0x80, v3, vm0, $0xb8;
	[tilespmem:$0x19000] =	vst v63  }
0x4f3: {  	_ =	swait.ge [sflag:s29], $0x6000  }
0x4f4: {  	s28 =	sld [smem:$0x7FB]  }
0x4f5: {  	[sflag:s29] =	ssyncset.done $0x0  }
0x4f6: {  	[sflag:s29] =	ssyncadd.s32 $0xFFFFA000  }
0x4f7: {  	[tilespmem:s1], [sflag:$0x3] =	stream.linear.gather [hbm4b:s28+s2], $0x6000, $0x38;
	[tilespmem:$0x19000] =	vst v63  }
0x4f8: {  	_ =	swait.ge [sflag:s30], $0x6000  }
0x4f9: {  	[sflag:s30] =	ssyncset.done $0x0  }
0x4fa: {  	[sflag:s30] =	ssyncadd.s32 $0xFFFFA000  }
0x4fb: {  	v3 =	vld [tilespmem:$0xD80];
	_ =	sdelay $0x4  }
0x4fc: {  	v54 =	vshrl.u32 v3, $0x3  }
0x4fd: {  	v4 =	vmul.u32 $0x30, v54  }
0x4fe: {  	v3 =	vand.u32 $0x7, v3  }
0x4ff: {  	v3 =	vor.u32 v3, v4  }
0x500: {  	v4 =	vperm.xlane v3, v0;
	_ =	sdelay $0x1  }
0x501: {  	v4 =	vadd.s32 v1, v4;
	_ =	sdelay $0x3  }
0x502: {  	s1 =	simm.s32 $0x13000;
	v3 =	vperm.xlane v3, v2  }
0x503: {  	[hbm4b:s4+s2] =	stream.indirect_vreg.scatter [tilespmem:s1], [sflag:$0x8], $0x80, v4, vm0, $0xb8;
	[tilespmem:$0x19000] =	vst v63  }
0x504: {  	s31 =	simm.s32 $0x13800;
	v3 =	vadd.s32 v1, v3  }
0x505: {  	[hbm4b:s21+s2] =	stream.indirect_vreg.scatter [tilespmem:s31], [sflag:$0x8], $0x80, v4, vm0, $0xb8;
	[tilespmem:$0x19000] =	vst v63  }
0x506: {  	s10 =	simm.s32 $0x14000  }
0x507: {  	[hbm4b:s22+s2] =	stream.indirect_vreg.scatter [tilespmem:s10], [sflag:$0x8], $0x80, v4, vm0, $0xb8;
	[tilespmem:$0x19000] =	vst v63  }
0x508: {  	s12 =	simm.s32 $0x14800  }
0x509: {  	[hbm4b:s4+s2] =	stream.indirect_vreg.scatter [tilespmem:s12], [sflag:$0x8], $0x80, v3, vm0, $0xb8;
	[tilespmem:$0x19000] =	vst v63  }
0x50a: {  	s15 =	simm.s32 $0x15000  }
0x50b: {  	[hbm4b:s21+s2] =	stream.indirect_vreg.scatter [tilespmem:s15], [sflag:$0x8], $0x80, v3, vm0, $0xb8;
	[tilespmem:$0x19000] =	vst v63  }
0x50c: {  	s16 =	simm.s32 $0x15800  }
0x50d: {  	[hbm4b:s22+s2] =	stream.indirect_vreg.scatter [tilespmem:s16], [sflag:$0x8], $0x80, v3, vm0, $0xb8;
	[tilespmem:$0x19000] =	vst v63  }
0x50e: {  	v3 =	vld [tilespmem:$0xD90];
	_ =	sdelay $0x4  }
0x50f: {  	v55 =	vshrl.u32 v3, $0x3  }
0x510: {  	v4 =	vmul.u32 $0x30, v55  }
0x511: {  	v3 =	vand.u32 $0x7, v3  }
0x512: {  	v3 =	vor.u32 v3, v4  }
0x513: {  	v4 =	vperm.xlane v3, v0;
	_ =	sdelay $0x1  }
0x514: {  	v4 =	vadd.s32 v1, v4;
	_ =	sdelay $0x3  }
0x515: {  	s25 =	simm.s32 $0x16000;
	v3 =	vperm.xlane v3, v2  }
0x516: {  	[hbm4b:s4+s2] =	stream.indirect_vreg.scatter [tilespmem:s25], [sflag:$0x8], $0x80, v4, vm0, $0xb8;
	[tilespmem:$0x19000] =	vst v63  }
0x517: {  	s26 =	simm.s32 $0x16800;
	v3 =	vadd.s32 v1, v3  }
0x518: {  	[hbm4b:s21+s2] =	stream.indirect_vreg.scatter [tilespmem:s26], [sflag:$0x8], $0x80, v4, vm0, $0xb8;
	[tilespmem:$0x19000] =	vst v63  }
0x519: {  	s31 =	simm.s32 $0x17000  }
0x51a: {  	[hbm4b:s22+s2] =	stream.indirect_vreg.scatter [tilespmem:s31], [sflag:$0x8], $0x80, v4, vm0, $0xb8;
	[tilespmem:$0x19000] =	vst v63  }
0x51b: {  	s10 =	simm.s32 $0x17800  }
0x51c: {  	[hbm4b:s4+s2] =	stream.indirect_vreg.scatter [tilespmem:s10], [sflag:$0x8], $0x80, v3, vm0, $0xb8;
	[tilespmem:$0x19000] =	vst v63  }
0x51d: {  	s16 =	simm.s32 $0x18000  }
0x51e: {  	[hbm4b:s21+s2] =	stream.indirect_vreg.scatter [tilespmem:s16], [sflag:$0x8], $0x80, v3, vm0, $0xb8;
	[tilespmem:$0x19000] =	vst v63  }
0x51f: {  	s25 =	simm.s32 $0x18800  }
0x520: {  	[hbm4b:s22+s2] =	stream.indirect_vreg.scatter [tilespmem:s25], [sflag:$0x8], $0x80, v3, vm0, $0xb8;
	[tilespmem:$0x19000] =	vst v63  }
0x521: {  	_ =	swait.ge [sflag:s20], $0x6000  }
0x522: {  	s0 =	sld [smem:$0x7FD]  }
0x523: {  	[sflag:s20] =	ssyncset.done $0x0  }
0x524: {  	[sflag:s20] =	ssyncadd.s32 $0xFFFFA000  }
0x525: {  	[tilespmem:s1], [sflag:$0x4] =	stream.linear.gather [hbm4b:s0+s2], $0x6000, $0x38;
	[tilespmem:$0x19000] =	vst v63  }
0x526: {  	_ =	swait.ge [sflag:s11], $0x6000  }
0x527: {  	[sflag:s11] =	ssyncset.done $0x0  }
0x528: {  	[sflag:s11] =	ssyncadd.s32 $0xFFFFA000  }
0x529: {  	v3 =	vld [tilespmem:$0xE00];
	_ =	sdelay $0x4  }
0x52a: {  	v56 =	vshrl.u32 v3, $0x3  }
0x52b: {  	v4 =	vmul.u32 $0x30, v56  }
0x52c: {  	v3 =	vand.u32 $0x7, v3  }
0x52d: {  	v3 =	vor.u32 v3, v4  }
0x52e: {  	v4 =	vperm.xlane v3, v0;
	_ =	sdelay $0x1  }
0x52f: {  	v4 =	vadd.s32 v1, v4;
	_ =	sdelay $0x3  }
0x530: {  	s9 =	simm.s32 $0x1000;
	v3 =	vperm.xlane v3, v2  }
0x531: {  	[hbm4b:s4+s2] =	stream.indirect_vreg.scatter [tilespmem:s9], [sflag:$0x5], $0x80, v4, vm0, $0xb8;
	[tilespmem:$0x19000] =	vst v63  }
0x532: {  	v3 =	vadd.s32 v1, v3;
	s9 =	simm.s32 $0x1800  }
0x533: {  	[hbm4b:s21+s2] =	stream.indirect_vreg.scatter [tilespmem:s9], [sflag:$0x5], $0x80, v4, vm0, $0xb8;
	[tilespmem:$0x19000] =	vst v63  }
0x534: {  	s1 =	simm.s32 $0x2000  }
0x535: {  	[hbm4b:s22+s2] =	stream.indirect_vreg.scatter [tilespmem:s1], [sflag:$0x5], $0x80, v4, vm0, $0xb8;
	[tilespmem:$0x19000] =	vst v63  }
0x536: {  	s9 =	simm.s32 $0x2800  }
0x537: {  	[hbm4b:s4+s2] =	stream.indirect_vreg.scatter [tilespmem:s9], [sflag:$0x5], $0x80, v3, vm0, $0xb8;
	[tilespmem:$0x19000] =	vst v63  }
0x538: {  	s9 =	simm.s32 $0x3000  }
0x539: {  	[hbm4b:s21+s2] =	stream.indirect_vreg.scatter [tilespmem:s9], [sflag:$0x5], $0x80, v3, vm0, $0xb8;
	[tilespmem:$0x19000] =	vst v63  }
0x53a: {  	s9 =	simm.s32 $0x3800  }
0x53b: {  	[hbm4b:s22+s2] =	stream.indirect_vreg.scatter [tilespmem:s9], [sflag:$0x5], $0x80, v3, vm0, $0xb8;
	[tilespmem:$0x19000] =	vst v63  }
0x53c: {  	v3 =	vld [tilespmem:$0xE10];
	_ =	sdelay $0x4  }
0x53d: {  	v57 =	vshrl.u32 v3, $0x3  }
0x53e: {  	v4 =	vmul.u32 $0x30, v57  }
0x53f: {  	v3 =	vand.u32 $0x7, v3  }
0x540: {  	v3 =	vor.u32 v3, v4  }
0x541: {  	v4 =	vperm.xlane v3, v0;
	_ =	sdelay $0x1  }
0x542: {  	v4 =	vadd.s32 v1, v4;
	_ =	sdelay $0x3  }
0x543: {  	s9 =	simm.s32 $0x4000;
	v3 =	vperm.xlane v3, v2  }
0x544: {  	[hbm4b:s4+s2] =	stream.indirect_vreg.scatter [tilespmem:s9], [sflag:$0x5], $0x80, v4, vm0, $0xb8;
	[tilespmem:$0x19000] =	vst v63  }
0x545: {  	v3 =	vadd.s32 v1, v3;
	s9 =	simm.s32 $0x4800  }
0x546: {  	[hbm4b:s21+s2] =	stream.indirect_vreg.scatter [tilespmem:s9], [sflag:$0x5], $0x80, v4, vm0, $0xb8;
	[tilespmem:$0x19000] =	vst v63  }
0x547: {  	s9 =	simm.s32 $0x5000  }
0x548: {  	[hbm4b:s22+s2] =	stream.indirect_vreg.scatter [tilespmem:s9], [sflag:$0x5], $0x80, v4, vm0, $0xb8;
	[tilespmem:$0x19000] =	vst v63  }
0x549: {  	s9 =	simm.s32 $0x5800  }
0x54a: {  	[hbm4b:s4+s2] =	stream.indirect_vreg.scatter [tilespmem:s9], [sflag:$0x5], $0x80, v3, vm0, $0xb8;
	[tilespmem:$0x19000] =	vst v63  }
0x54b: {  	s9 =	simm.s32 $0x6000  }
0x54c: {  	[hbm4b:s21+s2] =	stream.indirect_vreg.scatter [tilespmem:s9], [sflag:$0x5], $0x80, v3, vm0, $0xb8;
	[tilespmem:$0x19000] =	vst v63  }
0x54d: {  	s9 =	simm.s32 $0x6800  }
0x54e: {  	[hbm4b:s22+s2] =	stream.indirect_vreg.scatter [tilespmem:s9], [sflag:$0x5], $0x80, v3, vm0, $0xb8;
	[tilespmem:$0x19000] =	vst v63  }
0x54f: {  	s0 =	sld [smem:$0x7F8];
	_ =	swait.ge [sflag:s24], $0x6000  }
0x550: {  	[sflag:s24] =	ssyncset.done $0x0  }
0x551: {  	[sflag:s24] =	ssyncadd.s32 $0xFFFFA000  }
0x552: {  	v3 =	vld [tilespmem:$0xE80];
	_ =	sdelay $0x4  }
0x553: {  	v58 =	vshrl.u32 v3, $0x3  }
0x554: {  	v4 =	vmul.u32 $0x30, v58  }
0x555: {  	v3 =	vand.u32 $0x7, v3  }
0x556: {  	v3 =	vor.u32 v3, v4  }
0x557: {  	v4 =	vperm.xlane v3, v0;
	_ =	sdelay $0x1  }
0x558: {  	v4 =	vadd.s32 v1, v4;
	_ =	sdelay $0x3  }
0x559: {  	s8 =	simm.s32 $0x7000;
	v3 =	vperm.xlane v3, v2  }
0x55a: {  	[hbm4b:s4+s2] =	stream.indirect_vreg.scatter [tilespmem:s8], [sflag:$0x6], $0x80, v4, vm0, $0xb8;
	[tilespmem:$0x19000] =	vst v63  }
0x55b: {  	v3 =	vadd.s32 v1, v3;
	s8 =	simm.s32 $0x7800  }
0x55c: {  	[hbm4b:s21+s2] =	stream.indirect_vreg.scatter [tilespmem:s8], [sflag:$0x6], $0x80, v4, vm0, $0xb8;
	[tilespmem:$0x19000] =	vst v63  }
0x55d: {  	s9 =	simm.s32 $0x8000  }
0x55e: {  	[hbm4b:s22+s2] =	stream.indirect_vreg.scatter [tilespmem:s9], [sflag:$0x6], $0x80, v4, vm0, $0xb8;
	[tilespmem:$0x19000] =	vst v63  }
0x55f: {  	s8 =	simm.s32 $0x8800  }
0x560: {  	[hbm4b:s4+s2] =	stream.indirect_vreg.scatter [tilespmem:s8], [sflag:$0x6], $0x80, v3, vm0, $0xb8;
	[tilespmem:$0x19000] =	vst v63  }
0x561: {  	s9 =	simm.s32 $0x9000  }
0x562: {  	[hbm4b:s21+s2] =	stream.indirect_vreg.scatter [tilespmem:s9], [sflag:$0x6], $0x80, v3, vm0, $0xb8;
	[tilespmem:$0x19000] =	vst v63  }
0x563: {  	_ = 	snop  }
0x564: {  	[hbm4b:s22+s2] =	stream.indirect_vreg.scatter [tilespmem:s5], [sflag:$0x6], $0x80, v3, vm0, $0xb8;
	[tilespmem:$0x19000] =	vst v63  }
0x565: {  	v3 =	vld [tilespmem:$0xE90];
	_ =	sdelay $0x4  }
0x566: {  	v59 =	vshrl.u32 v3, $0x3  }
0x567: {  	v4 =	vmul.u32 $0x30, v59  }
0x568: {  	v3 =	vand.u32 $0x7, v3  }
0x569: {  	v3 =	vor.u32 v3, v4  }
0x56a: {  	v4 =	vperm.xlane v3, v0;
	_ =	sdelay $0x1  }
0x56b: {  	v4 =	vadd.s32 v1, v4;
	_ =	sdelay $0x3  }
0x56c: {  	v3 =	vperm.xlane v3, v2  }
0x56d: {  	[hbm4b:s4+s2] =	stream.indirect_vreg.scatter [tilespmem:s7], [sflag:$0x6], $0x80, v4, vm0, $0xb8;
	[tilespmem:$0x19000] =	vst v63  }
0x56e: {  	v3 =	vadd.s32 v1, v3;
	s7 =	simm.s32 $0xA800  }
0x56f: {  	[hbm4b:s21+s2] =	stream.indirect_vreg.scatter [tilespmem:s7], [sflag:$0x6], $0x80, v4, vm0, $0xb8;
	[tilespmem:$0x19000] =	vst v63  }
0x570: {  	s8 =	simm.s32 $0xB000  }
0x571: {  	[hbm4b:s22+s2] =	stream.indirect_vreg.scatter [tilespmem:s8], [sflag:$0x6], $0x80, v4, vm0, $0xb8;
	[tilespmem:$0x19000] =	vst v63  }
0x572: {  	_ = 	snop  }
0x573: {  	[hbm4b:s4+s2] =	stream.indirect_vreg.scatter [tilespmem:s3], [sflag:$0x6], $0x80, v3, vm0, $0xb8;
	[tilespmem:$0x19000] =	vst v63  }
0x574: {  	s9 =	simm.s32 $0xC000  }
0x575: {  	[hbm4b:s21+s2] =	stream.indirect_vreg.scatter [tilespmem:s9], [sflag:$0x6], $0x80, v3, vm0, $0xb8;
	[tilespmem:$0x19000] =	vst v63  }
0x576: {  	s3 =	simm.s32 $0xC800  }
0x577: {  	[hbm4b:s22+s2] =	stream.indirect_vreg.scatter [tilespmem:s3], [sflag:$0x6], $0x80, v3, vm0, $0xb8;
	[tilespmem:$0x19000] =	vst v63  }
0x578: {  	_ =	swait.ge [sflag:s14], $0x6000  }
0x579: {  	[sflag:s14] =	ssyncset.done $0x0  }
0x57a: {  	[sflag:s14] =	ssyncadd.s32 $0xFFFFA000  }
0x57b: {  	v3 =	vld [tilespmem:$0xF00];
	_ =	sdelay $0x4  }
0x57c: {  	v60 =	vshrl.u32 v3, $0x3  }
0x57d: {  	v4 =	vmul.u32 $0x30, v60  }
0x57e: {  	v3 =	vand.u32 $0x7, v3  }
0x57f: {  	v3 =	vor.u32 v3, v4  }
0x580: {  	v4 =	vperm.xlane v3, v0;
	_ =	sdelay $0x1  }
0x581: {  	v4 =	vadd.s32 v1, v4;
	_ =	sdelay $0x3  }
0x582: {  	s6 =	simm.s32 $0xD000;
	v3 =	vperm.xlane v3, v2  }
0x583: {  	[hbm4b:s4+s2] =	stream.indirect_vreg.scatter [tilespmem:s6], [sflag:$0x7], $0x80, v4, vm0, $0xb8;
	[tilespmem:$0x19000] =	vst v63  }
0x584: {  	s5 =	simm.s32 $0xD800;
	v3 =	vadd.s32 v1, v3  }
0x585: {  	[hbm4b:s21+s2] =	stream.indirect_vreg.scatter [tilespmem:s5], [sflag:$0x7], $0x80, v4, vm0, $0xb8;
	[tilespmem:$0x19000] =	vst v63  }
0x586: {  	s6 =	simm.s32 $0xE000  }
0x587: {  	[hbm4b:s22+s2] =	stream.indirect_vreg.scatter [tilespmem:s6], [sflag:$0x7], $0x80, v4, vm0, $0xb8;
	[tilespmem:$0x19000] =	vst v63  }
0x588: {  	s7 =	simm.s32 $0xE800  }
0x589: {  	[hbm4b:s4+s2] =	stream.indirect_vreg.scatter [tilespmem:s7], [sflag:$0x7], $0x80, v3, vm0, $0xb8;
	[tilespmem:$0x19000] =	vst v63  }
0x58a: {  	s8 =	simm.s32 $0xF000  }
0x58b: {  	[hbm4b:s21+s2] =	stream.indirect_vreg.scatter [tilespmem:s8], [sflag:$0x7], $0x80, v3, vm0, $0xb8;
	[tilespmem:$0x19000] =	vst v63  }
0x58c: {  	s9 =	simm.s32 $0xF800  }
0x58d: {  	[hbm4b:s22+s2] =	stream.indirect_vreg.scatter [tilespmem:s9], [sflag:$0x7], $0x80, v3, vm0, $0xb8;
	[tilespmem:$0x19000] =	vst v63  }
0x58e: {  	v3 =	vld [tilespmem:$0xF10];
	_ =	sdelay $0x4  }
0x58f: {  	v61 =	vshrl.u32 v3, $0x3  }
0x590: {  	v4 =	vmul.u32 $0x30, v61  }
0x591: {  	v3 =	vand.u32 $0x7, v3  }
0x592: {  	v3 =	vor.u32 v3, v4  }
0x593: {  	v4 =	vperm.xlane v3, v0;
	_ =	sdelay $0x1  }
0x594: {  	v4 =	vadd.s32 v1, v4;
	_ =	sdelay $0x3  }
0x595: {  	s3 =	simm.s32 $0x10000;
	v3 =	vperm.xlane v3, v2  }
0x596: {  	[hbm4b:s4+s2] =	stream.indirect_vreg.scatter [tilespmem:s3], [sflag:$0x7], $0x80, v4, vm0, $0xb8;
	[tilespmem:$0x19000] =	vst v63  }
0x597: {  	s5 =	simm.s32 $0x10800;
	v3 =	vadd.s32 v1, v3  }
0x598: {  	[hbm4b:s21+s2] =	stream.indirect_vreg.scatter [tilespmem:s5], [sflag:$0x7], $0x80, v4, vm0, $0xb8;
	[tilespmem:$0x19000] =	vst v63  }
0x599: {  	s6 =	simm.s32 $0x11000  }
0x59a: {  	[hbm4b:s22+s2] =	stream.indirect_vreg.scatter [tilespmem:s6], [sflag:$0x7], $0x80, v4, vm0, $0xb8;
	[tilespmem:$0x19000] =	vst v63  }
0x59b: {  	s7 =	simm.s32 $0x11800  }
0x59c: {  	[hbm4b:s4+s2] =	stream.indirect_vreg.scatter [tilespmem:s7], [sflag:$0x7], $0x80, v3, vm0, $0xb8;
	[tilespmem:$0x19000] =	vst v63  }
0x59d: {  	s8 =	simm.s32 $0x12000  }
0x59e: {  	[hbm4b:s21+s2] =	stream.indirect_vreg.scatter [tilespmem:s8], [sflag:$0x7], $0x80, v3, vm0, $0xb8;
	[tilespmem:$0x19000] =	vst v63  }
0x59f: {  	s9 =	simm.s32 $0x12800  }
0x5a0: {  	[hbm4b:s22+s2] =	stream.indirect_vreg.scatter [tilespmem:s9], [sflag:$0x7], $0x80, v3, vm0, $0xb8;
	[tilespmem:$0x19000] =	vst v63  }
0x5a1: {  	_ =	swait.ge [sflag:s30], $0x6000  }
0x5a2: {  	[sflag:s30] =	ssyncset.done $0x0  }
0x5a3: {  	[sflag:s30] =	ssyncadd.s32 $0xFFFFA000  }
0x5a4: {  	v3 =	vld [tilespmem:$0xF80];
	_ =	sdelay $0x4  }
0x5a5: {  	v62 =	vshrl.u32 v3, $0x3  }
0x5a6: {  	v4 =	vmul.u32 $0x30, v62  }
0x5a7: {  	v3 =	vand.u32 $0x7, v3  }
0x5a8: {  	v3 =	vor.u32 v3, v4  }
0x5a9: {  	v4 =	vperm.xlane v3, v0;
	_ =	sdelay $0x1  }
0x5aa: {  	v4 =	vadd.s32 v1, v4;
	_ =	sdelay $0x3  }
0x5ab: {  	s25 =	simm.s32 $0x13000;
	v3 =	vperm.xlane v3, v2  }
0x5ac: {  	[hbm4b:s4+s2] =	stream.indirect_vreg.scatter [tilespmem:s25], [sflag:$0x8], $0x80, v4, vm0, $0xb8;
	[tilespmem:$0x19000] =	vst v63  }
0x5ad: {  	s17 =	simm.s32 $0x13800;
	v3 =	vadd.s32 v1, v3  }
0x5ae: {  	[hbm4b:s21+s2] =	stream.indirect_vreg.scatter [tilespmem:s17], [sflag:$0x8], $0x80, v4, vm0, $0xb8;
	[tilespmem:$0x19000] =	vst v63  }
0x5af: {  	s18 =	simm.s32 $0x14000  }
0x5b0: {  	[hbm4b:s22+s2] =	stream.indirect_vreg.scatter [tilespmem:s18], [sflag:$0x8], $0x80, v4, vm0, $0xb8;
	[tilespmem:$0x19000] =	vst v63  }
0x5b1: {  	s19 =	simm.s32 $0x14800  }
0x5b2: {  	[hbm4b:s4+s2] =	stream.indirect_vreg.scatter [tilespmem:s19], [sflag:$0x8], $0x80, v3, vm0, $0xb8;
	[tilespmem:$0x19000] =	vst v63  }
0x5b3: {  	s28 =	simm.s32 $0x15000  }
0x5b4: {  	[hbm4b:s21+s2] =	stream.indirect_vreg.scatter [tilespmem:s28], [sflag:$0x8], $0x80, v3, vm0, $0xb8;
	[tilespmem:$0x19000] =	vst v63  }
0x5b5: {  	s12 =	simm.s32 $0x15800  }
0x5b6: {  	[hbm4b:s22+s2] =	stream.indirect_vreg.scatter [tilespmem:s12], [sflag:$0x8], $0x80, v3, vm0, $0xb8;
	[tilespmem:$0x19000] =	vst v63  }
0x5b7: {  	v3 =	vld [tilespmem:$0xF90];
	_ =	sdelay $0x4  }
0x5b8: {  	v63 =	vshrl.u32 v3, $0x3  }
0x5b9: {  	v4 =	vmul.u32 $0x30, v63  }
0x5ba: {  	v3 =	vand.u32 $0x7, v3  }
0x5bb: {  	v3 =	vor.u32 v3, v4  }
0x5bc: {  	v4 =	vperm.xlane v3, v0;
	_ =	sdelay $0x1  }
0x5bd: {  	v4 =	vadd.s32 v1, v4;
	_ =	sdelay $0x3  }
0x5be: {  	s15 =	simm.s32 $0x16000;
	v3 =	vperm.xlane v3, v2  }
0x5bf: {  	[hbm4b:s4+s2] =	stream.indirect_vreg.scatter [tilespmem:s15], [sflag:$0x8], $0x80, v4, vm0, $0xb8;
	[tilespmem:$0x19000] =	vst v63  }
0x5c0: {  	s26 =	simm.s32 $0x16800;
	v3 =	vadd.s32 v1, v3  }
0x5c1: {  	[hbm4b:s21+s2] =	stream.indirect_vreg.scatter [tilespmem:s26], [sflag:$0x8], $0x80, v4, vm0, $0xb8;
	[tilespmem:$0x19000] =	vst v63  }
0x5c2: {  	s28 =	simm.s32 $0x17000  }
0x5c3: {  	[hbm4b:s22+s2] =	stream.indirect_vreg.scatter [tilespmem:s28], [sflag:$0x8], $0x80, v4, vm0, $0xb8;
	[tilespmem:$0x19000] =	vst v63  }
0x5c4: {  	s31 =	simm.s32 $0x17800  }
0x5c5: {  	[hbm4b:s4+s2] =	stream.indirect_vreg.scatter [tilespmem:s31], [sflag:$0x8], $0x80, v3, vm0, $0xb8;
	[tilespmem:$0x19000] =	vst v63  }
0x5c6: {  	s10 =	simm.s32 $0x18000  }
0x5c7: {  	[hbm4b:s21+s2] =	stream.indirect_vreg.scatter [tilespmem:s10], [sflag:$0x8], $0x80, v3, vm0, $0xb8;
	[tilespmem:$0x19000] =	vst v63  }
0x5c8: {  	s16 =	simm.s32 $0x18800  }
0x5c9: {  	[hbm4b:s22+s2] =	stream.indirect_vreg.scatter [tilespmem:s16], [sflag:$0x8], $0x80, v3, vm0, $0xb8;
	[tilespmem:$0x19000] =	vst v63  }
0x5ca: {  	_ =	swait.ge [sflag:s23], $0x6000  }
0x5cb: {  	[sflag:s23] =	ssyncset.done $0x0  }
0x5cc: {  	[sflag:s23] =	ssyncadd.s32 $0xFFFFA000  }
0x5cd: {  	_ =	swait.ge [sflag:s13], $0x6000  }
0x5ce: {  	[sflag:s13] =	ssyncset.done $0x0  }
0x5cf: {  	[sflag:s13] =	ssyncadd.s32 $0xFFFFA000  }
0x5d0: {  	p0 =	sne.s32 s0, $0x1;
	_ =	swait.ge [sflag:s29], $0x6000  }
.Ltmp0:
0x5d1: {  	[sflag:s29] =	ssyncset.done $0x0;
	(pc) =	sbr.rel @p0 .LBB2_1-.Ltmp0, $4  }
0x5d2: {  	[sflag:s29] =	ssyncadd.s32 $0xFFFFA000  }
0x5d3: {  	_ =	swait.ge [sflag:s20], $0x6000  }
0x5d4: {  	[sflag:s20] =	ssyncset.done $0x0  }
0x5d5: {  	s0 =	sadd.s32 $0xFFFFFFFF, s0;
	[sflag:s20] =	ssyncadd.s32 $0xFFFFA000  }
0x5d6: {  	_ =	sfence.sel $0x180000  }
0x5d7: {  	[bflag:$0x0] =	sbarrier.arrive $0xFFFF  }
0x5d8: {  	_ =	strace $0x90000047  }
0x5d9: {  	s0 =	stileid.u32;
	[bflag:$0x2] =	sbarrier.arrive $0xFFFF  }
0x5da: {  	p0 =	sne.s32 s0, $0x0;
	s0 =	rddreg [dreg:$0x3]  }
0x5db: {  	s0 =	sadd.s32 @!p0 $0x100000, s0  }
0x5dc: {  	[sflag:s0] =	ssyncadd.tile.s32 @!p0 $0x1;
	_ =	shalt  }
.Lfunc_end2:
_tile_overlayer_lowered:
.L_overlay_start_2:
0x5dd: {  	(tag) =	ssettag $0x2  }
0x5de: {  	s0 =	rddreg [dreg:$0x0];
	s2 =	stileid.u32  }
0x5df: {  	s1 =	rddreg [dreg:$0x1];
	p0 =	sne.s32 s2, $0x0  }
0x5e0: {  	s3 =	rddreg [dreg:$0x2];
	[bflag:$0x3] =	sbarrier.arrive $0xFFFF;
	s2 =	simm.s32 @!p0 $0x1C09  }
0x5e1: {  	[timem:s3], [sflag:s2] =	dma.local @!p0 [hbm:s0], s1  }
0x5e2: {  	s0 =	simm.s32 @!p0 $0x9  }
0x5e3: {  	_ =	swait.ge @!p0 [sflag:s0], s1  }
0x5e4: {  	s1 =	ssub.s32 @!p0 $0x0, s1;
	[sflag:s0] =	ssyncset.done @!p0 $0x0  }
0x5e5: {  	[sflag:s0] =	ssyncadd.s32 @!p0 s1  }
0x5e6: {  	[bflag:$0x3] =	sbarrier.arrive $0xFFFF  }
0x5e7: {  	_ =	shalt  }

</sc_bundles>
